<compile_context>
chip_gen: v7x
topology: tpu7x:2x2x1
jax: 0.10.2.dev20260603
libtpu: 0.0.44.dev20260713+nightly
codegen_flags: <defaults>
</compile_context>

<pallas_src>
import functools

import jax
import jax.numpy as jnp
from jax import lax
from jax.experimental import pallas as pl
from jax.experimental.pallas import tpu as pltpu
from jax.experimental.pallas import tpu_sc as plsc

N = 10000
E = 320000
D = 128
H = 64
EPS_BN = 1e-5

NC = 2
NS = 16
NW = NC * NS
EPW = E // NW
K = 40
NCH = EPW // K
NG = NCH // 2
NPT = 632
NP = NS * NPT

NODE_BLK = 2000
EDGE_BLK = 6400


def _node_body(h_ref, aw, ab, bw, bb, dw, db, ew, eb,
               bew, beb, bem, bev,
               ah_o, db0_o, db1_o, eh_o, sce_o, she_o):
    x = h_ref[...]
    dn = (((1,), (1,)), ((), ()))
    ah = lax.dot_general(x, aw[...], dn, preferred_element_type=jnp.float32) + ab[...]
    bh = lax.dot_general(x, bw[...], dn, preferred_element_type=jnp.float32) + bb[...]
    dh = lax.dot_general(x, dw[...], dn, preferred_element_type=jnp.float32) + db[...]
    eh = lax.dot_general(x, ew[...], dn, preferred_element_type=jnp.float32) + eb[...]
    ah_o[...] = ah
    db0_o[...] = jnp.concatenate([dh[:, :H], bh[:, :H]], axis=1)
    db1_o[...] = jnp.concatenate([dh[:, H:], bh[:, H:]], axis=1)
    eh_o[...] = eh
    scale = bew[...] / jnp.sqrt(bev[...] + EPS_BN)
    sce_o[...] = scale
    she_o[...] = beb[...] - bem[...] * scale


def _node_tc(h, A_w, A_b, B_w, B_b, D_w, D_b, E_w, E_b,
             bn_e_w, bn_e_b, bn_e_mean, bn_e_var):
    grid = N // NODE_BLK
    row = pl.BlockSpec((NODE_BLK, D), lambda i: (i, 0))
    w = pl.BlockSpec((D, D), lambda i: (0, 0))
    v = pl.BlockSpec((1, D), lambda i: (0, 0))
    f32 = jnp.float32
    out_shape = [
        jax.ShapeDtypeStruct((N, D), f32),
        jax.ShapeDtypeStruct((N, D), f32),
        jax.ShapeDtypeStruct((N, D), f32),
        jax.ShapeDtypeStruct((N, D), f32),
        jax.ShapeDtypeStruct((1, D), f32),
        jax.ShapeDtypeStruct((1, D), f32),
    ]
    return pl.pallas_call(
        _node_body,
        grid=(grid,),
        in_specs=[row] + [w, v] * 4 + [v] * 4,
        out_specs=[row, row, row, row, v, v],
        out_shape=out_shape,
    )(h, A_w, A_b, B_w, B_b, D_w, D_b, E_w, E_b,
      bn_e_w, bn_e_b, bn_e_mean, bn_e_var)


def _ce_body(e_ref, cw, cb, ce0_o, ce1_o):
    dn = (((1,), (1,)), ((), ()))
    ce = lax.dot_general(e_ref[...], cw[...], dn,
                         preferred_element_type=jnp.float32) + cb[...]
    ce0_o[...] = ce[:, :H]
    ce1_o[...] = ce[:, H:]


def _ce_tc(e, C_w, C_b):
    grid = E // EDGE_BLK
    row = pl.BlockSpec((EDGE_BLK, D), lambda i: (i, 0))
    halfrow = pl.BlockSpec((EDGE_BLK, H), lambda i: (i, 0))
    f32 = jnp.float32
    return pl.pallas_call(
        _ce_body,
        grid=(grid,),
        in_specs=[row,
                  pl.BlockSpec((D, D), lambda i: (0, 0)),
                  pl.BlockSpec((1, D), lambda i: (0, 0))],
        out_specs=[halfrow, halfrow],
        out_shape=[jax.ShapeDtypeStruct((E, H), f32),
                   jax.ShapeDtypeStruct((E, H), f32)],
    )(e, C_w, C_b)


def _sc_body(ce0, ce1, src, dst, db0, db1, eh, sce, she, znd,
             eo0, eo1, nd,
             acc, srcv, dstv, dscv, cev, eov, dbv, ehv, scv, ssv, shv,
             semL, semG, semW, semE):
    c = lax.axis_index("c")
    s = lax.axis_index("s")
    wid = s * NC + c
    ebase = wid * EPW

    pltpu.sync_copy(sce.at[0], ssv)
    pltpu.sync_copy(she.at[0], shv)

    for half in range(2):
        dbt = db0 if half == 0 else db1
        cet = ce0 if half == 0 else ce1
        eot = eo0 if half == 0 else eo1
        arows = pl.ds(s * NPT, NPT)

        ss = [ssv[pl.ds(half * H + cc * 16, 16)] for cc in range(H // 16)]
        sh = [shv[pl.ds(half * H + cc * 16, 16)] for cc in range(H // 16)]

        pltpu.sync_copy(znd.at[arows], acc.at[arows])
        plsc.subcore_barrier()

        def L_copies(j, b):
            rows = pl.ds(ebase + j * K, K)
            return [(src.at[rows], srcv[b]), (dst.at[rows], dstv[b]),
                    (cet.at[rows], cev[b])]

        def G_copies(b):
            return [(dbt.at[srcv[b]], dbv[b]), (eh.at[dstv[b]], ehv[b])]

        def eout_copy(j):
            return (eov, eot.at[pl.ds(ebase + j * K, K)])

        def issue(copies, sem, **kw):
            for a, o in copies:
                pltpu.async_copy(a, o, sem, **kw)

        def drain(copies, sem):
            for a, o in copies:
                pltpu.make_async_copy(a, o, sem).wait()

        def compute(b):
            def row(i, _):
                for cc in range(H // 16):
                    lo = pl.ds(cc * 16, 16)
                    hi = pl.ds(H + cc * 16, 16)
                    glob = pl.ds(half * H + cc * 16, 16)
                    eij = cev[b][i, lo] + dbv[b][i, lo] + ehv[b][i, glob]
                    eov[i, lo] = jnp.maximum(eij * ss[cc] + sh[cc], 0.0)
                    sig = 1.0 / (1.0 + jnp.exp(-eij))
                    scv[b][i, lo] = sig * dbv[b][i, hi]
                    scv[b][i, hi] = sig
                return 0

            lax.fori_loop(0, K, row, 0)

        def step(j, b, g, eprev):
            drain(G_copies(b), semG[b])

            @pl.when(g >= 1)
            def _():
                pltpu.make_async_copy(scv[b], acc.at[dscv[b]], semW[b]).wait()

            for o in (0, 16, K - 16):
                dscv[b][pl.ds(o, 16)] = dstv[b][pl.ds(o, 16)]

            if eprev is not None:
                guard, jp = eprev
                if guard:
                    @pl.when(g >= 1)
                    def _():
                        a, o = eout_copy(jp)
                        pltpu.make_async_copy(a, o, semE).wait()
                else:
                    a, o = eout_copy(jp)
                    pltpu.make_async_copy(a, o, semE).wait()

            compute(b)
            a, o = eout_copy(j)
            pltpu.async_copy(a, o, semE)
            pltpu.async_copy(scv[b], acc.at[dscv[b]], semW[b], add=True)

            @pl.when(g < NG - 1)
            def _():
                issue(L_copies(j + 2, b), semL[b])

        issue(L_copies(0, 0), semL[0])
        issue(L_copies(1, 1), semL[1])
        drain(L_copies(0, 0), semL[0])
        issue(G_copies(0), semG[0])

        def outer(g, _):
            j0 = 2 * g
            drain(L_copies(j0 + 1, 1), semL[1])
            issue(G_copies(1), semG[1])
            step(j0, 0, g, (True, j0 - 1))
            @pl.when(g < NG - 1)
            def _():
                drain(L_copies(j0 + 2, 0), semL[0])
                issue(G_copies(0), semG[0])
            step(j0 + 1, 1, g, (False, j0))
            return 0

        lax.fori_loop(0, NG, outer, 0)

        a, o = eout_copy(NCH - 1)
        pltpu.make_async_copy(a, o, semE).wait()
        for b in (0, 1):
            pltpu.make_async_copy(scv[b], acc.at[dscv[b]], semW[b]).wait()

        plsc.subcore_barrier()
        pltpu.sync_copy(acc.at[arows], nd.at[c, half, arows])


def _sc_messages(ce0, ce1, src, dst, db0, db1, eh, sce, she):
    f32 = jnp.float32
    i32 = jnp.int32
    znd = jnp.zeros((NP, D), f32)
    mesh = plsc.VectorSubcoreMesh(core_axis_name="c", subcore_axis_name="s",
                                  num_cores=NC, num_subcores=NS)
    two = lambda t: [t, t]
    fn = pl.kernel(
        _sc_body,
        out_type=[
            jax.ShapeDtypeStruct((E, H), f32),
            jax.ShapeDtypeStruct((E, H), f32),
            jax.ShapeDtypeStruct((NC, 2, NP, D), f32),
        ],
        mesh=mesh,
        scratch_types=[
            pltpu.VMEM_SHARED((NP, D), f32),
            two(pltpu.VMEM((K,), i32)),
            two(pltpu.VMEM((K,), i32)),
            two(pltpu.VMEM((K,), i32)),
            two(pltpu.VMEM((K, H), f32)),
            pltpu.VMEM((K, H), f32),
            two(pltpu.VMEM((K, D), f32)),
            two(pltpu.VMEM((K, D), f32)),
            two(pltpu.VMEM((K, D), f32)),
            pltpu.VMEM((D,), f32),
            pltpu.VMEM((D,), f32),
            two(pltpu.SemaphoreType.DMA),
            two(pltpu.SemaphoreType.DMA),
            two(pltpu.SemaphoreType.DMA),
            pltpu.SemaphoreType.DMA,
        ],
    )
    return fn(ce0, ce1, src, dst, db0, db1, eh, sce, she, znd)


def _combine_body(ah, nd, bhw, bhb, bhm, bhv, ho):
    num = jnp.concatenate(
        [nd[0, 0, :, :H] + nd[1, 0, :, :H],
         nd[0, 1, :, :H] + nd[1, 1, :, :H]], axis=1)
    den = jnp.concatenate(
        [nd[0, 0, :, H:] + nd[1, 0, :, H:],
         nd[0, 1, :, H:] + nd[1, 1, :, H:]], axis=1)
    h_new = ah[...] + num / (den + 1e-6)
    scale = bhw[...] / jnp.sqrt(bhv[...] + EPS_BN)
    ho[...] = jnp.maximum(scale * (h_new - bhm[...]) + bhb[...], 0.0)


def _combine_tc(ah, nd, bn_h_w, bn_h_b, bn_h_mean, bn_h_var):
    grid = N // NODE_BLK
    row = pl.BlockSpec((NODE_BLK, D), lambda i: (i, 0))
    v = pl.BlockSpec((1, D), lambda i: (0, 0))
    return pl.pallas_call(
        _combine_body,
        grid=(grid,),
        in_specs=[row,
                  pl.BlockSpec((NC, 2, NODE_BLK, D), lambda i: (0, 0, i, 0)),
                  v, v, v, v],
        out_specs=row,
        out_shape=jax.ShapeDtypeStruct((N, D), jnp.float32),
    )(ah, nd, bn_h_w, bn_h_b, bn_h_mean, bn_h_var)


def kernel(h, e, edge_index, A_w, A_b, B_w, B_b, C_w, C_b, D_w, D_b, E_w, E_b,
           bn_h_w, bn_h_b, bn_h_mean, bn_h_var,
           bn_e_w, bn_e_b, bn_e_mean, bn_e_var):
    r = lambda x: x.reshape(1, D)
    ah, db0, db1, eh, sce, she = _node_tc(
        h, A_w, r(A_b), B_w, r(B_b), D_w, r(D_b), E_w, r(E_b),
        r(bn_e_w), r(bn_e_b), r(bn_e_mean), r(bn_e_var))
    ce0, ce1 = _ce_tc(e, C_w, r(C_b))
    src = edge_index[0]
    dst = edge_index[1]
    eo0, eo1, nd = _sc_messages(ce0, ce1, src, dst, db0, db1, eh, sce, she)
    h_out = _combine_tc(ah, nd, r(bn_h_w), r(bn_h_b),
                        r(bn_h_mean), r(bn_h_var))
    e_out = jnp.concatenate([eo0, eo1], axis=1)
    return (h_out, e_out)

# --- scband reference (transcript-rebuilt; emitter-appended) ---
"""Pipeline reference for scband-gated-gcnlayer-46986942218355 (READ-ONLY COPY).

The authoritative reference and input builder live on the scoring server;
editing this copy changes nothing except your own understanding.
"""

import jax, jax.numpy as jnp
import numpy as np

N = 10000
E = 320000
D = 128
EPS_BN = 1e-5


def _lin_params(key, d_out, d_in):
    kw, kb = jax.random.split(key)
    w = jax.random.normal(kw, (d_out, d_in), jnp.float32) * 0.05
    b = jax.random.normal(kb, (d_out,), jnp.float32) * 0.05
    return w, b


def setup_inputs(seed: int = 0) -> dict:
    key = jax.random.key(seed)
    ks = jax.random.split(key, 10)
    h = jax.random.normal(ks[0], (N, D), jnp.float32)
    e = jax.random.normal(ks[1], (E, D), jnp.float32)
    edge_index = jax.random.randint(ks[2], (2, E), 0, N, dtype=jnp.int32)
    A_w, A_b = _lin_params(ks[3], D, D)
    B_w, B_b = _lin_params(ks[4], D, D)
    C_w, C_b = _lin_params(ks[5], D, D)
    D_w, D_b = _lin_params(ks[6], D, D)
    E_w, E_b = _lin_params(ks[7], D, D)
    bn_h_w = jnp.ones((D,), jnp.float32)
    bn_h_b = jnp.zeros((D,), jnp.float32)
    bn_h_mean = jnp.zeros((D,), jnp.float32)
    bn_h_var = jnp.ones((D,), jnp.float32)
    bn_e_w = jnp.ones((D,), jnp.float32)
    bn_e_b = jnp.zeros((D,), jnp.float32)
    bn_e_mean = jnp.zeros((D,), jnp.float32)
    bn_e_var = jnp.ones((D,), jnp.float32)
    return {
        'h': h, 'e': e, 'edge_index': edge_index,
        'A_w': A_w, 'A_b': A_b, 'B_w': B_w, 'B_b': B_b,
        'C_w': C_w, 'C_b': C_b, 'D_w': D_w, 'D_b': D_b,
        'E_w': E_w, 'E_b': E_b,
        'bn_h_w': bn_h_w, 'bn_h_b': bn_h_b, 'bn_h_mean': bn_h_mean, 'bn_h_var': bn_h_var,
        'bn_e_w': bn_e_w, 'bn_e_b': bn_e_b, 'bn_e_mean': bn_e_mean, 'bn_e_var': bn_e_var,
    }


def reference(h, e, edge_index, A_w, A_b, B_w, B_b, C_w, C_b, D_w, D_b, E_w, E_b,
              bn_h_w, bn_h_b, bn_h_mean, bn_h_var, bn_e_w, bn_e_b, bn_e_mean, bn_e_var):
    src = edge_index[0]
    dst = edge_index[1]
    Ah = h @ A_w.T + A_b
    Bh = h @ B_w.T + B_b
    Dh = h @ D_w.T + D_b
    Eh = h @ E_w.T + E_b
    Ce = e @ C_w.T + C_b
    # message: e_ij = Ce + Dh[src] + Eh[dst]
    e_ij = Ce + jnp.take(Dh, src, axis=0) + jnp.take(Eh, dst, axis=0)
    sigma_ij = jax.nn.sigmoid(e_ij)
    Bh_j = jnp.take(Bh, src, axis=0)
    num = jax.ops.segment_sum(sigma_ij * Bh_j, dst, num_segments=N)
    den = jax.ops.segment_sum(sigma_ij, dst, num_segments=N)
    h_new = Ah + num / (den + 1e-06)
    h_out = bn_h_w * (h_new - bn_h_mean) / jnp.sqrt(bn_h_var + EPS_BN) + bn_h_b
    e_out = bn_e_w * (e_ij - bn_e_mean) / jnp.sqrt(bn_e_var + EPS_BN) + bn_e_b
    h_out = jax.nn.relu(h_out)
    e_out = jax.nn.relu(e_out)
    return (h_out, e_out)

if __name__ == "__main__":
    import jax
    _d = setup_inputs()
    print(jax.jit(kernel)(*tuple(_d.values())))

</pallas_src>

<mosaic_0001>
#map = affine_map<(d0, d1) -> (0, 0)>
#map1 = affine_map<(d0, d1) -> (0)>
#map2 = affine_map<(d0, d1) -> (0, 0, 0, 0)>
module attributes {stable_mosaic.version = 14 : i64} {
  func.func @_sc_body(%arg0: i32, %arg1: i32, %arg2: memref<320000x64xf32, #tpu.memory_space<hbm>>, %arg3: memref<320000x64xf32, #tpu.memory_space<hbm>>, %arg4: memref<320000xi32, #tpu.memory_space<hbm>>, %arg5: memref<320000xi32, #tpu.memory_space<hbm>>, %arg6: memref<10000x128xf32, #tpu.memory_space<hbm>>, %arg7: memref<10000x128xf32, #tpu.memory_space<hbm>>, %arg8: memref<10000x128xf32, #tpu.memory_space<hbm>>, %arg9: memref<1x128xf32, #tpu.memory_space<hbm>>, %arg10: memref<1x128xf32, #tpu.memory_space<hbm>>, %arg11: memref<10112x128xf32, #tpu.memory_space<hbm>>, %arg12: memref<320000x64xf32, #tpu.memory_space<hbm>>, %arg13: memref<320000x64xf32, #tpu.memory_space<hbm>>, %arg14: memref<2x2x10112x128xf32, #tpu.memory_space<hbm>>, %arg15: memref<10112x128xf32, #tpu.memory_space<vmem_shared>>, %arg16: memref<40xi32, #tpu.memory_space<vmem>>, %arg17: memref<40xi32, #tpu.memory_space<vmem>>, %arg18: memref<40xi32, #tpu.memory_space<vmem>>, %arg19: memref<40xi32, #tpu.memory_space<vmem>>, %arg20: memref<40xi32, #tpu.memory_space<vmem>>, %arg21: memref<40xi32, #tpu.memory_space<vmem>>, %arg22: memref<40x64xf32, #tpu.memory_space<vmem>>, %arg23: memref<40x64xf32, #tpu.memory_space<vmem>>, %arg24: memref<40x64xf32, #tpu.memory_space<vmem>>, %arg25: memref<40x128xf32, #tpu.memory_space<vmem>>, %arg26: memref<40x128xf32, #tpu.memory_space<vmem>>, %arg27: memref<40x128xf32, #tpu.memory_space<vmem>>, %arg28: memref<40x128xf32, #tpu.memory_space<vmem>>, %arg29: memref<40x128xf32, #tpu.memory_space<vmem>>, %arg30: memref<40x128xf32, #tpu.memory_space<vmem>>, %arg31: memref<128xf32, #tpu.memory_space<vmem>>, %arg32: memref<128xf32, #tpu.memory_space<vmem>>, %arg33: memref<!tpu.dma_semaphore, #tpu.memory_space<semaphore_mem>>, %arg34: memref<!tpu.dma_semaphore, #tpu.memory_space<semaphore_mem>>, %arg35: memref<!tpu.dma_semaphore, #tpu.memory_space<semaphore_mem>>, %arg36: memref<!tpu.dma_semaphore, #tpu.memory_space<semaphore_mem>>, %arg37: memref<!tpu.dma_semaphore, #tpu.memory_space<semaphore_mem>>, %arg38: memref<!tpu.dma_semaphore, #tpu.memory_space<semaphore_mem>>, %arg39: memref<!tpu.dma_semaphore, #tpu.memory_space<semaphore_mem>>) attributes {dimension_semantics = [#tpu.dimension_semantics<core_parallel>, #tpu.dimension_semantics<subcore_parallel>], iteration_bounds = array<i64: 2, 16>, scalar_prefetch = 0 : i64, scratch_operands = 25 : i64, tpu.core_type = #tpu.core_type<sc_vector_subcore>, window_params = [{transform_indices = #map}, {transform_indices = #map}, {transform_indices = #map1}, {transform_indices = #map1}, {transform_indices = #map}, {transform_indices = #map}, {transform_indices = #map}, {transform_indices = #map}, {transform_indices = #map}, {transform_indices = #map}, {transform_indices = #map}, {transform_indices = #map}, {transform_indices = #map2}]} {
    %mul3A = arith.constant 2 : i32
    %mul3A_0 = arith.muli %arg1, %mul3A : i32
    %add3A = arith.addi %mul3A_0, %arg0 : i32
    %mul3A_1 = arith.constant 10000 : i32
    %mul3A_2 = arith.muli %add3A, %mul3A_1 : i32
    %run_scoped3A = arith.constant 0 : i32
    "tpu.region"() ({
      %run_scoped3A_167 = tpu.sem_alloc : memref<!tpu.dma_semaphore, #tpu.memory_space<semaphore_mem>>
      %dma_start3A_168 = arith.constant 0 : i32
      %dma_start3A_169 = tpu.memref_slice %arg9[%run_scoped3A, %dma_start3A_168] : memref<1x128xf32, #tpu.memory_space<hbm>> -> memref<1x128xf32, #tpu.memory_space<hbm>>
      %dma_start3A_170 = tpu.memref_squeeze %dma_start3A_169 : memref<1x128xf32, #tpu.memory_space<hbm>> -> memref<128xf32, #tpu.memory_space<hbm>>
      %dma_start3A_171 = arith.constant 0 : i32
      %dma_start3A_172 = tpu.memref_slice %arg9[%run_scoped3A, %dma_start3A_171] : memref<1x128xf32, #tpu.memory_space<hbm>> -> memref<1x128xf32, #tpu.memory_space<hbm>>
      %dma_start3A_173 = tpu.memref_squeeze %dma_start3A_172 : memref<1x128xf32, #tpu.memory_space<hbm>> -> memref<128xf32, #tpu.memory_space<hbm>>
      tpu.enqueue_dma source(%dma_start3A_173 : memref<128xf32, #tpu.memory_space<hbm>>) target(%arg31 : memref<128xf32, #tpu.memory_space<vmem>>) target_semaphore(%run_scoped3A_167 : memref<!tpu.dma_semaphore, #tpu.memory_space<semaphore_mem>>)
      %dma_wait3A_174 = arith.constant 0 : i32
      %dma_wait3A_175 = tpu.memref_slice %arg9[%run_scoped3A, %dma_wait3A_174] : memref<1x128xf32, #tpu.memory_space<hbm>> -> memref<1x128xf32, #tpu.memory_space<hbm>>
      %dma_wait3A_176 = tpu.memref_squeeze %dma_wait3A_175 : memref<1x128xf32, #tpu.memory_space<hbm>> -> memref<128xf32, #tpu.memory_space<hbm>>
      %dma_wait3A_177 = arith.constant 0 : i32
      %dma_wait3A_178 = tpu.memref_slice %arg9[%run_scoped3A, %dma_wait3A_177] : memref<1x128xf32, #tpu.memory_space<hbm>> -> memref<1x128xf32, #tpu.memory_space<hbm>>
      %dma_wait3A_179 = tpu.memref_squeeze %dma_wait3A_178 : memref<1x128xf32, #tpu.memory_space<hbm>> -> memref<128xf32, #tpu.memory_space<hbm>>
      tpu.wait_dma2 semaphore(%run_scoped3A_167 : memref<!tpu.dma_semaphore, #tpu.memory_space<semaphore_mem>>) src(%dma_wait3A_179 : memref<128xf32, #tpu.memory_space<hbm>>) dst(%arg31 : memref<128xf32, #tpu.memory_space<vmem>>)
      tpu.yield
    }) : () -> ()
    %run_scoped3A_3 = arith.constant 0 : i32
    "tpu.region"() ({
      %run_scoped3A_167 = tpu.sem_alloc : memref<!tpu.dma_semaphore, #tpu.memory_space<semaphore_mem>>
      %dma_start3A_168 = arith.constant 0 : i32
      %dma_start3A_169 = tpu.memref_slice %arg10[%run_scoped3A_3, %dma_start3A_168] : memref<1x128xf32, #tpu.memory_space<hbm>> -> memref<1x128xf32, #tpu.memory_space<hbm>>
      %dma_start3A_170 = tpu.memref_squeeze %dma_start3A_169 : memref<1x128xf32, #tpu.memory_space<hbm>> -> memref<128xf32, #tpu.memory_space<hbm>>
      %dma_start3A_171 = arith.constant 0 : i32
      %dma_start3A_172 = tpu.memref_slice %arg10[%run_scoped3A_3, %dma_start3A_171] : memref<1x128xf32, #tpu.memory_space<hbm>> -> memref<1x128xf32, #tpu.memory_space<hbm>>
      %dma_start3A_173 = tpu.memref_squeeze %dma_start3A_172 : memref<1x128xf32, #tpu.memory_space<hbm>> -> memref<128xf32, #tpu.memory_space<hbm>>
      tpu.enqueue_dma source(%dma_start3A_173 : memref<128xf32, #tpu.memory_space<hbm>>) target(%arg32 : memref<128xf32, #tpu.memory_space<vmem>>) target_semaphore(%run_scoped3A_167 : memref<!tpu.dma_semaphore, #tpu.memory_space<semaphore_mem>>)
      %dma_wait3A_174 = arith.constant 0 : i32
      %dma_wait3A_175 = tpu.memref_slice %arg10[%run_scoped3A_3, %dma_wait3A_174] : memref<1x128xf32, #tpu.memory_space<hbm>> -> memref<1x128xf32, #tpu.memory_space<hbm>>
      %dma_wait3A_176 = tpu.memref_squeeze %dma_wait3A_175 : memref<1x128xf32, #tpu.memory_space<hbm>> -> memref<128xf32, #tpu.memory_space<hbm>>
      %dma_wait3A_177 = arith.constant 0 : i32
      %dma_wait3A_178 = tpu.memref_slice %arg10[%run_scoped3A_3, %dma_wait3A_177] : memref<1x128xf32, #tpu.memory_space<hbm>> -> memref<1x128xf32, #tpu.memory_space<hbm>>
      %dma_wait3A_179 = tpu.memref_squeeze %dma_wait3A_178 : memref<1x128xf32, #tpu.memory_space<hbm>> -> memref<128xf32, #tpu.memory_space<hbm>>
      tpu.wait_dma2 semaphore(%run_scoped3A_167 : memref<!tpu.dma_semaphore, #tpu.memory_space<semaphore_mem>>) src(%dma_wait3A_179 : memref<128xf32, #tpu.memory_space<hbm>>) dst(%arg32 : memref<128xf32, #tpu.memory_space<vmem>>)
      tpu.yield
    }) : () -> ()
    %mul3A_4 = arith.constant 632 : i32
    %mul3A_5 = arith.muli %arg1, %mul3A_4 : i32
    %get3A = arith.constant 0 : index
    %get3A_6 = tpu.vector_load %arg31[%get3A] {strides = array<i32>} : memref<128xf32, #tpu.memory_space<vmem>>, vector<16xf32>,
    %get3A_7 = vector.shape_cast %get3A_6 : vector<16xf32> to vector<16xf32>
    %get3A_8 = arith.constant 16 : index
    %get3A_9 = tpu.vector_load %arg31[%get3A_8] {strides = array<i32>} : memref<128xf32, #tpu.memory_space<vmem>>, vector<16xf32>,
    %get3A_10 = vector.shape_cast %get3A_9 : vector<16xf32> to vector<16xf32>
    %get3A_11 = arith.constant 32 : index
    %get3A_12 = tpu.vector_load %arg31[%get3A_11] {strides = array<i32>} : memref<128xf32, #tpu.memory_space<vmem>>, vector<16xf32>,
    %get3A_13 = vector.shape_cast %get3A_12 : vector<16xf32> to vector<16xf32>
    %get3A_14 = arith.constant 48 : index
    %get3A_15 = tpu.vector_load %arg31[%get3A_14] {strides = array<i32>} : memref<128xf32, #tpu.memory_space<vmem>>, vector<16xf32>,
    %get3A_16 = vector.shape_cast %get3A_15 : vector<16xf32> to vector<16xf32>
    %get3A_17 = arith.constant 0 : index
    %get3A_18 = tpu.vector_load %arg32[%get3A_17] {strides = array<i32>} : memref<128xf32, #tpu.memory_space<vmem>>, vector<16xf32>,
    %get3A_19 = vector.shape_cast %get3A_18 : vector<16xf32> to vector<16xf32>
    %get3A_20 = arith.constant 16 : index
    %get3A_21 = tpu.vector_load %arg32[%get3A_20] {strides = array<i32>} : memref<128xf32, #tpu.memory_space<vmem>>, vector<16xf32>,
    %get3A_22 = vector.shape_cast %get3A_21 : vector<16xf32> to vector<16xf32>
    %get3A_23 = arith.constant 32 : index
    %get3A_24 = tpu.vector_load %arg32[%get3A_23] {strides = array<i32>} : memref<128xf32, #tpu.memory_space<vmem>>, vector<16xf32>,
    %get3A_25 = vector.shape_cast %get3A_24 : vector<16xf32> to vector<16xf32>
    %get3A_26 = arith.constant 48 : index
    %get3A_27 = tpu.vector_load %arg32[%get3A_26] {strides = array<i32>} : memref<128xf32, #tpu.memory_space<vmem>>, vector<16xf32>,
    %get3A_28 = vector.shape_cast %get3A_27 : vector<16xf32> to vector<16xf32>
    "tpu.region"() ({
      %run_scoped3A_167 = tpu.sem_alloc : memref<!tpu.dma_semaphore, #tpu.memory_space<semaphore_mem>>
      %dma_start3A_168 = arith.constant 0 : i32
      %dma_start3A_169 = tpu.memref_slice %arg15[%mul3A_5, %dma_start3A_168] : memref<10112x128xf32, #tpu.memory_space<vmem_shared>> -> memref<632x128xf32, #tpu.memory_space<vmem_shared>>
      %dma_start3A_170 = arith.constant 0 : i32
      %dma_start3A_171 = tpu.memref_slice %arg11[%mul3A_5, %dma_start3A_170] : memref<10112x128xf32, #tpu.memory_space<hbm>> -> memref<632x128xf32, #tpu.memory_space<hbm>>
      tpu.enqueue_dma source(%dma_start3A_171 : memref<632x128xf32, #tpu.memory_space<hbm>>) target(%dma_start3A_169 : memref<632x128xf32, #tpu.memory_space<vmem_shared>>) target_semaphore(%run_scoped3A_167 : memref<!tpu.dma_semaphore, #tpu.memory_space<semaphore_mem>>)
      %dma_wait3A_172 = arith.constant 0 : i32
      %dma_wait3A_173 = tpu.memref_slice %arg15[%mul3A_5, %dma_wait3A_172] : memref<10112x128xf32, #tpu.memory_space<vmem_shared>> -> memref<632x128xf32, #tpu.memory_space<vmem_shared>>
      %dma_wait3A_174 = arith.constant 0 : i32
      %dma_wait3A_175 = tpu.memref_slice %arg11[%mul3A_5, %dma_wait3A_174] : memref<10112x128xf32, #tpu.memory_space<hbm>> -> memref<632x128xf32, #tpu.memory_space<hbm>>
      tpu.wait_dma2 semaphore(%run_scoped3A_167 : memref<!tpu.dma_semaphore, #tpu.memory_space<semaphore_mem>>) src(%dma_wait3A_175 : memref<632x128xf32, #tpu.memory_space<hbm>>) dst(%dma_wait3A_173 : memref<632x128xf32, #tpu.memory_space<vmem_shared>>)
      tpu.yield
    }) : () -> ()
    %barrier3A = arith.constant 0 : index
    tpu.barrier barrier_id(%barrier3A)
    %add3A_29 = arith.constant 0 : i32
    %add3A_30 = arith.addi %mul3A_2, %add3A_29 : i32
    %dma_start3A = tpu.memref_slice %arg4[%add3A_30] : memref<320000xi32, #tpu.memory_space<hbm>> -> memref<40xi32, #tpu.memory_space<hbm>>
    %dma_start3A_31 = tpu.memref_slice %arg4[%add3A_30] : memref<320000xi32, #tpu.memory_space<hbm>> -> memref<40xi32, #tpu.memory_space<hbm>>
    tpu.enqueue_dma source(%dma_start3A_31 : memref<40xi32, #tpu.memory_space<hbm>>) target(%arg16 : memref<40xi32, #tpu.memory_space<vmem>>) target_semaphore(%arg33 : memref<!tpu.dma_semaphore, #tpu.memory_space<semaphore_mem>>)
    %dma_start3A_32 = tpu.memref_slice %arg5[%add3A_30] : memref<320000xi32, #tpu.memory_space<hbm>> -> memref<40xi32, #tpu.memory_space<hbm>>
    %dma_start3A_33 = tpu.memref_slice %arg5[%add3A_30] : memref<320000xi32, #tpu.memory_space<hbm>> -> memref<40xi32, #tpu.memory_space<hbm>>
    tpu.enqueue_dma source(%dma_start3A_33 : memref<40xi32, #tpu.memory_space<hbm>>) target(%arg18 : memref<40xi32, #tpu.memory_space<vmem>>) target_semaphore(%arg33 : memref<!tpu.dma_semaphore, #tpu.memory_space<semaphore_mem>>)
    %dma_start3A_34 = arith.constant 0 : i32
    %dma_start3A_35 = tpu.memref_slice %arg2[%add3A_30, %dma_start3A_34] : memref<320000x64xf32, #tpu.memory_space<hbm>> -> memref<40x64xf32, #tpu.memory_space<hbm>>
    %dma_start3A_36 = arith.constant 0 : i32
    %dma_start3A_37 = tpu.memref_slice %arg2[%add3A_30, %dma_start3A_36] : memref<320000x64xf32, #tpu.memory_space<hbm>> -> memref<40x64xf32, #tpu.memory_space<hbm>>
    tpu.enqueue_dma source(%dma_start3A_37 : memref<40x64xf32, #tpu.memory_space<hbm>>) target(%arg22 : memref<40x64xf32, #tpu.memory_space<vmem>>) target_semaphore(%arg33 : memref<!tpu.dma_semaphore, #tpu.memory_space<semaphore_mem>>)
    %add3A_38 = arith.constant 40 : i32
    %add3A_39 = arith.addi %mul3A_2, %add3A_38 : i32
    %dma_start3A_40 = tpu.memref_slice %arg4[%add3A_39] : memref<320000xi32, #tpu.memory_space<hbm>> -> memref<40xi32, #tpu.memory_space<hbm>>
    %dma_start3A_41 = tpu.memref_slice %arg4[%add3A_39] : memref<320000xi32, #tpu.memory_space<hbm>> -> memref<40xi32, #tpu.memory_space<hbm>>
    tpu.enqueue_dma source(%dma_start3A_41 : memref<40xi32, #tpu.memory_space<hbm>>) target(%arg17 : memref<40xi32, #tpu.memory_space<vmem>>) target_semaphore(%arg34 : memref<!tpu.dma_semaphore, #tpu.memory_space<semaphore_mem>>)
    %dma_start3A_42 = tpu.memref_slice %arg5[%add3A_39] : memref<320000xi32, #tpu.memory_space<hbm>> -> memref<40xi32, #tpu.memory_space<hbm>>
    %dma_start3A_43 = tpu.memref_slice %arg5[%add3A_39] : memref<320000xi32, #tpu.memory_space<hbm>> -> memref<40xi32, #tpu.memory_space<hbm>>
    tpu.enqueue_dma source(%dma_start3A_43 : memref<40xi32, #tpu.memory_space<hbm>>) target(%arg19 : memref<40xi32, #tpu.memory_space<vmem>>) target_semaphore(%arg34 : memref<!tpu.dma_semaphore, #tpu.memory_space<semaphore_mem>>)
    %dma_start3A_44 = arith.constant 0 : i32
    %dma_start3A_45 = tpu.memref_slice %arg2[%add3A_39, %dma_start3A_44] : memref<320000x64xf32, #tpu.memory_space<hbm>> -> memref<40x64xf32, #tpu.memory_space<hbm>>
    %dma_start3A_46 = arith.constant 0 : i32
    %dma_start3A_47 = tpu.memref_slice %arg2[%add3A_39, %dma_start3A_46] : memref<320000x64xf32, #tpu.memory_space<hbm>> -> memref<40x64xf32, #tpu.memory_space<hbm>>
    tpu.enqueue_dma source(%dma_start3A_47 : memref<40x64xf32, #tpu.memory_space<hbm>>) target(%arg23 : memref<40x64xf32, #tpu.memory_space<vmem>>) target_semaphore(%arg34 : memref<!tpu.dma_semaphore, #tpu.memory_space<semaphore_mem>>)
    %add3A_48 = arith.constant 0 : i32
    %add3A_49 = arith.addi %mul3A_2, %add3A_48 : i32
    %dma_wait3A = tpu.memref_slice %arg4[%add3A_49] : memref<320000xi32, #tpu.memory_space<hbm>> -> memref<40xi32, #tpu.memory_space<hbm>>
    %dma_wait3A_50 = tpu.memref_slice %arg4[%add3A_49] : memref<320000xi32, #tpu.memory_space<hbm>> -> memref<40xi32, #tpu.memory_space<hbm>>
    tpu.wait_dma2 semaphore(%arg33 : memref<!tpu.dma_semaphore, #tpu.memory_space<semaphore_mem>>) src(%dma_wait3A_50 : memref<40xi32, #tpu.memory_space<hbm>>) dst(%arg16 : memref<40xi32, #tpu.memory_space<vmem>>)
    %dma_wait3A_51 = tpu.memref_slice %arg5[%add3A_49] : memref<320000xi32, #tpu.memory_space<hbm>> -> memref<40xi32, #tpu.memory_space<hbm>>
    %dma_wait3A_52 = tpu.memref_slice %arg5[%add3A_49] : memref<320000xi32, #tpu.memory_space<hbm>> -> memref<40xi32, #tpu.memory_space<hbm>>
    tpu.wait_dma2 semaphore(%arg33 : memref<!tpu.dma_semaphore, #tpu.memory_space<semaphore_mem>>) src(%dma_wait3A_52 : memref<40xi32, #tpu.memory_space<hbm>>) dst(%arg18 : memref<40xi32, #tpu.memory_space<vmem>>)
    %dma_wait3A_53 = arith.constant 0 : i32
    %dma_wait3A_54 = tpu.memref_slice %arg2[%add3A_49, %dma_wait3A_53] : memref<320000x64xf32, #tpu.memory_space<hbm>> -> memref<40x64xf32, #tpu.memory_space<hbm>>
    %dma_wait3A_55 = arith.constant 0 : i32
    %dma_wait3A_56 = tpu.memref_slice %arg2[%add3A_49, %dma_wait3A_55] : memref<320000x64xf32, #tpu.memory_space<hbm>> -> memref<40x64xf32, #tpu.memory_space<hbm>>
    tpu.wait_dma2 semaphore(%arg33 : memref<!tpu.dma_semaphore, #tpu.memory_space<semaphore_mem>>) src(%dma_wait3A_56 : memref<40x64xf32, #tpu.memory_space<hbm>>) dst(%arg22 : memref<40x64xf32, #tpu.memory_space<vmem>>)
    %dma_start3A_57 = arith.constant 0 : i32
    %dma_start3A_58 = arith.constant 0 : i32
    %dma_start3A_59 = tpu.memref_slice %arg6[%dma_start3A_57, %dma_start3A_58] : memref<10000x128xf32, #tpu.memory_space<hbm>> -> memref<10000x128xf32, #tpu.memory_space<hbm>>
    tpu.enqueue_indirect_dma source(%dma_start3A_59 : memref<10000x128xf32, #tpu.memory_space<hbm>>) target(%arg25 : memref<40x128xf32, #tpu.memory_space<vmem>>) offsets(%arg16 : memref<40xi32, #tpu.memory_space<vmem>>) semaphore(%arg35 : memref<!tpu.dma_semaphore, #tpu.memory_space<semaphore_mem>>)
    %dma_start3A_60 = arith.constant 0 : i32
    %dma_start3A_61 = arith.constant 0 : i32
    %dma_start3A_62 = tpu.memref_slice %arg8[%dma_start3A_60, %dma_start3A_61] : memref<10000x128xf32, #tpu.memory_space<hbm>> -> memref<10000x128xf32, #tpu.memory_space<hbm>>
    tpu.enqueue_indirect_dma source(%dma_start3A_62 : memref<10000x128xf32, #tpu.memory_space<hbm>>) target(%arg27 : memref<40x128xf32, #tpu.memory_space<vmem>>) offsets(%arg18 : memref<40xi32, #tpu.memory_space<vmem>>) semaphore(%arg35 : memref<!tpu.dma_semaphore, #tpu.memory_space<semaphore_mem>>)
    %scan3A = arith.constant 0 : i32
    %scan3A_63 = arith.constant 0 : i32
    %scan3A_64 = arith.constant 125 : i32
    %scan3A_65 = arith.addi %scan3A_63, %scan3A_64 : i32
    %scan3A_66 = arith.constant 1 : i32
    %scan3A_67 = scf.for %scan3A_167 = %scan3A_63 to %scan3A_65 step %scan3A_66 iter_args(%scan3A_168 = %scan3A) -> (i32)  : i32 {
      %mul3A_169 = arith.constant 2 : i32
      %mul3A_170 = arith.muli %mul3A_169, %scan3A_167 : i32
      %add3A_171 = arith.constant 1 : i32
      %add3A_172 = arith.addi %mul3A_170, %add3A_171 : i32
      %mul3A_173 = arith.constant 40 : i32
      %mul3A_174 = arith.muli %add3A_172, %mul3A_173 : i32
      %add3A_175 = arith.addi %mul3A_2, %mul3A_174 : i32
      %dma_wait3A_176 = tpu.memref_slice %arg4[%add3A_175] : memref<320000xi32, #tpu.memory_space<hbm>> -> memref<40xi32, #tpu.memory_space<hbm>>
      %dma_wait3A_177 = tpu.memref_slice %arg4[%add3A_175] : memref<320000xi32, #tpu.memory_space<hbm>> -> memref<40xi32, #tpu.memory_space<hbm>>
      tpu.wait_dma2 semaphore(%arg34 : memref<!tpu.dma_semaphore, #tpu.memory_space<semaphore_mem>>) src(%dma_wait3A_177 : memref<40xi32, #tpu.memory_space<hbm>>) dst(%arg17 : memref<40xi32, #tpu.memory_space<vmem>>)
      %dma_wait3A_178 = tpu.memref_slice %arg5[%add3A_175] : memref<320000xi32, #tpu.memory_space<hbm>> -> memref<40xi32, #tpu.memory_space<hbm>>
      %dma_wait3A_179 = tpu.memref_slice %arg5[%add3A_175] : memref<320000xi32, #tpu.memory_space<hbm>> -> memref<40xi32, #tpu.memory_space<hbm>>
      tpu.wait_dma2 semaphore(%arg34 : memref<!tpu.dma_semaphore, #tpu.memory_space<semaphore_mem>>) src(%dma_wait3A_179 : memref<40xi32, #tpu.memory_space<hbm>>) dst(%arg19 : memref<40xi32, #tpu.memory_space<vmem>>)
      %dma_wait3A_180 = arith.constant 0 : i32
      %dma_wait3A_181 = tpu.memref_slice %arg2[%add3A_175, %dma_wait3A_180] : memref<320000x64xf32, #tpu.memory_space<hbm>> -> memref<40x64xf32, #tpu.memory_space<hbm>>
      %dma_wait3A_182 = arith.constant 0 : i32
      %dma_wait3A_183 = tpu.memref_slice %arg2[%add3A_175, %dma_wait3A_182] : memref<320000x64xf32, #tpu.memory_space<hbm>> -> memref<40x64xf32, #tpu.memory_space<hbm>>
      tpu.wait_dma2 semaphore(%arg34 : memref<!tpu.dma_semaphore, #tpu.memory_space<semaphore_mem>>) src(%dma_wait3A_183 : memref<40x64xf32, #tpu.memory_space<hbm>>) dst(%arg23 : memref<40x64xf32, #tpu.memory_space<vmem>>)
      %dma_start3A_184 = arith.constant 0 : i32
      %dma_start3A_185 = arith.constant 0 : i32
      %dma_start3A_186 = tpu.memref_slice %arg6[%dma_start3A_184, %dma_start3A_185] : memref<10000x128xf32, #tpu.memory_space<hbm>> -> memref<10000x128xf32, #tpu.memory_space<hbm>>
      tpu.enqueue_indirect_dma source(%dma_start3A_186 : memref<10000x128xf32, #tpu.memory_space<hbm>>) target(%arg26 : memref<40x128xf32, #tpu.memory_space<vmem>>) offsets(%arg17 : memref<40xi32, #tpu.memory_space<vmem>>) semaphore(%arg36 : memref<!tpu.dma_semaphore, #tpu.memory_space<semaphore_mem>>)
      %dma_start3A_187 = arith.constant 0 : i32
      %dma_start3A_188 = arith.constant 0 : i32
      %dma_start3A_189 = tpu.memref_slice %arg8[%dma_start3A_187, %dma_start3A_188] : memref<10000x128xf32, #tpu.memory_space<hbm>> -> memref<10000x128xf32, #tpu.memory_space<hbm>>
      tpu.enqueue_indirect_dma source(%dma_start3A_189 : memref<10000x128xf32, #tpu.memory_space<hbm>>) target(%arg28 : memref<40x128xf32, #tpu.memory_space<vmem>>) offsets(%arg19 : memref<40xi32, #tpu.memory_space<vmem>>) semaphore(%arg36 : memref<!tpu.dma_semaphore, #tpu.memory_space<semaphore_mem>>)
      %sub3A = arith.constant 1 : i32
      %sub3A_190 = arith.subi %mul3A_170, %sub3A : i32
      %dma_wait3A_191 = arith.constant 0 : i32
      %dma_wait3A_192 = arith.constant 0 : i32
      %dma_wait3A_193 = tpu.memref_slice %arg6[%dma_wait3A_191, %dma_wait3A_192] : memref<10000x128xf32, #tpu.memory_space<hbm>> -> memref<10000x128xf32, #tpu.memory_space<hbm>>
      tpu.wait_indirect_dma semaphore(%arg35 : memref<!tpu.dma_semaphore, #tpu.memory_space<semaphore_mem>>) src(%dma_wait3A_193 : memref<10000x128xf32, #tpu.memory_space<hbm>>) dst(%arg25 : memref<40x128xf32, #tpu.memory_space<vmem>>)
      %dma_wait3A_194 = arith.constant 0 : i32
      %dma_wait3A_195 = arith.constant 0 : i32
      %dma_wait3A_196 = tpu.memref_slice %arg8[%dma_wait3A_194, %dma_wait3A_195] : memref<10000x128xf32, #tpu.memory_space<hbm>> -> memref<10000x128xf32, #tpu.memory_space<hbm>>
      tpu.wait_indirect_dma semaphore(%arg35 : memref<!tpu.dma_semaphore, #tpu.memory_space<semaphore_mem>>) src(%dma_wait3A_196 : memref<10000x128xf32, #tpu.memory_space<hbm>>) dst(%arg27 : memref<40x128xf32, #tpu.memory_space<vmem>>)
      %ge3A = arith.constant 1 : i32
      %ge3A_197 = arith.cmpi sge, %scan3A_167, %ge3A : i32
      %convert_element_type3A = arith.extui %ge3A_197 : i1 to i32
      %cond3A = arith.constant 0 : i32
      %cond3A_198 = arith.cmpi ne, %convert_element_type3A, %cond3A : i32
      scf.if %cond3A_198 {
        %dma_wait3A_314 = arith.constant 0 : i32
        %dma_wait3A_315 = arith.constant 0 : i32
        %dma_wait3A_316 = tpu.memref_slice %arg15[%dma_wait3A_314, %dma_wait3A_315] : memref<10112x128xf32, #tpu.memory_space<vmem_shared>> -> memref<10112x128xf32, #tpu.memory_space<vmem_shared>>
        tpu.wait_indirect_dma semaphore(%arg37 : memref<!tpu.dma_semaphore, #tpu.memory_space<semaphore_mem>>) src(%arg29 : memref<40x128xf32, #tpu.memory_space<vmem>>) dst(%dma_wait3A_316 : memref<10112x128xf32, #tpu.memory_space<vmem_shared>>)
      } else {
      }
      %get3A_199 = arith.constant 0 : index
      %get3A_200 = tpu.vector_load %arg18[%get3A_199] {strides = array<i32>} : memref<40xi32, #tpu.memory_space<vmem>>, vector<16xi32>,
      %get3A_201 = vector.shape_cast %get3A_200 : vector<16xi32> to vector<16xi32>
      %swap3A = arith.constant 0 : index
      %swap3A_202 = tpu.vector_load %arg20[%swap3A] {strides = array<i32>} : memref<40xi32, #tpu.memory_space<vmem>>, vector<16xi32>,
      %swap3A_203 = vector.shape_cast %swap3A_202 : vector<16xi32> to vector<16xi32>
      %swap3A_204 = vector.shape_cast %get3A_201 : vector<16xi32> to vector<16xi32>
      tpu.vector_store %arg20[%swap3A], %swap3A_204 {strides = array<i32>} : memref<40xi32, #tpu.memory_space<vmem>>, vector<16xi32>,
      %get3A_205 = arith.constant 16 : index
      %get3A_206 = tpu.vector_load %arg18[%get3A_205] {strides = array<i32>} : memref<40xi32, #tpu.memory_space<vmem>>, vector<16xi32>,
      %get3A_207 = vector.shape_cast %get3A_206 : vector<16xi32> to vector<16xi32>
      %swap3A_208 = arith.constant 16 : index
      %swap3A_209 = tpu.vector_load %arg20[%swap3A_208] {strides = array<i32>} : memref<40xi32, #tpu.memory_space<vmem>>, vector<16xi32>,
      %swap3A_210 = vector.shape_cast %swap3A_209 : vector<16xi32> to vector<16xi32>
      %swap3A_211 = vector.shape_cast %get3A_207 : vector<16xi32> to vector<16xi32>
      tpu.vector_store %arg20[%swap3A_208], %swap3A_211 {strides = array<i32>} : memref<40xi32, #tpu.memory_space<vmem>>, vector<16xi32>,
      %get3A_212 = arith.constant 24 : index
      %get3A_213 = tpu.vector_load %arg18[%get3A_212] {strides = array<i32>} : memref<40xi32, #tpu.memory_space<vmem>>, vector<16xi32>,
      %get3A_214 = vector.shape_cast %get3A_213 : vector<16xi32> to vector<16xi32>
      %swap3A_215 = arith.constant 24 : index
      %swap3A_216 = tpu.vector_load %arg20[%swap3A_215] {strides = array<i32>} : memref<40xi32, #tpu.memory_space<vmem>>, vector<16xi32>,
      %swap3A_217 = vector.shape_cast %swap3A_216 : vector<16xi32> to vector<16xi32>
      %swap3A_218 = vector.shape_cast %get3A_214 : vector<16xi32> to vector<16xi32>
      tpu.vector_store %arg20[%swap3A_215], %swap3A_218 {strides = array<i32>} : memref<40xi32, #tpu.memory_space<vmem>>, vector<16xi32>,
      %ge3A_219 = arith.constant 1 : i32
      %ge3A_220 = arith.cmpi sge, %scan3A_167, %ge3A_219 : i32
      %convert_element_type3A_221 = arith.extui %ge3A_220 : i1 to i32
      %cond3A_222 = arith.constant 0 : i32
      %cond3A_223 = arith.cmpi ne, %convert_element_type3A_221, %cond3A_222 : i32
      scf.if %cond3A_223 {
        %mul3A_314 = arith.constant 40 : i32
        %mul3A_315 = arith.muli %sub3A_190, %mul3A_314 : i32
        %add3A_316 = arith.addi %mul3A_2, %mul3A_315 : i32
        %dma_wait3A_317 = arith.constant 0 : i32
        %dma_wait3A_318 = tpu.memref_slice %arg12[%add3A_316, %dma_wait3A_317] : memref<320000x64xf32, #tpu.memory_space<hbm>> -> memref<40x64xf32, #tpu.memory_space<hbm>>
        %dma_wait3A_319 = arith.constant 0 : i32
        %dma_wait3A_320 = tpu.memref_slice %arg12[%add3A_316, %dma_wait3A_319] : memref<320000x64xf32, #tpu.memory_space<hbm>> -> memref<40x64xf32, #tpu.memory_space<hbm>>
        tpu.wait_dma2 semaphore(%arg39 : memref<!tpu.dma_semaphore, #tpu.memory_space<semaphore_mem>>) src(%arg24 : memref<40x64xf32, #tpu.memory_space<vmem>>) dst(%dma_wait3A_320 : memref<40x64xf32, #tpu.memory_space<hbm>>)
      } else {
      }
      %scan3A_224 = arith.constant 0 : i32
      %scan3A_225 = arith.constant 0 : i32
      %scan3A_226 = arith.constant 40 : i32
      %scan3A_227 = arith.addi %scan3A_225, %scan3A_226 : i32
      %scan3A_228 = arith.constant 1 : i32
      %scan3A_229 = scf.for %scan3A_314 = %scan3A_225 to %scan3A_227 step %scan3A_228 iter_args(%scan3A_315 = %scan3A_224) -> (i32)  : i32 {
        %get3A_316 = arith.index_cast %scan3A_314 : i32 to index
        %get3A_317 = arith.constant 0 : index
        %get3A_318 = tpu.vector_load %arg22[%get3A_316, %get3A_317] {strides = array<i32>} : memref<40x64xf32, #tpu.memory_space<vmem>>, vector<1x16xf32>,
        %get3A_319 = vector.shape_cast %get3A_318 : vector<1x16xf32> to vector<16xf32>
        %get3A_320 = arith.index_cast %scan3A_314 : i32 to index
        %get3A_321 = arith.constant 0 : index
        %get3A_322 = tpu.vector_load %arg25[%get3A_320, %get3A_321] {strides = array<i32>} : memref<40x128xf32, #tpu.memory_space<vmem>>, vector<1x16xf32>,
        %get3A_323 = vector.shape_cast %get3A_322 : vector<1x16xf32> to vector<16xf32>
        %add3A_324 = arith.addf %get3A_319, %get3A_323 : vector<16xf32>
        %get3A_325 = arith.index_cast %scan3A_314 : i32 to index
        %get3A_326 = arith.constant 0 : index
        %get3A_327 = tpu.vector_load %arg27[%get3A_325, %get3A_326] {strides = array<i32>} : memref<40x128xf32, #tpu.memory_space<vmem>>, vector<1x16xf32>,
        %get3A_328 = vector.shape_cast %get3A_327 : vector<1x16xf32> to vector<16xf32>
        %add3A_329 = arith.addf %add3A_324, %get3A_328 : vector<16xf32>
        %mul3A_330 = arith.mulf %add3A_329, %get3A_7 : vector<16xf32>
        %add3A_331 = arith.addf %mul3A_330, %get3A_19 : vector<16xf32>
        %max3A = arith.constant 0.000000e+00 : f32
        %max3A_332 = vector.broadcast %max3A : f32 to vector<16xf32>
        %max3A_333 = arith.maximumf %add3A_331, %max3A_332 : vector<16xf32>
        %swap3A_334 = arith.index_cast %scan3A_314 : i32 to index
        %swap3A_335 = arith.constant 0 : index
        %swap3A_336 = tpu.vector_load %arg24[%swap3A_334, %swap3A_335] {strides = array<i32>} : memref<40x64xf32, #tpu.memory_space<vmem>>, vector<1x16xf32>,
        %swap3A_337 = vector.shape_cast %swap3A_336 : vector<1x16xf32> to vector<16xf32>
        %swap3A_338 = vector.shape_cast %max3A_333 : vector<16xf32> to vector<1x16xf32>
        tpu.vector_store %arg24[%swap3A_334, %swap3A_335], %swap3A_338 {strides = array<i32>} : memref<40x64xf32, #tpu.memory_space<vmem>>, vector<1x16xf32>,
        %neg3A = arith.constant 0.000000e+00 : f32
        %neg3A_339 = vector.broadcast %neg3A : f32 to vector<16xf32>
        %neg3A_340 = arith.subf %neg3A_339, %add3A_329 : vector<16xf32>
        %exp3A = math.exp %neg3A_340 : vector<16xf32>
        %add3A_341 = arith.constant 1.000000e+00 : f32
        %add3A_342 = vector.broadcast %add3A_341 : f32 to vector<16xf32>
        %add3A_343 = arith.addf %add3A_342, %exp3A : vector<16xf32>
        %div3A = arith.constant 1.000000e+00 : f32
        %div3A_344 = vector.broadcast %div3A : f32 to vector<16xf32>
        %div3A_345 = arith.divf %div3A_344, %add3A_343 : vector<16xf32>
        %get3A_346 = arith.index_cast %scan3A_314 : i32 to index
        %get3A_347 = arith.constant 64 : index
        %get3A_348 = tpu.vector_load %arg25[%get3A_346, %get3A_347] {strides = array<i32>} : memref<40x128xf32, #tpu.memory_space<vmem>>, vector<1x16xf32>,
        %get3A_349 = vector.shape_cast %get3A_348 : vector<1x16xf32> to vector<16xf32>
        %mul3A_350 = arith.mulf %div3A_345, %get3A_349 : vector<16xf32>
        %swap3A_351 = arith.index_cast %scan3A_314 : i32 to index
        %swap3A_352 = arith.constant 0 : index
        %swap3A_353 = tpu.vector_load %arg29[%swap3A_351, %swap3A_352] {strides = array<i32>} : memref<40x128xf32, #tpu.memory_space<vmem>>, vector<1x16xf32>,
        %swap3A_354 = vector.shape_cast %swap3A_353 : vector<1x16xf32> to vector<16xf32>
        %swap3A_355 = vector.shape_cast %mul3A_350 : vector<16xf32> to vector<1x16xf32>
        tpu.vector_store %arg29[%swap3A_351, %swap3A_352], %swap3A_355 {strides = array<i32>} : memref<40x128xf32, #tpu.memory_space<vmem>>, vector<1x16xf32>,
        %swap3A_356 = arith.index_cast %scan3A_314 : i32 to index
        %swap3A_357 = arith.constant 64 : index
        %swap3A_358 = tpu.vector_load %arg29[%swap3A_356, %swap3A_357] {strides = array<i32>} : memref<40x128xf32, #tpu.memory_space<vmem>>, vector<1x16xf32>,
        %swap3A_359 = vector.shape_cast %swap3A_358 : vector<1x16xf32> to vector<16xf32>
        %swap3A_360 = vector.shape_cast %div3A_345 : vector<16xf32> to vector<1x16xf32>
        tpu.vector_store %arg29[%swap3A_356, %swap3A_357], %swap3A_360 {strides = array<i32>} : memref<40x128xf32, #tpu.memory_space<vmem>>, vector<1x16xf32>,
        %get3A_361 = arith.index_cast %scan3A_314 : i32 to index
        %get3A_362 = arith.constant 16 : index
        %get3A_363 = tpu.vector_load %arg22[%get3A_361, %get3A_362] {strides = array<i32>} : memref<40x64xf32, #tpu.memory_space<vmem>>, vector<1x16xf32>,
        %get3A_364 = vector.shape_cast %get3A_363 : vector<1x16xf32> to vector<16xf32>
        %get3A_365 = arith.index_cast %scan3A_314 : i32 to index
        %get3A_366 = arith.constant 16 : index
        %get3A_367 = tpu.vector_load %arg25[%get3A_365, %get3A_366] {strides = array<i32>} : memref<40x128xf32, #tpu.memory_space<vmem>>, vector<1x16xf32>,
        %get3A_368 = vector.shape_cast %get3A_367 : vector<1x16xf32> to vector<16xf32>
        %add3A_369 = arith.addf %get3A_364, %get3A_368 : vector<16xf32>
        %get3A_370 = arith.index_cast %scan3A_314 : i32 to index
        %get3A_371 = arith.constant 16 : index
        %get3A_372 = tpu.vector_load %arg27[%get3A_370, %get3A_371] {strides = array<i32>} : memref<40x128xf32, #tpu.memory_space<vmem>>, vector<1x16xf32>,
        %get3A_373 = vector.shape_cast %get3A_372 : vector<1x16xf32> to vector<16xf32>
        %add3A_374 = arith.addf %add3A_369, %get3A_373 : vector<16xf32>
        %mul3A_375 = arith.mulf %add3A_374, %get3A_10 : vector<16xf32>
        %add3A_376 = arith.addf %mul3A_375, %get3A_22 : vector<16xf32>
        %max3A_377 = arith.constant 0.000000e+00 : f32
        %max3A_378 = vector.broadcast %max3A_377 : f32 to vector<16xf32>
        %max3A_379 = arith.maximumf %add3A_376, %max3A_378 : vector<16xf32>
        %swap3A_380 = arith.index_cast %scan3A_314 : i32 to index
        %swap3A_381 = arith.constant 16 : index
        %swap3A_382 = tpu.vector_load %arg24[%swap3A_380, %swap3A_381] {strides = array<i32>} : memref<40x64xf32, #tpu.memory_space<vmem>>, vector<1x16xf32>,
        %swap3A_383 = vector.shape_cast %swap3A_382 : vector<1x16xf32> to vector<16xf32>
        %swap3A_384 = vector.shape_cast %max3A_379 : vector<16xf32> to vector<1x16xf32>
        tpu.vector_store %arg24[%swap3A_380, %swap3A_381], %swap3A_384 {strides = array<i32>} : memref<40x64xf32, #tpu.memory_space<vmem>>, vector<1x16xf32>,
        %neg3A_385 = arith.constant 0.000000e+00 : f32
        %neg3A_386 = vector.broadcast %neg3A_385 : f32 to vector<16xf32>
        %neg3A_387 = arith.subf %neg3A_386, %add3A_374 : vector<16xf32>
        %exp3A_388 = math.exp %neg3A_387 : vector<16xf32>
        %add3A_389 = arith.constant 1.000000e+00 : f32
        %add3A_390 = vector.broadcast %add3A_389 : f32 to vector<16xf32>
        %add3A_391 = arith.addf %add3A_390, %exp3A_388 : vector<16xf32>
        %div3A_392 = arith.constant 1.000000e+00 : f32
        %div3A_393 = vector.broadcast %div3A_392 : f32 to vector<16xf32>
        %div3A_394 = arith.divf %div3A_393, %add3A_391 : vector<16xf32>
        %get3A_395 = arith.index_cast %scan3A_314 : i32 to index
        %get3A_396 = arith.constant 80 : index
        %get3A_397 = tpu.vector_load %arg25[%get3A_395, %get3A_396] {strides = array<i32>} : memref<40x128xf32, #tpu.memory_space<vmem>>, vector<1x16xf32>,
        %get3A_398 = vector.shape_cast %get3A_397 : vector<1x16xf32> to vector<16xf32>
        %mul3A_399 = arith.mulf %div3A_394, %get3A_398 : vector<16xf32>
        %swap3A_400 = arith.index_cast %scan3A_314 : i32 to index
        %swap3A_401 = arith.constant 16 : index
        %swap3A_402 = tpu.vector_load %arg29[%swap3A_400, %swap3A_401] {strides = array<i32>} : memref<40x128xf32, #tpu.memory_space<vmem>>, vector<1x16xf32>,
        %swap3A_403 = vector.shape_cast %swap3A_402 : vector<1x16xf32> to vector<16xf32>
        %swap3A_404 = vector.shape_cast %mul3A_399 : vector<16xf32> to vector<1x16xf32>
        tpu.vector_store %arg29[%swap3A_400, %swap3A_401], %swap3A_404 {strides = array<i32>} : memref<40x128xf32, #tpu.memory_space<vmem>>, vector<1x16xf32>,
        %swap3A_405 = arith.index_cast %scan3A_314 : i32 to index
        %swap3A_406 = arith.constant 80 : index
        %swap3A_407 = tpu.vector_load %arg29[%swap3A_405, %swap3A_406] {strides = array<i32>} : memref<40x128xf32, #tpu.memory_space<vmem>>, vector<1x16xf32>,
        %swap3A_408 = vector.shape_cast %swap3A_407 : vector<1x16xf32> to vector<16xf32>
        %swap3A_409 = vector.shape_cast %div3A_394 : vector<16xf32> to vector<1x16xf32>
        tpu.vector_store %arg29[%swap3A_405, %swap3A_406], %swap3A_409 {strides = array<i32>} : memref<40x128xf32, #tpu.memory_space<vmem>>, vector<1x16xf32>,
        %get3A_410 = arith.index_cast %scan3A_314 : i32 to index
        %get3A_411 = arith.constant 32 : index
        %get3A_412 = tpu.vector_load %arg22[%get3A_410, %get3A_411] {strides = array<i32>} : memref<40x64xf32, #tpu.memory_space<vmem>>, vector<1x16xf32>,
        %get3A_413 = vector.shape_cast %get3A_412 : vector<1x16xf32> to vector<16xf32>
        %get3A_414 = arith.index_cast %scan3A_314 : i32 to index
        %get3A_415 = arith.constant 32 : index
        %get3A_416 = tpu.vector_load %arg25[%get3A_414, %get3A_415] {strides = array<i32>} : memref<40x128xf32, #tpu.memory_space<vmem>>, vector<1x16xf32>,
        %get3A_417 = vector.shape_cast %get3A_416 : vector<1x16xf32> to vector<16xf32>
        %add3A_418 = arith.addf %get3A_413, %get3A_417 : vector<16xf32>
        %get3A_419 = arith.index_cast %scan3A_314 : i32 to index
        %get3A_420 = arith.constant 32 : index
        %get3A_421 = tpu.vector_load %arg27[%get3A_419, %get3A_420] {strides = array<i32>} : memref<40x128xf32, #tpu.memory_space<vmem>>, vector<1x16xf32>,
        %get3A_422 = vector.shape_cast %get3A_421 : vector<1x16xf32> to vector<16xf32>
        %add3A_423 = arith.addf %add3A_418, %get3A_422 : vector<16xf32>
        %mul3A_424 = arith.mulf %add3A_423, %get3A_13 : vector<16xf32>
        %add3A_425 = arith.addf %mul3A_424, %get3A_25 : vector<16xf32>
        %max3A_426 = arith.constant 0.000000e+00 : f32
        %max3A_427 = vector.broadcast %max3A_426 : f32 to vector<16xf32>
        %max3A_428 = arith.maximumf %add3A_425, %max3A_427 : vector<16xf32>
        %swap3A_429 = arith.index_cast %scan3A_314 : i32 to index
        %swap3A_430 = arith.constant 32 : index
        %swap3A_431 = tpu.vector_load %arg24[%swap3A_429, %swap3A_430] {strides = array<i32>} : memref<40x64xf32, #tpu.memory_space<vmem>>, vector<1x16xf32>,
        %swap3A_432 = vector.shape_cast %swap3A_431 : vector<1x16xf32> to vector<16xf32>
        %swap3A_433 = vector.shape_cast %max3A_428 : vector<16xf32> to vector<1x16xf32>
        tpu.vector_store %arg24[%swap3A_429, %swap3A_430], %swap3A_433 {strides = array<i32>} : memref<40x64xf32, #tpu.memory_space<vmem>>, vector<1x16xf32>,
        %neg3A_434 = arith.constant 0.000000e+00 : f32
        %neg3A_435 = vector.broadcast %neg3A_434 : f32 to vector<16xf32>
        %neg3A_436 = arith.subf %neg3A_435, %add3A_423 : vector<16xf32>
        %exp3A_437 = math.exp %neg3A_436 : vector<16xf32>
        %add3A_438 = arith.constant 1.000000e+00 : f32
        %add3A_439 = vector.broadcast %add3A_438 : f32 to vector<16xf32>
        %add3A_440 = arith.addf %add3A_439, %exp3A_437 : vector<16xf32>
        %div3A_441 = arith.constant 1.000000e+00 : f32
        %div3A_442 = vector.broadcast %div3A_441 : f32 to vector<16xf32>
        %div3A_443 = arith.divf %div3A_442, %add3A_440 : vector<16xf32>
        %get3A_444 = arith.index_cast %scan3A_314 : i32 to index
        %get3A_445 = arith.constant 96 : index
        %get3A_446 = tpu.vector_load %arg25[%get3A_444, %get3A_445] {strides = array<i32>} : memref<40x128xf32, #tpu.memory_space<vmem>>, vector<1x16xf32>,
        %get3A_447 = vector.shape_cast %get3A_446 : vector<1x16xf32> to vector<16xf32>
        %mul3A_448 = arith.mulf %div3A_443, %get3A_447 : vector<16xf32>
        %swap3A_449 = arith.index_cast %scan3A_314 : i32 to index
        %swap3A_450 = arith.constant 32 : index
        %swap3A_451 = tpu.vector_load %arg29[%swap3A_449, %swap3A_450] {strides = array<i32>} : memref<40x128xf32, #tpu.memory_space<vmem>>, vector<1x16xf32>,
        %swap3A_452 = vector.shape_cast %swap3A_451 : vector<1x16xf32> to vector<16xf32>
        %swap3A_453 = vector.shape_cast %mul3A_448 : vector<16xf32> to vector<1x16xf32>
        tpu.vector_store %arg29[%swap3A_449, %swap3A_450], %swap3A_453 {strides = array<i32>} : memref<40x128xf32, #tpu.memory_space<vmem>>, vector<1x16xf32>,
        %swap3A_454 = arith.index_cast %scan3A_314 : i32 to index
        %swap3A_455 = arith.constant 96 : index
        %swap3A_456 = tpu.vector_load %arg29[%swap3A_454, %swap3A_455] {strides = array<i32>} : memref<40x128xf32, #tpu.memory_space<vmem>>, vector<1x16xf32>,
        %swap3A_457 = vector.shape_cast %swap3A_456 : vector<1x16xf32> to vector<16xf32>
        %swap3A_458 = vector.shape_cast %div3A_443 : vector<16xf32> to vector<1x16xf32>
        tpu.vector_store %arg29[%swap3A_454, %swap3A_455], %swap3A_458 {strides = array<i32>} : memref<40x128xf32, #tpu.memory_space<vmem>>, vector<1x16xf32>,
        %get3A_459 = arith.index_cast %scan3A_314 : i32 to index
        %get3A_460 = arith.constant 48 : index
        %get3A_461 = tpu.vector_load %arg22[%get3A_459, %get3A_460] {strides = array<i32>} : memref<40x64xf32, #tpu.memory_space<vmem>>, vector<1x16xf32>,
        %get3A_462 = vector.shape_cast %get3A_461 : vector<1x16xf32> to vector<16xf32>
        %get3A_463 = arith.index_cast %scan3A_314 : i32 to index
        %get3A_464 = arith.constant 48 : index
        %get3A_465 = tpu.vector_load %arg25[%get3A_463, %get3A_464] {strides = array<i32>} : memref<40x128xf32, #tpu.memory_space<vmem>>, vector<1x16xf32>,
        %get3A_466 = vector.shape_cast %get3A_465 : vector<1x16xf32> to vector<16xf32>
        %add3A_467 = arith.addf %get3A_462, %get3A_466 : vector<16xf32>
        %get3A_468 = arith.index_cast %scan3A_314 : i32 to index
        %get3A_469 = arith.constant 48 : index
        %get3A_470 = tpu.vector_load %arg27[%get3A_468, %get3A_469] {strides = array<i32>} : memref<40x128xf32, #tpu.memory_space<vmem>>, vector<1x16xf32>,
        %get3A_471 = vector.shape_cast %get3A_470 : vector<1x16xf32> to vector<16xf32>
        %add3A_472 = arith.addf %add3A_467, %get3A_471 : vector<16xf32>
        %mul3A_473 = arith.mulf %add3A_472, %get3A_16 : vector<16xf32>
        %add3A_474 = arith.addf %mul3A_473, %get3A_28 : vector<16xf32>
        %max3A_475 = arith.constant 0.000000e+00 : f32
        %max3A_476 = vector.broadcast %max3A_475 : f32 to vector<16xf32>
        %max3A_477 = arith.maximumf %add3A_474, %max3A_476 : vector<16xf32>
        %swap3A_478 = arith.index_cast %scan3A_314 : i32 to index
        %swap3A_479 = arith.constant 48 : index
        %swap3A_480 = tpu.vector_load %arg24[%swap3A_478, %swap3A_479] {strides = array<i32>} : memref<40x64xf32, #tpu.memory_space<vmem>>, vector<1x16xf32>,
        %swap3A_481 = vector.shape_cast %swap3A_480 : vector<1x16xf32> to vector<16xf32>
        %swap3A_482 = vector.shape_cast %max3A_477 : vector<16xf32> to vector<1x16xf32>
        tpu.vector_store %arg24[%swap3A_478, %swap3A_479], %swap3A_482 {strides = array<i32>} : memref<40x64xf32, #tpu.memory_space<vmem>>, vector<1x16xf32>,
        %neg3A_483 = arith.constant 0.000000e+00 : f32
        %neg3A_484 = vector.broadcast %neg3A_483 : f32 to vector<16xf32>
        %neg3A_485 = arith.subf %neg3A_484, %add3A_472 : vector<16xf32>
        %exp3A_486 = math.exp %neg3A_485 : vector<16xf32>
        %add3A_487 = arith.constant 1.000000e+00 : f32
        %add3A_488 = vector.broadcast %add3A_487 : f32 to vector<16xf32>
        %add3A_489 = arith.addf %add3A_488, %exp3A_486 : vector<16xf32>
        %div3A_490 = arith.constant 1.000000e+00 : f32
        %div3A_491 = vector.broadcast %div3A_490 : f32 to vector<16xf32>
        %div3A_492 = arith.divf %div3A_491, %add3A_489 : vector<16xf32>
        %get3A_493 = arith.index_cast %scan3A_314 : i32 to index
        %get3A_494 = arith.constant 112 : index
        %get3A_495 = tpu.vector_load %arg25[%get3A_493, %get3A_494] {strides = array<i32>} : memref<40x128xf32, #tpu.memory_space<vmem>>, vector<1x16xf32>,
        %get3A_496 = vector.shape_cast %get3A_495 : vector<1x16xf32> to vector<16xf32>
        %mul3A_497 = arith.mulf %div3A_492, %get3A_496 : vector<16xf32>
        %swap3A_498 = arith.index_cast %scan3A_314 : i32 to index
        %swap3A_499 = arith.constant 48 : index
        %swap3A_500 = tpu.vector_load %arg29[%swap3A_498, %swap3A_499] {strides = array<i32>} : memref<40x128xf32, #tpu.memory_space<vmem>>, vector<1x16xf32>,
        %swap3A_501 = vector.shape_cast %swap3A_500 : vector<1x16xf32> to vector<16xf32>
        %swap3A_502 = vector.shape_cast %mul3A_497 : vector<16xf32> to vector<1x16xf32>
        tpu.vector_store %arg29[%swap3A_498, %swap3A_499], %swap3A_502 {strides = array<i32>} : memref<40x128xf32, #tpu.memory_space<vmem>>, vector<1x16xf32>,
        %swap3A_503 = arith.index_cast %scan3A_314 : i32 to index
        %swap3A_504 = arith.constant 112 : index
        %swap3A_505 = tpu.vector_load %arg29[%swap3A_503, %swap3A_504] {strides = array<i32>} : memref<40x128xf32, #tpu.memory_space<vmem>>, vector<1x16xf32>,
        %swap3A_506 = vector.shape_cast %swap3A_505 : vector<1x16xf32> to vector<16xf32>
        %swap3A_507 = vector.shape_cast %div3A_492 : vector<16xf32> to vector<1x16xf32>
        tpu.vector_store %arg29[%swap3A_503, %swap3A_504], %swap3A_507 {strides = array<i32>} : memref<40x128xf32, #tpu.memory_space<vmem>>, vector<1x16xf32>,
        %scan3A_508 = arith.constant 0 : i32
        scf.yield %scan3A_508 : i32
      }
      %scan3A_230 = arith.constant 40 : i32
      %mul3A_231 = arith.constant 40 : i32
      %mul3A_232 = arith.muli %mul3A_170, %mul3A_231 : i32
      %add3A_233 = arith.addi %mul3A_2, %mul3A_232 : i32
      %dma_start3A_234 = arith.constant 0 : i32
      %dma_start3A_235 = tpu.memref_slice %arg12[%add3A_233, %dma_start3A_234] : memref<320000x64xf32, #tpu.memory_space<hbm>> -> memref<40x64xf32, #tpu.memory_space<hbm>>
      %dma_start3A_236 = arith.constant 0 : i32
      %dma_start3A_237 = tpu.memref_slice %arg12[%add3A_233, %dma_start3A_236] : memref<320000x64xf32, #tpu.memory_space<hbm>> -> memref<40x64xf32, #tpu.memory_space<hbm>>
      tpu.enqueue_dma source(%arg24 : memref<40x64xf32, #tpu.memory_space<vmem>>) target(%dma_start3A_237 : memref<40x64xf32, #tpu.memory_space<hbm>>) target_semaphore(%arg39 : memref<!tpu.dma_semaphore, #tpu.memory_space<semaphore_mem>>)
      %dma_start3A_238 = arith.constant 0 : i32
      %dma_start3A_239 = arith.constant 0 : i32
      %dma_start3A_240 = tpu.memref_slice %arg15[%dma_start3A_238, %dma_start3A_239] : memref<10112x128xf32, #tpu.memory_space<vmem_shared>> -> memref<10112x128xf32, #tpu.memory_space<vmem_shared>>
      tpu.enqueue_indirect_dma source(%arg29 : memref<40x128xf32, #tpu.memory_space<vmem>>) target(%dma_start3A_240 : memref<10112x128xf32, #tpu.memory_space<vmem_shared>>) offsets(%arg20 : memref<40xi32, #tpu.memory_space<vmem>>) semaphore(%arg37 : memref<!tpu.dma_semaphore, #tpu.memory_space<semaphore_mem>>) {add = true}
      %lt3A = arith.constant 124 : i32
      %lt3A_241 = arith.cmpi slt, %scan3A_167, %lt3A : i32
      %convert_element_type3A_242 = arith.extui %lt3A_241 : i1 to i32
      %cond3A_243 = arith.constant 0 : i32
      %cond3A_244 = arith.cmpi ne, %convert_element_type3A_242, %cond3A_243 : i32
      scf.if %cond3A_244 {
        %add3A_314 = arith.constant 2 : i32
        %add3A_315 = arith.addi %mul3A_170, %add3A_314 : i32
        %mul3A_316 = arith.constant 40 : i32
        %mul3A_317 = arith.muli %add3A_315, %mul3A_316 : i32
        %add3A_318 = arith.addi %mul3A_2, %mul3A_317 : i32
        %dma_start3A_319 = tpu.memref_slice %arg4[%add3A_318] : memref<320000xi32, #tpu.memory_space<hbm>> -> memref<40xi32, #tpu.memory_space<hbm>>
        %dma_start3A_320 = tpu.memref_slice %arg4[%add3A_318] : memref<320000xi32, #tpu.memory_space<hbm>> -> memref<40xi32, #tpu.memory_space<hbm>>
        tpu.enqueue_dma source(%dma_start3A_320 : memref<40xi32, #tpu.memory_space<hbm>>) target(%arg16 : memref<40xi32, #tpu.memory_space<vmem>>) target_semaphore(%arg33 : memref<!tpu.dma_semaphore, #tpu.memory_space<semaphore_mem>>)
        %dma_start3A_321 = tpu.memref_slice %arg5[%add3A_318] : memref<320000xi32, #tpu.memory_space<hbm>> -> memref<40xi32, #tpu.memory_space<hbm>>
        %dma_start3A_322 = tpu.memref_slice %arg5[%add3A_318] : memref<320000xi32, #tpu.memory_space<hbm>> -> memref<40xi32, #tpu.memory_space<hbm>>
        tpu.enqueue_dma source(%dma_start3A_322 : memref<40xi32, #tpu.memory_space<hbm>>) target(%arg18 : memref<40xi32, #tpu.memory_space<vmem>>) target_semaphore(%arg33 : memref<!tpu.dma_semaphore, #tpu.memory_space<semaphore_mem>>)
        %dma_start3A_323 = arith.constant 0 : i32
        %dma_start3A_324 = tpu.memref_slice %arg2[%add3A_318, %dma_start3A_323] : memref<320000x64xf32, #tpu.memory_space<hbm>> -> memref<40x64xf32, #tpu.memory_space<hbm>>
        %dma_start3A_325 = arith.constant 0 : i32
        %dma_start3A_326 = tpu.memref_slice %arg2[%add3A_318, %dma_start3A_325] : memref<320000x64xf32, #tpu.memory_space<hbm>> -> memref<40x64xf32, #tpu.memory_space<hbm>>
        tpu.enqueue_dma source(%dma_start3A_326 : memref<40x64xf32, #tpu.memory_space<hbm>>) target(%arg22 : memref<40x64xf32, #tpu.memory_space<vmem>>) target_semaphore(%arg33 : memref<!tpu.dma_semaphore, #tpu.memory_space<semaphore_mem>>)
      } else {
      }
      %lt3A_245 = arith.constant 124 : i32
      %lt3A_246 = arith.cmpi slt, %scan3A_167, %lt3A_245 : i32
      %convert_element_type3A_247 = arith.extui %lt3A_246 : i1 to i32
      %cond3A_248 = arith.constant 0 : i32
      %cond3A_249 = arith.cmpi ne, %convert_element_type3A_247, %cond3A_248 : i32
      scf.if %cond3A_249 {
        %add3A_314 = arith.constant 2 : i32
        %add3A_315 = arith.addi %mul3A_170, %add3A_314 : i32
        %mul3A_316 = arith.constant 40 : i32
        %mul3A_317 = arith.muli %add3A_315, %mul3A_316 : i32
        %add3A_318 = arith.addi %mul3A_2, %mul3A_317 : i32
        %dma_wait3A_319 = tpu.memref_slice %arg4[%add3A_318] : memref<320000xi32, #tpu.memory_space<hbm>> -> memref<40xi32, #tpu.memory_space<hbm>>
        %dma_wait3A_320 = tpu.memref_slice %arg4[%add3A_318] : memref<320000xi32, #tpu.memory_space<hbm>> -> memref<40xi32, #tpu.memory_space<hbm>>
        tpu.wait_dma2 semaphore(%arg33 : memref<!tpu.dma_semaphore, #tpu.memory_space<semaphore_mem>>) src(%dma_wait3A_320 : memref<40xi32, #tpu.memory_space<hbm>>) dst(%arg16 : memref<40xi32, #tpu.memory_space<vmem>>)
        %dma_wait3A_321 = tpu.memref_slice %arg5[%add3A_318] : memref<320000xi32, #tpu.memory_space<hbm>> -> memref<40xi32, #tpu.memory_space<hbm>>
        %dma_wait3A_322 = tpu.memref_slice %arg5[%add3A_318] : memref<320000xi32, #tpu.memory_space<hbm>> -> memref<40xi32, #tpu.memory_space<hbm>>
        tpu.wait_dma2 semaphore(%arg33 : memref<!tpu.dma_semaphore, #tpu.memory_space<semaphore_mem>>) src(%dma_wait3A_322 : memref<40xi32, #tpu.memory_space<hbm>>) dst(%arg18 : memref<40xi32, #tpu.memory_space<vmem>>)
        %dma_wait3A_323 = arith.constant 0 : i32
        %dma_wait3A_324 = tpu.memref_slice %arg2[%add3A_318, %dma_wait3A_323] : memref<320000x64xf32, #tpu.memory_space<hbm>> -> memref<40x64xf32, #tpu.memory_space<hbm>>
        %dma_wait3A_325 = arith.constant 0 : i32
        %dma_wait3A_326 = tpu.memref_slice %arg2[%add3A_318, %dma_wait3A_325] : memref<320000x64xf32, #tpu.memory_space<hbm>> -> memref<40x64xf32, #tpu.memory_space<hbm>>
        tpu.wait_dma2 semaphore(%arg33 : memref<!tpu.dma_semaphore, #tpu.memory_space<semaphore_mem>>) src(%dma_wait3A_326 : memref<40x64xf32, #tpu.memory_space<hbm>>) dst(%arg22 : memref<40x64xf32, #tpu.memory_space<vmem>>)
        %dma_start3A_327 = arith.constant 0 : i32
        %dma_start3A_328 = arith.constant 0 : i32
        %dma_start3A_329 = tpu.memref_slice %arg6[%dma_start3A_327, %dma_start3A_328] : memref<10000x128xf32, #tpu.memory_space<hbm>> -> memref<10000x128xf32, #tpu.memory_space<hbm>>
        tpu.enqueue_indirect_dma source(%dma_start3A_329 : memref<10000x128xf32, #tpu.memory_space<hbm>>) target(%arg25 : memref<40x128xf32, #tpu.memory_space<vmem>>) offsets(%arg16 : memref<40xi32, #tpu.memory_space<vmem>>) semaphore(%arg35 : memref<!tpu.dma_semaphore, #tpu.memory_space<semaphore_mem>>)
        %dma_start3A_330 = arith.constant 0 : i32
        %dma_start3A_331 = arith.constant 0 : i32
        %dma_start3A_332 = tpu.memref_slice %arg8[%dma_start3A_330, %dma_start3A_331] : memref<10000x128xf32, #tpu.memory_space<hbm>> -> memref<10000x128xf32, #tpu.memory_space<hbm>>
        tpu.enqueue_indirect_dma source(%dma_start3A_332 : memref<10000x128xf32, #tpu.memory_space<hbm>>) target(%arg27 : memref<40x128xf32, #tpu.memory_space<vmem>>) offsets(%arg18 : memref<40xi32, #tpu.memory_space<vmem>>) semaphore(%arg35 : memref<!tpu.dma_semaphore, #tpu.memory_space<semaphore_mem>>)
      } else {
      }
      %add3A_250 = arith.constant 1 : i32
      %add3A_251 = arith.addi %mul3A_170, %add3A_250 : i32
      %dma_wait3A_252 = arith.constant 0 : i32
      %dma_wait3A_253 = arith.constant 0 : i32
      %dma_wait3A_254 = tpu.memref_slice %arg6[%dma_wait3A_252, %dma_wait3A_253] : memref<10000x128xf32, #tpu.memory_space<hbm>> -> memref<10000x128xf32, #tpu.memory_space<hbm>>
      tpu.wait_indirect_dma semaphore(%arg36 : memref<!tpu.dma_semaphore, #tpu.memory_space<semaphore_mem>>) src(%dma_wait3A_254 : memref<10000x128xf32, #tpu.memory_space<hbm>>) dst(%arg26 : memref<40x128xf32, #tpu.memory_space<vmem>>)
      %dma_wait3A_255 = arith.constant 0 : i32
      %dma_wait3A_256 = arith.constant 0 : i32
      %dma_wait3A_257 = tpu.memref_slice %arg8[%dma_wait3A_255, %dma_wait3A_256] : memref<10000x128xf32, #tpu.memory_space<hbm>> -> memref<10000x128xf32, #tpu.memory_space<hbm>>
      tpu.wait_indirect_dma semaphore(%arg36 : memref<!tpu.dma_semaphore, #tpu.memory_space<semaphore_mem>>) src(%dma_wait3A_257 : memref<10000x128xf32, #tpu.memory_space<hbm>>) dst(%arg28 : memref<40x128xf32, #tpu.memory_space<vmem>>)
      %ge3A_258 = arith.constant 1 : i32
      %ge3A_259 = arith.cmpi sge, %scan3A_167, %ge3A_258 : i32
      %convert_element_type3A_260 = arith.extui %ge3A_259 : i1 to i32
      %cond3A_261 = arith.constant 0 : i32
      %cond3A_262 = arith.cmpi ne, %convert_element_type3A_260, %cond3A_261 : i32
      scf.if %cond3A_262 {
        %dma_wait3A_314 = arith.constant 0 : i32
        %dma_wait3A_315 = arith.constant 0 : i32
        %dma_wait3A_316 = tpu.memref_slice %arg15[%dma_wait3A_314, %dma_wait3A_315] : memref<10112x128xf32, #tpu.memory_space<vmem_shared>> -> memref<10112x128xf32, #tpu.memory_space<vmem_shared>>
        tpu.wait_indirect_dma semaphore(%arg38 : memref<!tpu.dma_semaphore, #tpu.memory_space<semaphore_mem>>) src(%arg30 : memref<40x128xf32, #tpu.memory_space<vmem>>) dst(%dma_wait3A_316 : memref<10112x128xf32, #tpu.memory_space<vmem_shared>>)
      } else {
      }
      %get3A_263 = arith.constant 0 : index
      %get3A_264 = tpu.vector_load %arg19[%get3A_263] {strides = array<i32>} : memref<40xi32, #tpu.memory_space<vmem>>, vector<16xi32>,
      %get3A_265 = vector.shape_cast %get3A_264 : vector<16xi32> to vector<16xi32>
      %swap3A_266 = arith.constant 0 : index
      %swap3A_267 = tpu.vector_load %arg21[%swap3A_266] {strides = array<i32>} : memref<40xi32, #tpu.memory_space<vmem>>, vector<16xi32>,
      %swap3A_268 = vector.shape_cast %swap3A_267 : vector<16xi32> to vector<16xi32>
      %swap3A_269 = vector.shape_cast %get3A_265 : vector<16xi32> to vector<16xi32>
      tpu.vector_store %arg21[%swap3A_266], %swap3A_269 {strides = array<i32>} : memref<40xi32, #tpu.memory_space<vmem>>, vector<16xi32>,
      %get3A_270 = arith.constant 16 : index
      %get3A_271 = tpu.vector_load %arg19[%get3A_270] {strides = array<i32>} : memref<40xi32, #tpu.memory_space<vmem>>, vector<16xi32>,
      %get3A_272 = vector.shape_cast %get3A_271 : vector<16xi32> to vector<16xi32>
      %swap3A_273 = arith.constant 16 : index
      %swap3A_274 = tpu.vector_load %arg21[%swap3A_273] {strides = array<i32>} : memref<40xi32, #tpu.memory_space<vmem>>, vector<16xi32>,
      %swap3A_275 = vector.shape_cast %swap3A_274 : vector<16xi32> to vector<16xi32>
      %swap3A_276 = vector.shape_cast %get3A_272 : vector<16xi32> to vector<16xi32>
      tpu.vector_store %arg21[%swap3A_273], %swap3A_276 {strides = array<i32>} : memref<40xi32, #tpu.memory_space<vmem>>, vector<16xi32>,
      %get3A_277 = arith.constant 24 : index
      %get3A_278 = tpu.vector_load %arg19[%get3A_277] {strides = array<i32>} : memref<40xi32, #tpu.memory_space<vmem>>, vector<16xi32>,
      %get3A_279 = vector.shape_cast %get3A_278 : vector<16xi32> to vector<16xi32>
      %swap3A_280 = arith.constant 24 : index
      %swap3A_281 = tpu.vector_load %arg21[%swap3A_280] {strides = array<i32>} : memref<40xi32, #tpu.memory_space<vmem>>, vector<16xi32>,
      %swap3A_282 = vector.shape_cast %swap3A_281 : vector<16xi32> to vector<16xi32>
      %swap3A_283 = vector.shape_cast %get3A_279 : vector<16xi32> to vector<16xi32>
      tpu.vector_store %arg21[%swap3A_280], %swap3A_283 {strides = array<i32>} : memref<40xi32, #tpu.memory_space<vmem>>, vector<16xi32>,
      %mul3A_284 = arith.constant 40 : i32
      %mul3A_285 = arith.muli %mul3A_170, %mul3A_284 : i32
      %add3A_286 = arith.addi %mul3A_2, %mul3A_285 : i32
      %dma_wait3A_287 = arith.constant 0 : i32
      %dma_wait3A_288 = tpu.memref_slice %arg12[%add3A_286, %dma_wait3A_287] : memref<320000x64xf32, #tpu.memory_space<hbm>> -> memref<40x64xf32, #tpu.memory_space<hbm>>
      %dma_wait3A_289 = arith.constant 0 : i32
      %dma_wait3A_290 = tpu.memref_slice %arg12[%add3A_286, %dma_wait3A_289] : memref<320000x64xf32, #tpu.memory_space<hbm>> -> memref<40x64xf32, #tpu.memory_space<hbm>>
      tpu.wait_dma2 semaphore(%arg39 : memref<!tpu.dma_semaphore, #tpu.memory_space<semaphore_mem>>) src(%arg24 : memref<40x64xf32, #tpu.memory_space<vmem>>) dst(%dma_wait3A_290 : memref<40x64xf32, #tpu.memory_space<hbm>>)
      %scan3A_291 = arith.constant 0 : i32
      %scan3A_292 = arith.constant 0 : i32
      %scan3A_293 = arith.constant 40 : i32
      %scan3A_294 = arith.addi %scan3A_292, %scan3A_293 : i32
      %scan3A_295 = arith.constant 1 : i32
      %scan3A_296 = scf.for %scan3A_314 = %scan3A_292 to %scan3A_294 step %scan3A_295 iter_args(%scan3A_315 = %scan3A_291) -> (i32)  : i32 {
        %get3A_316 = arith.index_cast %scan3A_314 : i32 to index
        %get3A_317 = arith.constant 0 : index
        %get3A_318 = tpu.vector_load %arg23[%get3A_316, %get3A_317] {strides = array<i32>} : memref<40x64xf32, #tpu.memory_space<vmem>>, vector<1x16xf32>,
        %get3A_319 = vector.shape_cast %get3A_318 : vector<1x16xf32> to vector<16xf32>
        %get3A_320 = arith.index_cast %scan3A_314 : i32 to index
        %get3A_321 = arith.constant 0 : index
        %get3A_322 = tpu.vector_load %arg26[%get3A_320, %get3A_321] {strides = array<i32>} : memref<40x128xf32, #tpu.memory_space<vmem>>, vector<1x16xf32>,
        %get3A_323 = vector.shape_cast %get3A_322 : vector<1x16xf32> to vector<16xf32>
        %add3A_324 = arith.addf %get3A_319, %get3A_323 : vector<16xf32>
        %get3A_325 = arith.index_cast %scan3A_314 : i32 to index
        %get3A_326 = arith.constant 0 : index
        %get3A_327 = tpu.vector_load %arg28[%get3A_325, %get3A_326] {strides = array<i32>} : memref<40x128xf32, #tpu.memory_space<vmem>>, vector<1x16xf32>,
        %get3A_328 = vector.shape_cast %get3A_327 : vector<1x16xf32> to vector<16xf32>
        %add3A_329 = arith.addf %add3A_324, %get3A_328 : vector<16xf32>
        %mul3A_330 = arith.mulf %add3A_329, %get3A_7 : vector<16xf32>
        %add3A_331 = arith.addf %mul3A_330, %get3A_19 : vector<16xf32>
        %max3A = arith.constant 0.000000e+00 : f32
        %max3A_332 = vector.broadcast %max3A : f32 to vector<16xf32>
        %max3A_333 = arith.maximumf %add3A_331, %max3A_332 : vector<16xf32>
        %swap3A_334 = arith.index_cast %scan3A_314 : i32 to index
        %swap3A_335 = arith.constant 0 : index
        %swap3A_336 = tpu.vector_load %arg24[%swap3A_334, %swap3A_335] {strides = array<i32>} : memref<40x64xf32, #tpu.memory_space<vmem>>, vector<1x16xf32>,
        %swap3A_337 = vector.shape_cast %swap3A_336 : vector<1x16xf32> to vector<16xf32>
        %swap3A_338 = vector.shape_cast %max3A_333 : vector<16xf32> to vector<1x16xf32>
        tpu.vector_store %arg24[%swap3A_334, %swap3A_335], %swap3A_338 {strides = array<i32>} : memref<40x64xf32, #tpu.memory_space<vmem>>, vector<1x16xf32>,
        %neg3A = arith.constant 0.000000e+00 : f32
        %neg3A_339 = vector.broadcast %neg3A : f32 to vector<16xf32>
        %neg3A_340 = arith.subf %neg3A_339, %add3A_329 : vector<16xf32>
        %exp3A = math.exp %neg3A_340 : vector<16xf32>
        %add3A_341 = arith.constant 1.000000e+00 : f32
        %add3A_342 = vector.broadcast %add3A_341 : f32 to vector<16xf32>
        %add3A_343 = arith.addf %add3A_342, %exp3A : vector<16xf32>
        %div3A = arith.constant 1.000000e+00 : f32
        %div3A_344 = vector.broadcast %div3A : f32 to vector<16xf32>
        %div3A_345 = arith.divf %div3A_344, %add3A_343 : vector<16xf32>
        %get3A_346 = arith.index_cast %scan3A_314 : i32 to index
        %get3A_347 = arith.constant 64 : index
        %get3A_348 = tpu.vector_load %arg26[%get3A_346, %get3A_347] {strides = array<i32>} : memref<40x128xf32, #tpu.memory_space<vmem>>, vector<1x16xf32>,
        %get3A_349 = vector.shape_cast %get3A_348 : vector<1x16xf32> to vector<16xf32>
        %mul3A_350 = arith.mulf %div3A_345, %get3A_349 : vector<16xf32>
        %swap3A_351 = arith.index_cast %scan3A_314 : i32 to index
        %swap3A_352 = arith.constant 0 : index
        %swap3A_353 = tpu.vector_load %arg30[%swap3A_351, %swap3A_352] {strides = array<i32>} : memref<40x128xf32, #tpu.memory_space<vmem>>, vector<1x16xf32>,
        %swap3A_354 = vector.shape_cast %swap3A_353 : vector<1x16xf32> to vector<16xf32>
        %swap3A_355 = vector.shape_cast %mul3A_350 : vector<16xf32> to vector<1x16xf32>
        tpu.vector_store %arg30[%swap3A_351, %swap3A_352], %swap3A_355 {strides = array<i32>} : memref<40x128xf32, #tpu.memory_space<vmem>>, vector<1x16xf32>,
        %swap3A_356 = arith.index_cast %scan3A_314 : i32 to index
        %swap3A_357 = arith.constant 64 : index
        %swap3A_358 = tpu.vector_load %arg30[%swap3A_356, %swap3A_357] {strides = array<i32>} : memref<40x128xf32, #tpu.memory_space<vmem>>, vector<1x16xf32>,
        %swap3A_359 = vector.shape_cast %swap3A_358 : vector<1x16xf32> to vector<16xf32>
        %swap3A_360 = vector.shape_cast %div3A_345 : vector<16xf32> to vector<1x16xf32>
        tpu.vector_store %arg30[%swap3A_356, %swap3A_357], %swap3A_360 {strides = array<i32>} : memref<40x128xf32, #tpu.memory_space<vmem>>, vector<1x16xf32>,
        %get3A_361 = arith.index_cast %scan3A_314 : i32 to index
        %get3A_362 = arith.constant 16 : index
        %get3A_363 = tpu.vector_load %arg23[%get3A_361, %get3A_362] {strides = array<i32>} : memref<40x64xf32, #tpu.memory_space<vmem>>, vector<1x16xf32>,
        %get3A_364 = vector.shape_cast %get3A_363 : vector<1x16xf32> to vector<16xf32>
        %get3A_365 = arith.index_cast %scan3A_314 : i32 to index
        %get3A_366 = arith.constant 16 : index
        %get3A_367 = tpu.vector_load %arg26[%get3A_365, %get3A_366] {strides = array<i32>} : memref<40x128xf32, #tpu.memory_space<vmem>>, vector<1x16xf32>,
        %get3A_368 = vector.shape_cast %get3A_367 : vector<1x16xf32> to vector<16xf32>
        %add3A_369 = arith.addf %get3A_364, %get3A_368 : vector<16xf32>
        %get3A_370 = arith.index_cast %scan3A_314 : i32 to index
        %get3A_371 = arith.constant 16 : index
        %get3A_372 = tpu.vector_load %arg28[%get3A_370, %get3A_371] {strides = array<i32>} : memref<40x128xf32, #tpu.memory_space<vmem>>, vector<1x16xf32>,
        %get3A_373 = vector.shape_cast %get3A_372 : vector<1x16xf32> to vector<16xf32>
        %add3A_374 = arith.addf %add3A_369, %get3A_373 : vector<16xf32>
        %mul3A_375 = arith.mulf %add3A_374, %get3A_10 : vector<16xf32>
        %add3A_376 = arith.addf %mul3A_375, %get3A_22 : vector<16xf32>
        %max3A_377 = arith.constant 0.000000e+00 : f32
        %max3A_378 = vector.broadcast %max3A_377 : f32 to vector<16xf32>
        %max3A_379 = arith.maximumf %add3A_376, %max3A_378 : vector<16xf32>
        %swap3A_380 = arith.index_cast %scan3A_314 : i32 to index
        %swap3A_381 = arith.constant 16 : index
        %swap3A_382 = tpu.vector_load %arg24[%swap3A_380, %swap3A_381] {strides = array<i32>} : memref<40x64xf32, #tpu.memory_space<vmem>>, vector<1x16xf32>,
        %swap3A_383 = vector.shape_cast %swap3A_382 : vector<1x16xf32> to vector<16xf32>
        %swap3A_384 = vector.shape_cast %max3A_379 : vector<16xf32> to vector<1x16xf32>
        tpu.vector_store %arg24[%swap3A_380, %swap3A_381], %swap3A_384 {strides = array<i32>} : memref<40x64xf32, #tpu.memory_space<vmem>>, vector<1x16xf32>,
        %neg3A_385 = arith.constant 0.000000e+00 : f32
        %neg3A_386 = vector.broadcast %neg3A_385 : f32 to vector<16xf32>
        %neg3A_387 = arith.subf %neg3A_386, %add3A_374 : vector<16xf32>
        %exp3A_388 = math.exp %neg3A_387 : vector<16xf32>
        %add3A_389 = arith.constant 1.000000e+00 : f32
        %add3A_390 = vector.broadcast %add3A_389 : f32 to vector<16xf32>
        %add3A_391 = arith.addf %add3A_390, %exp3A_388 : vector<16xf32>
        %div3A_392 = arith.constant 1.000000e+00 : f32
        %div3A_393 = vector.broadcast %div3A_392 : f32 to vector<16xf32>
        %div3A_394 = arith.divf %div3A_393, %add3A_391 : vector<16xf32>
        %get3A_395 = arith.index_cast %scan3A_314 : i32 to index
        %get3A_396 = arith.constant 80 : index
        %get3A_397 = tpu.vector_load %arg26[%get3A_395, %get3A_396] {strides = array<i32>} : memref<40x128xf32, #tpu.memory_space<vmem>>, vector<1x16xf32>,
        %get3A_398 = vector.shape_cast %get3A_397 : vector<1x16xf32> to vector<16xf32>
        %mul3A_399 = arith.mulf %div3A_394, %get3A_398 : vector<16xf32>
        %swap3A_400 = arith.index_cast %scan3A_314 : i32 to index
        %swap3A_401 = arith.constant 16 : index
        %swap3A_402 = tpu.vector_load %arg30[%swap3A_400, %swap3A_401] {strides = array<i32>} : memref<40x128xf32, #tpu.memory_space<vmem>>, vector<1x16xf32>,
        %swap3A_403 = vector.shape_cast %swap3A_402 : vector<1x16xf32> to vector<16xf32>
        %swap3A_404 = vector.shape_cast %mul3A_399 : vector<16xf32> to vector<1x16xf32>
        tpu.vector_store %arg30[%swap3A_400, %swap3A_401], %swap3A_404 {strides = array<i32>} : memref<40x128xf32, #tpu.memory_space<vmem>>, vector<1x16xf32>,
        %swap3A_405 = arith.index_cast %scan3A_314 : i32 to index
        %swap3A_406 = arith.constant 80 : index
        %swap3A_407 = tpu.vector_load %arg30[%swap3A_405, %swap3A_406] {strides = array<i32>} : memref<40x128xf32, #tpu.memory_space<vmem>>, vector<1x16xf32>,
        %swap3A_408 = vector.shape_cast %swap3A_407 : vector<1x16xf32> to vector<16xf32>
        %swap3A_409 = vector.shape_cast %div3A_394 : vector<16xf32> to vector<1x16xf32>
        tpu.vector_store %arg30[%swap3A_405, %swap3A_406], %swap3A_409 {strides = array<i32>} : memref<40x128xf32, #tpu.memory_space<vmem>>, vector<1x16xf32>,
        %get3A_410 = arith.index_cast %scan3A_314 : i32 to index
        %get3A_411 = arith.constant 32 : index
        %get3A_412 = tpu.vector_load %arg23[%get3A_410, %get3A_411] {strides = array<i32>} : memref<40x64xf32, #tpu.memory_space<vmem>>, vector<1x16xf32>,
        %get3A_413 = vector.shape_cast %get3A_412 : vector<1x16xf32> to vector<16xf32>
        %get3A_414 = arith.index_cast %scan3A_314 : i32 to index
        %get3A_415 = arith.constant 32 : index
        %get3A_416 = tpu.vector_load %arg26[%get3A_414, %get3A_415] {strides = array<i32>} : memref<40x128xf32, #tpu.memory_space<vmem>>, vector<1x16xf32>,
        %get3A_417 = vector.shape_cast %get3A_416 : vector<1x16xf32> to vector<16xf32>
        %add3A_418 = arith.addf %get3A_413, %get3A_417 : vector<16xf32>
        %get3A_419 = arith.index_cast %scan3A_314 : i32 to index
        %get3A_420 = arith.constant 32 : index
        %get3A_421 = tpu.vector_load %arg28[%get3A_419, %get3A_420] {strides = array<i32>} : memref<40x128xf32, #tpu.memory_space<vmem>>, vector<1x16xf32>,
        %get3A_422 = vector.shape_cast %get3A_421 : vector<1x16xf32> to vector<16xf32>
        %add3A_423 = arith.addf %add3A_418, %get3A_422 : vector<16xf32>
        %mul3A_424 = arith.mulf %add3A_423, %get3A_13 : vector<16xf32>
        %add3A_425 = arith.addf %mul3A_424, %get3A_25 : vector<16xf32>
        %max3A_426 = arith.constant 0.000000e+00 : f32
        %max3A_427 = vector.broadcast %max3A_426 : f32 to vector<16xf32>
        %max3A_428 = arith.maximumf %add3A_425, %max3A_427 : vector<16xf32>
        %swap3A_429 = arith.index_cast %scan3A_314 : i32 to index
        %swap3A_430 = arith.constant 32 : index
        %swap3A_431 = tpu.vector_load %arg24[%swap3A_429, %swap3A_430] {strides = array<i32>} : memref<40x64xf32, #tpu.memory_space<vmem>>, vector<1x16xf32>,
        %swap3A_432 = vector.shape_cast %swap3A_431 : vector<1x16xf32> to vector<16xf32>
        %swap3A_433 = vector.shape_cast %max3A_428 : vector<16xf32> to vector<1x16xf32>
        tpu.vector_store %arg24[%swap3A_429, %swap3A_430], %swap3A_433 {strides = array<i32>} : memref<40x64xf32, #tpu.memory_space<vmem>>, vector<1x16xf32>,
        %neg3A_434 = arith.constant 0.000000e+00 : f32
        %neg3A_435 = vector.broadcast %neg3A_434 : f32 to vector<16xf32>
        %neg3A_436 = arith.subf %neg3A_435, %add3A_423 : vector<16xf32>
        %exp3A_437 = math.exp %neg3A_436 : vector<16xf32>
        %add3A_438 = arith.constant 1.000000e+00 : f32
        %add3A_439 = vector.broadcast %add3A_438 : f32 to vector<16xf32>
        %add3A_440 = arith.addf %add3A_439, %exp3A_437 : vector<16xf32>
        %div3A_441 = arith.constant 1.000000e+00 : f32
        %div3A_442 = vector.broadcast %div3A_441 : f32 to vector<16xf32>
        %div3A_443 = arith.divf %div3A_442, %add3A_440 : vector<16xf32>
        %get3A_444 = arith.index_cast %scan3A_314 : i32 to index
        %get3A_445 = arith.constant 96 : index
        %get3A_446 = tpu.vector_load %arg26[%get3A_444, %get3A_445] {strides = array<i32>} : memref<40x128xf32, #tpu.memory_space<vmem>>, vector<1x16xf32>,
        %get3A_447 = vector.shape_cast %get3A_446 : vector<1x16xf32> to vector<16xf32>
        %mul3A_448 = arith.mulf %div3A_443, %get3A_447 : vector<16xf32>
        %swap3A_449 = arith.index_cast %scan3A_314 : i32 to index
        %swap3A_450 = arith.constant 32 : index
        %swap3A_451 = tpu.vector_load %arg30[%swap3A_449, %swap3A_450] {strides = array<i32>} : memref<40x128xf32, #tpu.memory_space<vmem>>, vector<1x16xf32>,
        %swap3A_452 = vector.shape_cast %swap3A_451 : vector<1x16xf32> to vector<16xf32>
        %swap3A_453 = vector.shape_cast %mul3A_448 : vector<16xf32> to vector<1x16xf32>
        tpu.vector_store %arg30[%swap3A_449, %swap3A_450], %swap3A_453 {strides = array<i32>} : memref<40x128xf32, #tpu.memory_space<vmem>>, vector<1x16xf32>,
        %swap3A_454 = arith.index_cast %scan3A_314 : i32 to index
        %swap3A_455 = arith.constant 96 : index
        %swap3A_456 = tpu.vector_load %arg30[%swap3A_454, %swap3A_455] {strides = array<i32>} : memref<40x128xf32, #tpu.memory_space<vmem>>, vector<1x16xf32>,
        %swap3A_457 = vector.shape_cast %swap3A_456 : vector<1x16xf32> to vector<16xf32>
        %swap3A_458 = vector.shape_cast %div3A_443 : vector<16xf32> to vector<1x16xf32>
        tpu.vector_store %arg30[%swap3A_454, %swap3A_455], %swap3A_458 {strides = array<i32>} : memref<40x128xf32, #tpu.memory_space<vmem>>, vector<1x16xf32>,
        %get3A_459 = arith.index_cast %scan3A_314 : i32 to index
        %get3A_460 = arith.constant 48 : index
        %get3A_461 = tpu.vector_load %arg23[%get3A_459, %get3A_460] {strides = array<i32>} : memref<40x64xf32, #tpu.memory_space<vmem>>, vector<1x16xf32>,
        %get3A_462 = vector.shape_cast %get3A_461 : vector<1x16xf32> to vector<16xf32>
        %get3A_463 = arith.index_cast %scan3A_314 : i32 to index
        %get3A_464 = arith.constant 48 : index
        %get3A_465 = tpu.vector_load %arg26[%get3A_463, %get3A_464] {strides = array<i32>} : memref<40x128xf32, #tpu.memory_space<vmem>>, vector<1x16xf32>,
        %get3A_466 = vector.shape_cast %get3A_465 : vector<1x16xf32> to vector<16xf32>
        %add3A_467 = arith.addf %get3A_462, %get3A_466 : vector<16xf32>
        %get3A_468 = arith.index_cast %scan3A_314 : i32 to index
        %get3A_469 = arith.constant 48 : index
        %get3A_470 = tpu.vector_load %arg28[%get3A_468, %get3A_469] {strides = array<i32>} : memref<40x128xf32, #tpu.memory_space<vmem>>, vector<1x16xf32>,
        %get3A_471 = vector.shape_cast %get3A_470 : vector<1x16xf32> to vector<16xf32>
        %add3A_472 = arith.addf %add3A_467, %get3A_471 : vector<16xf32>
        %mul3A_473 = arith.mulf %add3A_472, %get3A_16 : vector<16xf32>
        %add3A_474 = arith.addf %mul3A_473, %get3A_28 : vector<16xf32>
        %max3A_475 = arith.constant 0.000000e+00 : f32
        %max3A_476 = vector.broadcast %max3A_475 : f32 to vector<16xf32>
        %max3A_477 = arith.maximumf %add3A_474, %max3A_476 : vector<16xf32>
        %swap3A_478 = arith.index_cast %scan3A_314 : i32 to index
        %swap3A_479 = arith.constant 48 : index
        %swap3A_480 = tpu.vector_load %arg24[%swap3A_478, %swap3A_479] {strides = array<i32>} : memref<40x64xf32, #tpu.memory_space<vmem>>, vector<1x16xf32>,
        %swap3A_481 = vector.shape_cast %swap3A_480 : vector<1x16xf32> to vector<16xf32>
        %swap3A_482 = vector.shape_cast %max3A_477 : vector<16xf32> to vector<1x16xf32>
        tpu.vector_store %arg24[%swap3A_478, %swap3A_479], %swap3A_482 {strides = array<i32>} : memref<40x64xf32, #tpu.memory_space<vmem>>, vector<1x16xf32>,
        %neg3A_483 = arith.constant 0.000000e+00 : f32
        %neg3A_484 = vector.broadcast %neg3A_483 : f32 to vector<16xf32>
        %neg3A_485 = arith.subf %neg3A_484, %add3A_472 : vector<16xf32>
        %exp3A_486 = math.exp %neg3A_485 : vector<16xf32>
        %add3A_487 = arith.constant 1.000000e+00 : f32
        %add3A_488 = vector.broadcast %add3A_487 : f32 to vector<16xf32>
        %add3A_489 = arith.addf %add3A_488, %exp3A_486 : vector<16xf32>
        %div3A_490 = arith.constant 1.000000e+00 : f32
        %div3A_491 = vector.broadcast %div3A_490 : f32 to vector<16xf32>
        %div3A_492 = arith.divf %div3A_491, %add3A_489 : vector<16xf32>
        %get3A_493 = arith.index_cast %scan3A_314 : i32 to index
        %get3A_494 = arith.constant 112 : index
        %get3A_495 = tpu.vector_load %arg26[%get3A_493, %get3A_494] {strides = array<i32>} : memref<40x128xf32, #tpu.memory_space<vmem>>, vector<1x16xf32>,
        %get3A_496 = vector.shape_cast %get3A_495 : vector<1x16xf32> to vector<16xf32>
        %mul3A_497 = arith.mulf %div3A_492, %get3A_496 : vector<16xf32>
        %swap3A_498 = arith.index_cast %scan3A_314 : i32 to index
        %swap3A_499 = arith.constant 48 : index
        %swap3A_500 = tpu.vector_load %arg30[%swap3A_498, %swap3A_499] {strides = array<i32>} : memref<40x128xf32, #tpu.memory_space<vmem>>, vector<1x16xf32>,
        %swap3A_501 = vector.shape_cast %swap3A_500 : vector<1x16xf32> to vector<16xf32>
        %swap3A_502 = vector.shape_cast %mul3A_497 : vector<16xf32> to vector<1x16xf32>
        tpu.vector_store %arg30[%swap3A_498, %swap3A_499], %swap3A_502 {strides = array<i32>} : memref<40x128xf32, #tpu.memory_space<vmem>>, vector<1x16xf32>,
        %swap3A_503 = arith.index_cast %scan3A_314 : i32 to index
        %swap3A_504 = arith.constant 112 : index
        %swap3A_505 = tpu.vector_load %arg30[%swap3A_503, %swap3A_504] {strides = array<i32>} : memref<40x128xf32, #tpu.memory_space<vmem>>, vector<1x16xf32>,
        %swap3A_506 = vector.shape_cast %swap3A_505 : vector<1x16xf32> to vector<16xf32>
        %swap3A_507 = vector.shape_cast %div3A_492 : vector<16xf32> to vector<1x16xf32>
        tpu.vector_store %arg30[%swap3A_503, %swap3A_504], %swap3A_507 {strides = array<i32>} : memref<40x128xf32, #tpu.memory_space<vmem>>, vector<1x16xf32>,
        %scan3A_508 = arith.constant 0 : i32
        scf.yield %scan3A_508 : i32
      }
      %scan3A_297 = arith.constant 40 : i32
      %mul3A_298 = arith.constant 40 : i32
      %mul3A_299 = arith.muli %add3A_251, %mul3A_298 : i32
      %add3A_300 = arith.addi %mul3A_2, %mul3A_299 : i32
      %dma_start3A_301 = arith.constant 0 : i32
      %dma_start3A_302 = tpu.memref_slice %arg12[%add3A_300, %dma_start3A_301] : memref<320000x64xf32, #tpu.memory_space<hbm>> -> memref<40x64xf32, #tpu.memory_space<hbm>>
      %dma_start3A_303 = arith.constant 0 : i32
      %dma_start3A_304 = tpu.memref_slice %arg12[%add3A_300, %dma_start3A_303] : memref<320000x64xf32, #tpu.memory_space<hbm>> -> memref<40x64xf32, #tpu.memory_space<hbm>>
      tpu.enqueue_dma source(%arg24 : memref<40x64xf32, #tpu.memory_space<vmem>>) target(%dma_start3A_304 : memref<40x64xf32, #tpu.memory_space<hbm>>) target_semaphore(%arg39 : memref<!tpu.dma_semaphore, #tpu.memory_space<semaphore_mem>>)
      %dma_start3A_305 = arith.constant 0 : i32
      %dma_start3A_306 = arith.constant 0 : i32
      %dma_start3A_307 = tpu.memref_slice %arg15[%dma_start3A_305, %dma_start3A_306] : memref<10112x128xf32, #tpu.memory_space<vmem_shared>> -> memref<10112x128xf32, #tpu.memory_space<vmem_shared>>
      tpu.enqueue_indirect_dma source(%arg30 : memref<40x128xf32, #tpu.memory_space<vmem>>) target(%dma_start3A_307 : memref<10112x128xf32, #tpu.memory_space<vmem_shared>>) offsets(%arg21 : memref<40xi32, #tpu.memory_space<vmem>>) semaphore(%arg38 : memref<!tpu.dma_semaphore, #tpu.memory_space<semaphore_mem>>) {add = true}
      %lt3A_308 = arith.constant 124 : i32
      %lt3A_309 = arith.cmpi slt, %scan3A_167, %lt3A_308 : i32
      %convert_element_type3A_310 = arith.extui %lt3A_309 : i1 to i32
      %cond3A_311 = arith.constant 0 : i32
      %cond3A_312 = arith.cmpi ne, %convert_element_type3A_310, %cond3A_311 : i32
      scf.if %cond3A_312 {
        %add3A_314 = arith.constant 2 : i32
        %add3A_315 = arith.addi %add3A_251, %add3A_314 : i32
        %mul3A_316 = arith.constant 40 : i32
        %mul3A_317 = arith.muli %add3A_315, %mul3A_316 : i32
        %add3A_318 = arith.addi %mul3A_2, %mul3A_317 : i32
        %dma_start3A_319 = tpu.memref_slice %arg4[%add3A_318] : memref<320000xi32, #tpu.memory_space<hbm>> -> memref<40xi32, #tpu.memory_space<hbm>>
        %dma_start3A_320 = tpu.memref_slice %arg4[%add3A_318] : memref<320000xi32, #tpu.memory_space<hbm>> -> memref<40xi32, #tpu.memory_space<hbm>>
        tpu.enqueue_dma source(%dma_start3A_320 : memref<40xi32, #tpu.memory_space<hbm>>) target(%arg17 : memref<40xi32, #tpu.memory_space<vmem>>) target_semaphore(%arg34 : memref<!tpu.dma_semaphore, #tpu.memory_space<semaphore_mem>>)
        %dma_start3A_321 = tpu.memref_slice %arg5[%add3A_318] : memref<320000xi32, #tpu.memory_space<hbm>> -> memref<40xi32, #tpu.memory_space<hbm>>
        %dma_start3A_322 = tpu.memref_slice %arg5[%add3A_318] : memref<320000xi32, #tpu.memory_space<hbm>> -> memref<40xi32, #tpu.memory_space<hbm>>
        tpu.enqueue_dma source(%dma_start3A_322 : memref<40xi32, #tpu.memory_space<hbm>>) target(%arg19 : memref<40xi32, #tpu.memory_space<vmem>>) target_semaphore(%arg34 : memref<!tpu.dma_semaphore, #tpu.memory_space<semaphore_mem>>)
        %dma_start3A_323 = arith.constant 0 : i32
        %dma_start3A_324 = tpu.memref_slice %arg2[%add3A_318, %dma_start3A_323] : memref<320000x64xf32, #tpu.memory_space<hbm>> -> memref<40x64xf32, #tpu.memory_space<hbm>>
        %dma_start3A_325 = arith.constant 0 : i32
        %dma_start3A_326 = tpu.memref_slice %arg2[%add3A_318, %dma_start3A_325] : memref<320000x64xf32, #tpu.memory_space<hbm>> -> memref<40x64xf32, #tpu.memory_space<hbm>>
        tpu.enqueue_dma source(%dma_start3A_326 : memref<40x64xf32, #tpu.memory_space<hbm>>) target(%arg23 : memref<40x64xf32, #tpu.memory_space<vmem>>) target_semaphore(%arg34 : memref<!tpu.dma_semaphore, #tpu.memory_space<semaphore_mem>>)
      } else {
      }
      %scan3A_313 = arith.constant 0 : i32
      scf.yield %scan3A_313 : i32
    }
    %scan3A_68 = arith.constant 125 : i32
    %add3A_69 = arith.constant 9960 : i32
    %add3A_70 = arith.addi %mul3A_2, %add3A_69 : i32
    %dma_wait3A_71 = arith.constant 0 : i32
    %dma_wait3A_72 = tpu.memref_slice %arg12[%add3A_70, %dma_wait3A_71] : memref<320000x64xf32, #tpu.memory_space<hbm>> -> memref<40x64xf32, #tpu.memory_space<hbm>>
    %dma_wait3A_73 = arith.constant 0 : i32
    %dma_wait3A_74 = tpu.memref_slice %arg12[%add3A_70, %dma_wait3A_73] : memref<320000x64xf32, #tpu.memory_space<hbm>> -> memref<40x64xf32, #tpu.memory_space<hbm>>
    tpu.wait_dma2 semaphore(%arg39 : memref<!tpu.dma_semaphore, #tpu.memory_space<semaphore_mem>>) src(%arg24 : memref<40x64xf32, #tpu.memory_space<vmem>>) dst(%dma_wait3A_74 : memref<40x64xf32, #tpu.memory_space<hbm>>)
    %dma_wait3A_75 = arith.constant 0 : i32
    %dma_wait3A_76 = arith.constant 0 : i32
    %dma_wait3A_77 = tpu.memref_slice %arg15[%dma_wait3A_75, %dma_wait3A_76] : memref<10112x128xf32, #tpu.memory_space<vmem_shared>> -> memref<10112x128xf32, #tpu.memory_space<vmem_shared>>
    tpu.wait_indirect_dma semaphore(%arg37 : memref<!tpu.dma_semaphore, #tpu.memory_space<semaphore_mem>>) src(%arg29 : memref<40x128xf32, #tpu.memory_space<vmem>>) dst(%dma_wait3A_77 : memref<10112x128xf32, #tpu.memory_space<vmem_shared>>)
    %dma_wait3A_78 = arith.constant 0 : i32
    %dma_wait3A_79 = arith.constant 0 : i32
    %dma_wait3A_80 = tpu.memref_slice %arg15[%dma_wait3A_78, %dma_wait3A_79] : memref<10112x128xf32, #tpu.memory_space<vmem_shared>> -> memref<10112x128xf32, #tpu.memory_space<vmem_shared>>
    tpu.wait_indirect_dma semaphore(%arg38 : memref<!tpu.dma_semaphore, #tpu.memory_space<semaphore_mem>>) src(%arg30 : memref<40x128xf32, #tpu.memory_space<vmem>>) dst(%dma_wait3A_80 : memref<10112x128xf32, #tpu.memory_space<vmem_shared>>)
    %barrier3A_81 = arith.constant 0 : index
    tpu.barrier barrier_id(%barrier3A_81)
    %run_scoped3A_82 = arith.constant 0 : i32
    "tpu.region"() ({
      %run_scoped3A_167 = tpu.sem_alloc : memref<!tpu.dma_semaphore, #tpu.memory_space<semaphore_mem>>
      %dma_start3A_168 = arith.constant 0 : i32
      %dma_start3A_169 = tpu.memref_slice %arg14[%arg0, %run_scoped3A_82, %mul3A_5, %dma_start3A_168] : memref<2x2x10112x128xf32, #tpu.memory_space<hbm>> -> memref<1x1x632x128xf32, #tpu.memory_space<hbm>>
      %dma_start3A_170 = tpu.memref_squeeze %dma_start3A_169 : memref<1x1x632x128xf32, #tpu.memory_space<hbm>> -> memref<632x128xf32, #tpu.memory_space<hbm>>
      %dma_start3A_171 = arith.constant 0 : i32
      %dma_start3A_172 = tpu.memref_slice %arg15[%mul3A_5, %dma_start3A_171] : memref<10112x128xf32, #tpu.memory_space<vmem_shared>> -> memref<632x128xf32, #tpu.memory_space<vmem_shared>>
      tpu.enqueue_dma source(%dma_start3A_172 : memref<632x128xf32, #tpu.memory_space<vmem_shared>>) target(%dma_start3A_170 : memref<632x128xf32, #tpu.memory_space<hbm>>) target_semaphore(%run_scoped3A_167 : memref<!tpu.dma_semaphore, #tpu.memory_space<semaphore_mem>>)
      %dma_wait3A_173 = arith.constant 0 : i32
      %dma_wait3A_174 = tpu.memref_slice %arg14[%arg0, %run_scoped3A_82, %mul3A_5, %dma_wait3A_173] : memref<2x2x10112x128xf32, #tpu.memory_space<hbm>> -> memref<1x1x632x128xf32, #tpu.memory_space<hbm>>
      %dma_wait3A_175 = tpu.memref_squeeze %dma_wait3A_174 : memref<1x1x632x128xf32, #tpu.memory_space<hbm>> -> memref<632x128xf32, #tpu.memory_space<hbm>>
      %dma_wait3A_176 = arith.constant 0 : i32
      %dma_wait3A_177 = tpu.memref_slice %arg15[%mul3A_5, %dma_wait3A_176] : memref<10112x128xf32, #tpu.memory_space<vmem_shared>> -> memref<632x128xf32, #tpu.memory_space<vmem_shared>>
      tpu.wait_dma2 semaphore(%run_scoped3A_167 : memref<!tpu.dma_semaphore, #tpu.memory_space<semaphore_mem>>) src(%dma_wait3A_177 : memref<632x128xf32, #tpu.memory_space<vmem_shared>>) dst(%dma_wait3A_175 : memref<632x128xf32, #tpu.memory_space<hbm>>)
      tpu.yield
    }) : () -> ()
    %mul3A_83 = arith.constant 632 : i32
    %mul3A_84 = arith.muli %arg1, %mul3A_83 : i32
    %get3A_85 = arith.constant 64 : index
    %get3A_86 = tpu.vector_load %arg31[%get3A_85] {strides = array<i32>} : memref<128xf32, #tpu.memory_space<vmem>>, vector<16xf32>,
    %get3A_87 = vector.shape_cast %get3A_86 : vector<16xf32> to vector<16xf32>
    %get3A_88 = arith.constant 80 : index
    %get3A_89 = tpu.vector_load %arg31[%get3A_88] {strides = array<i32>} : memref<128xf32, #tpu.memory_space<vmem>>, vector<16xf32>,
    %get3A_90 = vector.shape_cast %get3A_89 : vector<16xf32> to vector<16xf32>
    %get3A_91 = arith.constant 96 : index
    %get3A_92 = tpu.vector_load %arg31[%get3A_91] {strides = array<i32>} : memref<128xf32, #tpu.memory_space<vmem>>, vector<16xf32>,
    %get3A_93 = vector.shape_cast %get3A_92 : vector<16xf32> to vector<16xf32>
    %get3A_94 = arith.constant 112 : index
    %get3A_95 = tpu.vector_load %arg31[%get3A_94] {strides = array<i32>} : memref<128xf32, #tpu.memory_space<vmem>>, vector<16xf32>,
    %get3A_96 = vector.shape_cast %get3A_95 : vector<16xf32> to vector<16xf32>
    %get3A_97 = arith.constant 64 : index
    %get3A_98 = tpu.vector_load %arg32[%get3A_97] {strides = array<i32>} : memref<128xf32, #tpu.memory_space<vmem>>, vector<16xf32>,
    %get3A_99 = vector.shape_cast %get3A_98 : vector<16xf32> to vector<16xf32>
    %get3A_100 = arith.constant 80 : index
    %get3A_101 = tpu.vector_load %arg32[%get3A_100] {strides = array<i32>} : memref<128xf32, #tpu.memory_space<vmem>>, vector<16xf32>,
    %get3A_102 = vector.shape_cast %get3A_101 : vector<16xf32> to vector<16xf32>
    %get3A_103 = arith.constant 96 : index
    %get3A_104 = tpu.vector_load %arg32[%get3A_103] {strides = array<i32>} : memref<128xf32, #tpu.memory_space<vmem>>, vector<16xf32>,
    %get3A_105 = vector.shape_cast %get3A_104 : vector<16xf32> to vector<16xf32>
    %get3A_106 = arith.constant 112 : index
    %get3A_107 = tpu.vector_load %arg32[%get3A_106] {strides = array<i32>} : memref<128xf32, #tpu.memory_space<vmem>>, vector<16xf32>,
    %get3A_108 = vector.shape_cast %get3A_107 : vector<16xf32> to vector<16xf32>
    "tpu.region"() ({
      %run_scoped3A_167 = tpu.sem_alloc : memref<!tpu.dma_semaphore, #tpu.memory_space<semaphore_mem>>
      %dma_start3A_168 = arith.constant 0 : i32
      %dma_start3A_169 = tpu.memref_slice %arg15[%mul3A_84, %dma_start3A_168] : memref<10112x128xf32, #tpu.memory_space<vmem_shared>> -> memref<632x128xf32, #tpu.memory_space<vmem_shared>>
      %dma_start3A_170 = arith.constant 0 : i32
      %dma_start3A_171 = tpu.memref_slice %arg11[%mul3A_84, %dma_start3A_170] : memref<10112x128xf32, #tpu.memory_space<hbm>> -> memref<632x128xf32, #tpu.memory_space<hbm>>
      tpu.enqueue_dma source(%dma_start3A_171 : memref<632x128xf32, #tpu.memory_space<hbm>>) target(%dma_start3A_169 : memref<632x128xf32, #tpu.memory_space<vmem_shared>>) target_semaphore(%run_scoped3A_167 : memref<!tpu.dma_semaphore, #tpu.memory_space<semaphore_mem>>)
      %dma_wait3A_172 = arith.constant 0 : i32
      %dma_wait3A_173 = tpu.memref_slice %arg15[%mul3A_84, %dma_wait3A_172] : memref<10112x128xf32, #tpu.memory_space<vmem_shared>> -> memref<632x128xf32, #tpu.memory_space<vmem_shared>>
      %dma_wait3A_174 = arith.constant 0 : i32
      %dma_wait3A_175 = tpu.memref_slice %arg11[%mul3A_84, %dma_wait3A_174] : memref<10112x128xf32, #tpu.memory_space<hbm>> -> memref<632x128xf32, #tpu.memory_space<hbm>>
      tpu.wait_dma2 semaphore(%run_scoped3A_167 : memref<!tpu.dma_semaphore, #tpu.memory_space<semaphore_mem>>) src(%dma_wait3A_175 : memref<632x128xf32, #tpu.memory_space<hbm>>) dst(%dma_wait3A_173 : memref<632x128xf32, #tpu.memory_space<vmem_shared>>)
      tpu.yield
    }) : () -> ()
    %barrier3A_109 = arith.constant 0 : index
    tpu.barrier barrier_id(%barrier3A_109)
    %add3A_110 = arith.constant 0 : i32
    %add3A_111 = arith.addi %mul3A_2, %add3A_110 : i32
    %dma_start3A_112 = tpu.memref_slice %arg4[%add3A_111] : memref<320000xi32, #tpu.memory_space<hbm>> -> memref<40xi32, #tpu.memory_space<hbm>>
    %dma_start3A_113 = tpu.memref_slice %arg4[%add3A_111] : memref<320000xi32, #tpu.memory_space<hbm>> -> memref<40xi32, #tpu.memory_space<hbm>>
    tpu.enqueue_dma source(%dma_start3A_113 : memref<40xi32, #tpu.memory_space<hbm>>) target(%arg16 : memref<40xi32, #tpu.memory_space<vmem>>) target_semaphore(%arg33 : memref<!tpu.dma_semaphore, #tpu.memory_space<semaphore_mem>>)
    %dma_start3A_114 = tpu.memref_slice %arg5[%add3A_111] : memref<320000xi32, #tpu.memory_space<hbm>> -> memref<40xi32, #tpu.memory_space<hbm>>
    %dma_start3A_115 = tpu.memref_slice %arg5[%add3A_111] : memref<320000xi32, #tpu.memory_space<hbm>> -> memref<40xi32, #tpu.memory_space<hbm>>
    tpu.enqueue_dma source(%dma_start3A_115 : memref<40xi32, #tpu.memory_space<hbm>>) target(%arg18 : memref<40xi32, #tpu.memory_space<vmem>>) target_semaphore(%arg33 : memref<!tpu.dma_semaphore, #tpu.memory_space<semaphore_mem>>)
    %dma_start3A_116 = arith.constant 0 : i32
    %dma_start3A_117 = tpu.memref_slice %arg3[%add3A_111, %dma_start3A_116] : memref<320000x64xf32, #tpu.memory_space<hbm>> -> memref<40x64xf32, #tpu.memory_space<hbm>>
    %dma_start3A_118 = arith.constant 0 : i32
    %dma_start3A_119 = tpu.memref_slice %arg3[%add3A_111, %dma_start3A_118] : memref<320000x64xf32, #tpu.memory_space<hbm>> -> memref<40x64xf32, #tpu.memory_space<hbm>>
    tpu.enqueue_dma source(%dma_start3A_119 : memref<40x64xf32, #tpu.memory_space<hbm>>) target(%arg22 : memref<40x64xf32, #tpu.memory_space<vmem>>) target_semaphore(%arg33 : memref<!tpu.dma_semaphore, #tpu.memory_space<semaphore_mem>>)
    %add3A_120 = arith.constant 40 : i32
    %add3A_121 = arith.addi %mul3A_2, %add3A_120 : i32
    %dma_start3A_122 = tpu.memref_slice %arg4[%add3A_121] : memref<320000xi32, #tpu.memory_space<hbm>> -> memref<40xi32, #tpu.memory_space<hbm>>
    %dma_start3A_123 = tpu.memref_slice %arg4[%add3A_121] : memref<320000xi32, #tpu.memory_space<hbm>> -> memref<40xi32, #tpu.memory_space<hbm>>
    tpu.enqueue_dma source(%dma_start3A_123 : memref<40xi32, #tpu.memory_space<hbm>>) target(%arg17 : memref<40xi32, #tpu.memory_space<vmem>>) target_semaphore(%arg34 : memref<!tpu.dma_semaphore, #tpu.memory_space<semaphore_mem>>)
    %dma_start3A_124 = tpu.memref_slice %arg5[%add3A_121] : memref<320000xi32, #tpu.memory_space<hbm>> -> memref<40xi32, #tpu.memory_space<hbm>>
    %dma_start3A_125 = tpu.memref_slice %arg5[%add3A_121] : memref<320000xi32, #tpu.memory_space<hbm>> -> memref<40xi32, #tpu.memory_space<hbm>>
    tpu.enqueue_dma source(%dma_start3A_125 : memref<40xi32, #tpu.memory_space<hbm>>) target(%arg19 : memref<40xi32, #tpu.memory_space<vmem>>) target_semaphore(%arg34 : memref<!tpu.dma_semaphore, #tpu.memory_space<semaphore_mem>>)
    %dma_start3A_126 = arith.constant 0 : i32
    %dma_start3A_127 = tpu.memref_slice %arg3[%add3A_121, %dma_start3A_126] : memref<320000x64xf32, #tpu.memory_space<hbm>> -> memref<40x64xf32, #tpu.memory_space<hbm>>
    %dma_start3A_128 = arith.constant 0 : i32
    %dma_start3A_129 = tpu.memref_slice %arg3[%add3A_121, %dma_start3A_128] : memref<320000x64xf32, #tpu.memory_space<hbm>> -> memref<40x64xf32, #tpu.memory_space<hbm>>
    tpu.enqueue_dma source(%dma_start3A_129 : memref<40x64xf32, #tpu.memory_space<hbm>>) target(%arg23 : memref<40x64xf32, #tpu.memory_space<vmem>>) target_semaphore(%arg34 : memref<!tpu.dma_semaphore, #tpu.memory_space<semaphore_mem>>)
    %add3A_130 = arith.constant 0 : i32
    %add3A_131 = arith.addi %mul3A_2, %add3A_130 : i32
    %dma_wait3A_132 = tpu.memref_slice %arg4[%add3A_131] : memref<320000xi32, #tpu.memory_space<hbm>> -> memref<40xi32, #tpu.memory_space<hbm>>
    %dma_wait3A_133 = tpu.memref_slice %arg4[%add3A_131] : memref<320000xi32, #tpu.memory_space<hbm>> -> memref<40xi32, #tpu.memory_space<hbm>>
    tpu.wait_dma2 semaphore(%arg33 : memref<!tpu.dma_semaphore, #tpu.memory_space<semaphore_mem>>) src(%dma_wait3A_133 : memref<40xi32, #tpu.memory_space<hbm>>) dst(%arg16 : memref<40xi32, #tpu.memory_space<vmem>>)
    %dma_wait3A_134 = tpu.memref_slice %arg5[%add3A_131] : memref<320000xi32, #tpu.memory_space<hbm>> -> memref<40xi32, #tpu.memory_space<hbm>>
    %dma_wait3A_135 = tpu.memref_slice %arg5[%add3A_131] : memref<320000xi32, #tpu.memory_space<hbm>> -> memref<40xi32, #tpu.memory_space<hbm>>
    tpu.wait_dma2 semaphore(%arg33 : memref<!tpu.dma_semaphore, #tpu.memory_space<semaphore_mem>>) src(%dma_wait3A_135 : memref<40xi32, #tpu.memory_space<hbm>>) dst(%arg18 : memref<40xi32, #tpu.memory_space<vmem>>)
    %dma_wait3A_136 = arith.constant 0 : i32
    %dma_wait3A_137 = tpu.memref_slice %arg3[%add3A_131, %dma_wait3A_136] : memref<320000x64xf32, #tpu.memory_space<hbm>> -> memref<40x64xf32, #tpu.memory_space<hbm>>
    %dma_wait3A_138 = arith.constant 0 : i32
    %dma_wait3A_139 = tpu.memref_slice %arg3[%add3A_131, %dma_wait3A_138] : memref<320000x64xf32, #tpu.memory_space<hbm>> -> memref<40x64xf32, #tpu.memory_space<hbm>>
    tpu.wait_dma2 semaphore(%arg33 : memref<!tpu.dma_semaphore, #tpu.memory_space<semaphore_mem>>) src(%dma_wait3A_139 : memref<40x64xf32, #tpu.memory_space<hbm>>) dst(%arg22 : memref<40x64xf32, #tpu.memory_space<vmem>>)
    %dma_start3A_140 = arith.constant 0 : i32
    %dma_start3A_141 = arith.constant 0 : i32
    %dma_start3A_142 = tpu.memref_slice %arg7[%dma_start3A_140, %dma_start3A_141] : memref<10000x128xf32, #tpu.memory_space<hbm>> -> memref<10000x128xf32, #tpu.memory_space<hbm>>
    tpu.enqueue_indirect_dma source(%dma_start3A_142 : memref<10000x128xf32, #tpu.memory_space<hbm>>) target(%arg25 : memref<40x128xf32, #tpu.memory_space<vmem>>) offsets(%arg16 : memref<40xi32, #tpu.memory_space<vmem>>) semaphore(%arg35 : memref<!tpu.dma_semaphore, #tpu.memory_space<semaphore_mem>>)
    %dma_start3A_143 = arith.constant 0 : i32
    %dma_start3A_144 = arith.constant 0 : i32
    %dma_start3A_145 = tpu.memref_slice %arg8[%dma_start3A_143, %dma_start3A_144] : memref<10000x128xf32, #tpu.memory_space<hbm>> -> memref<10000x128xf32, #tpu.memory_space<hbm>>
    tpu.enqueue_indirect_dma source(%dma_start3A_145 : memref<10000x128xf32, #tpu.memory_space<hbm>>) target(%arg27 : memref<40x128xf32, #tpu.memory_space<vmem>>) offsets(%arg18 : memref<40xi32, #tpu.memory_space<vmem>>) semaphore(%arg35 : memref<!tpu.dma_semaphore, #tpu.memory_space<semaphore_mem>>)
    %scan3A_146 = arith.constant 0 : i32
    %scan3A_147 = arith.constant 0 : i32
    %scan3A_148 = arith.constant 125 : i32
    %scan3A_149 = arith.addi %scan3A_147, %scan3A_148 : i32
    %scan3A_150 = arith.constant 1 : i32
    %scan3A_151 = scf.for %scan3A_167 = %scan3A_147 to %scan3A_149 step %scan3A_150 iter_args(%scan3A_168 = %scan3A_146) -> (i32)  : i32 {
      %mul3A_169 = arith.constant 2 : i32
      %mul3A_170 = arith.muli %mul3A_169, %scan3A_167 : i32
      %add3A_171 = arith.constant 1 : i32
      %add3A_172 = arith.addi %mul3A_170, %add3A_171 : i32
      %mul3A_173 = arith.constant 40 : i32
      %mul3A_174 = arith.muli %add3A_172, %mul3A_173 : i32
      %add3A_175 = arith.addi %mul3A_2, %mul3A_174 : i32
      %dma_wait3A_176 = tpu.memref_slice %arg4[%add3A_175] : memref<320000xi32, #tpu.memory_space<hbm>> -> memref<40xi32, #tpu.memory_space<hbm>>
      %dma_wait3A_177 = tpu.memref_slice %arg4[%add3A_175] : memref<320000xi32, #tpu.memory_space<hbm>> -> memref<40xi32, #tpu.memory_space<hbm>>
      tpu.wait_dma2 semaphore(%arg34 : memref<!tpu.dma_semaphore, #tpu.memory_space<semaphore_mem>>) src(%dma_wait3A_177 : memref<40xi32, #tpu.memory_space<hbm>>) dst(%arg17 : memref<40xi32, #tpu.memory_space<vmem>>)
      %dma_wait3A_178 = tpu.memref_slice %arg5[%add3A_175] : memref<320000xi32, #tpu.memory_space<hbm>> -> memref<40xi32, #tpu.memory_space<hbm>>
      %dma_wait3A_179 = tpu.memref_slice %arg5[%add3A_175] : memref<320000xi32, #tpu.memory_space<hbm>> -> memref<40xi32, #tpu.memory_space<hbm>>
      tpu.wait_dma2 semaphore(%arg34 : memref<!tpu.dma_semaphore, #tpu.memory_space<semaphore_mem>>) src(%dma_wait3A_179 : memref<40xi32, #tpu.memory_space<hbm>>) dst(%arg19 : memref<40xi32, #tpu.memory_space<vmem>>)
      %dma_wait3A_180 = arith.constant 0 : i32
      %dma_wait3A_181 = tpu.memref_slice %arg3[%add3A_175, %dma_wait3A_180] : memref<320000x64xf32, #tpu.memory_space<hbm>> -> memref<40x64xf32, #tpu.memory_space<hbm>>
      %dma_wait3A_182 = arith.constant 0 : i32
      %dma_wait3A_183 = tpu.memref_slice %arg3[%add3A_175, %dma_wait3A_182] : memref<320000x64xf32, #tpu.memory_space<hbm>> -> memref<40x64xf32, #tpu.memory_space<hbm>>
      tpu.wait_dma2 semaphore(%arg34 : memref<!tpu.dma_semaphore, #tpu.memory_space<semaphore_mem>>) src(%dma_wait3A_183 : memref<40x64xf32, #tpu.memory_space<hbm>>) dst(%arg23 : memref<40x64xf32, #tpu.memory_space<vmem>>)
      %dma_start3A_184 = arith.constant 0 : i32
      %dma_start3A_185 = arith.constant 0 : i32
      %dma_start3A_186 = tpu.memref_slice %arg7[%dma_start3A_184, %dma_start3A_185] : memref<10000x128xf32, #tpu.memory_space<hbm>> -> memref<10000x128xf32, #tpu.memory_space<hbm>>
      tpu.enqueue_indirect_dma source(%dma_start3A_186 : memref<10000x128xf32, #tpu.memory_space<hbm>>) target(%arg26 : memref<40x128xf32, #tpu.memory_space<vmem>>) offsets(%arg17 : memref<40xi32, #tpu.memory_space<vmem>>) semaphore(%arg36 : memref<!tpu.dma_semaphore, #tpu.memory_space<semaphore_mem>>)
      %dma_start3A_187 = arith.constant 0 : i32
      %dma_start3A_188 = arith.constant 0 : i32
      %dma_start3A_189 = tpu.memref_slice %arg8[%dma_start3A_187, %dma_start3A_188] : memref<10000x128xf32, #tpu.memory_space<hbm>> -> memref<10000x128xf32, #tpu.memory_space<hbm>>
      tpu.enqueue_indirect_dma source(%dma_start3A_189 : memref<10000x128xf32, #tpu.memory_space<hbm>>) target(%arg28 : memref<40x128xf32, #tpu.memory_space<vmem>>) offsets(%arg19 : memref<40xi32, #tpu.memory_space<vmem>>) semaphore(%arg36 : memref<!tpu.dma_semaphore, #tpu.memory_space<semaphore_mem>>)
      %sub3A = arith.constant 1 : i32
      %sub3A_190 = arith.subi %mul3A_170, %sub3A : i32
      %dma_wait3A_191 = arith.constant 0 : i32
      %dma_wait3A_192 = arith.constant 0 : i32
      %dma_wait3A_193 = tpu.memref_slice %arg7[%dma_wait3A_191, %dma_wait3A_192] : memref<10000x128xf32, #tpu.memory_space<hbm>> -> memref<10000x128xf32, #tpu.memory_space<hbm>>
      tpu.wait_indirect_dma semaphore(%arg35 : memref<!tpu.dma_semaphore, #tpu.memory_space<semaphore_mem>>) src(%dma_wait3A_193 : memref<10000x128xf32, #tpu.memory_space<hbm>>) dst(%arg25 : memref<40x128xf32, #tpu.memory_space<vmem>>)
      %dma_wait3A_194 = arith.constant 0 : i32
      %dma_wait3A_195 = arith.constant 0 : i32
      %dma_wait3A_196 = tpu.memref_slice %arg8[%dma_wait3A_194, %dma_wait3A_195] : memref<10000x128xf32, #tpu.memory_space<hbm>> -> memref<10000x128xf32, #tpu.memory_space<hbm>>
      tpu.wait_indirect_dma semaphore(%arg35 : memref<!tpu.dma_semaphore, #tpu.memory_space<semaphore_mem>>) src(%dma_wait3A_196 : memref<10000x128xf32, #tpu.memory_space<hbm>>) dst(%arg27 : memref<40x128xf32, #tpu.memory_space<vmem>>)
      %ge3A = arith.constant 1 : i32
      %ge3A_197 = arith.cmpi sge, %scan3A_167, %ge3A : i32
      %convert_element_type3A = arith.extui %ge3A_197 : i1 to i32
      %cond3A = arith.constant 0 : i32
      %cond3A_198 = arith.cmpi ne, %convert_element_type3A, %cond3A : i32
      scf.if %cond3A_198 {
        %dma_wait3A_314 = arith.constant 0 : i32
        %dma_wait3A_315 = arith.constant 0 : i32
        %dma_wait3A_316 = tpu.memref_slice %arg15[%dma_wait3A_314, %dma_wait3A_315] : memref<10112x128xf32, #tpu.memory_space<vmem_shared>> -> memref<10112x128xf32, #tpu.memory_space<vmem_shared>>
        tpu.wait_indirect_dma semaphore(%arg37 : memref<!tpu.dma_semaphore, #tpu.memory_space<semaphore_mem>>) src(%arg29 : memref<40x128xf32, #tpu.memory_space<vmem>>) dst(%dma_wait3A_316 : memref<10112x128xf32, #tpu.memory_space<vmem_shared>>)
      } else {
      }
      %get3A_199 = arith.constant 0 : index
      %get3A_200 = tpu.vector_load %arg18[%get3A_199] {strides = array<i32>} : memref<40xi32, #tpu.memory_space<vmem>>, vector<16xi32>,
      %get3A_201 = vector.shape_cast %get3A_200 : vector<16xi32> to vector<16xi32>
      %swap3A = arith.constant 0 : index
      %swap3A_202 = tpu.vector_load %arg20[%swap3A] {strides = array<i32>} : memref<40xi32, #tpu.memory_space<vmem>>, vector<16xi32>,
      %swap3A_203 = vector.shape_cast %swap3A_202 : vector<16xi32> to vector<16xi32>
      %swap3A_204 = vector.shape_cast %get3A_201 : vector<16xi32> to vector<16xi32>
      tpu.vector_store %arg20[%swap3A], %swap3A_204 {strides = array<i32>} : memref<40xi32, #tpu.memory_space<vmem>>, vector<16xi32>,
      %get3A_205 = arith.constant 16 : index
      %get3A_206 = tpu.vector_load %arg18[%get3A_205] {strides = array<i32>} : memref<40xi32, #tpu.memory_space<vmem>>, vector<16xi32>,
      %get3A_207 = vector.shape_cast %get3A_206 : vector<16xi32> to vector<16xi32>
      %swap3A_208 = arith.constant 16 : index
      %swap3A_209 = tpu.vector_load %arg20[%swap3A_208] {strides = array<i32>} : memref<40xi32, #tpu.memory_space<vmem>>, vector<16xi32>,
      %swap3A_210 = vector.shape_cast %swap3A_209 : vector<16xi32> to vector<16xi32>
      %swap3A_211 = vector.shape_cast %get3A_207 : vector<16xi32> to vector<16xi32>
      tpu.vector_store %arg20[%swap3A_208], %swap3A_211 {strides = array<i32>} : memref<40xi32, #tpu.memory_space<vmem>>, vector<16xi32>,
      %get3A_212 = arith.constant 24 : index
      %get3A_213 = tpu.vector_load %arg18[%get3A_212] {strides = array<i32>} : memref<40xi32, #tpu.memory_space<vmem>>, vector<16xi32>,
      %get3A_214 = vector.shape_cast %get3A_213 : vector<16xi32> to vector<16xi32>
      %swap3A_215 = arith.constant 24 : index
      %swap3A_216 = tpu.vector_load %arg20[%swap3A_215] {strides = array<i32>} : memref<40xi32, #tpu.memory_space<vmem>>, vector<16xi32>,
      %swap3A_217 = vector.shape_cast %swap3A_216 : vector<16xi32> to vector<16xi32>
      %swap3A_218 = vector.shape_cast %get3A_214 : vector<16xi32> to vector<16xi32>
      tpu.vector_store %arg20[%swap3A_215], %swap3A_218 {strides = array<i32>} : memref<40xi32, #tpu.memory_space<vmem>>, vector<16xi32>,
      %ge3A_219 = arith.constant 1 : i32
      %ge3A_220 = arith.cmpi sge, %scan3A_167, %ge3A_219 : i32
      %convert_element_type3A_221 = arith.extui %ge3A_220 : i1 to i32
      %cond3A_222 = arith.constant 0 : i32
      %cond3A_223 = arith.cmpi ne, %convert_element_type3A_221, %cond3A_222 : i32
      scf.if %cond3A_223 {
        %mul3A_314 = arith.constant 40 : i32
        %mul3A_315 = arith.muli %sub3A_190, %mul3A_314 : i32
        %add3A_316 = arith.addi %mul3A_2, %mul3A_315 : i32
        %dma_wait3A_317 = arith.constant 0 : i32
        %dma_wait3A_318 = tpu.memref_slice %arg13[%add3A_316, %dma_wait3A_317] : memref<320000x64xf32, #tpu.memory_space<hbm>> -> memref<40x64xf32, #tpu.memory_space<hbm>>
        %dma_wait3A_319 = arith.constant 0 : i32
        %dma_wait3A_320 = tpu.memref_slice %arg13[%add3A_316, %dma_wait3A_319] : memref<320000x64xf32, #tpu.memory_space<hbm>> -> memref<40x64xf32, #tpu.memory_space<hbm>>
        tpu.wait_dma2 semaphore(%arg39 : memref<!tpu.dma_semaphore, #tpu.memory_space<semaphore_mem>>) src(%arg24 : memref<40x64xf32, #tpu.memory_space<vmem>>) dst(%dma_wait3A_320 : memref<40x64xf32, #tpu.memory_space<hbm>>)
      } else {
      }
      %scan3A_224 = arith.constant 0 : i32
      %scan3A_225 = arith.constant 0 : i32
      %scan3A_226 = arith.constant 40 : i32
      %scan3A_227 = arith.addi %scan3A_225, %scan3A_226 : i32
      %scan3A_228 = arith.constant 1 : i32
      %scan3A_229 = scf.for %scan3A_314 = %scan3A_225 to %scan3A_227 step %scan3A_228 iter_args(%scan3A_315 = %scan3A_224) -> (i32)  : i32 {
        %get3A_316 = arith.index_cast %scan3A_314 : i32 to index
        %get3A_317 = arith.constant 0 : index
        %get3A_318 = tpu.vector_load %arg22[%get3A_316, %get3A_317] {strides = array<i32>} : memref<40x64xf32, #tpu.memory_space<vmem>>, vector<1x16xf32>,
        %get3A_319 = vector.shape_cast %get3A_318 : vector<1x16xf32> to vector<16xf32>
        %get3A_320 = arith.index_cast %scan3A_314 : i32 to index
        %get3A_321 = arith.constant 0 : index
        %get3A_322 = tpu.vector_load %arg25[%get3A_320, %get3A_321] {strides = array<i32>} : memref<40x128xf32, #tpu.memory_space<vmem>>, vector<1x16xf32>,
        %get3A_323 = vector.shape_cast %get3A_322 : vector<1x16xf32> to vector<16xf32>
        %add3A_324 = arith.addf %get3A_319, %get3A_323 : vector<16xf32>
        %get3A_325 = arith.index_cast %scan3A_314 : i32 to index
        %get3A_326 = arith.constant 64 : index
        %get3A_327 = tpu.vector_load %arg27[%get3A_325, %get3A_326] {strides = array<i32>} : memref<40x128xf32, #tpu.memory_space<vmem>>, vector<1x16xf32>,
        %get3A_328 = vector.shape_cast %get3A_327 : vector<1x16xf32> to vector<16xf32>
        %add3A_329 = arith.addf %add3A_324, %get3A_328 : vector<16xf32>
        %mul3A_330 = arith.mulf %add3A_329, %get3A_87 : vector<16xf32>
        %add3A_331 = arith.addf %mul3A_330, %get3A_99 : vector<16xf32>
        %max3A = arith.constant 0.000000e+00 : f32
        %max3A_332 = vector.broadcast %max3A : f32 to vector<16xf32>
        %max3A_333 = arith.maximumf %add3A_331, %max3A_332 : vector<16xf32>
        %swap3A_334 = arith.index_cast %scan3A_314 : i32 to index
        %swap3A_335 = arith.constant 0 : index
        %swap3A_336 = tpu.vector_load %arg24[%swap3A_334, %swap3A_335] {strides = array<i32>} : memref<40x64xf32, #tpu.memory_space<vmem>>, vector<1x16xf32>,
        %swap3A_337 = vector.shape_cast %swap3A_336 : vector<1x16xf32> to vector<16xf32>
        %swap3A_338 = vector.shape_cast %max3A_333 : vector<16xf32> to vector<1x16xf32>
        tpu.vector_store %arg24[%swap3A_334, %swap3A_335], %swap3A_338 {strides = array<i32>} : memref<40x64xf32, #tpu.memory_space<vmem>>, vector<1x16xf32>,
        %neg3A = arith.constant 0.000000e+00 : f32
        %neg3A_339 = vector.broadcast %neg3A : f32 to vector<16xf32>
        %neg3A_340 = arith.subf %neg3A_339, %add3A_329 : vector<16xf32>
        %exp3A = math.exp %neg3A_340 : vector<16xf32>
        %add3A_341 = arith.constant 1.000000e+00 : f32
        %add3A_342 = vector.broadcast %add3A_341 : f32 to vector<16xf32>
        %add3A_343 = arith.addf %add3A_342, %exp3A : vector<16xf32>
        %div3A = arith.constant 1.000000e+00 : f32
        %div3A_344 = vector.broadcast %div3A : f32 to vector<16xf32>
        %div3A_345 = arith.divf %div3A_344, %add3A_343 : vector<16xf32>
        %get3A_346 = arith.index_cast %scan3A_314 : i32 to index
        %get3A_347 = arith.constant 64 : index
        %get3A_348 = tpu.vector_load %arg25[%get3A_346, %get3A_347] {strides = array<i32>} : memref<40x128xf32, #tpu.memory_space<vmem>>, vector<1x16xf32>,
        %get3A_349 = vector.shape_cast %get3A_348 : vector<1x16xf32> to vector<16xf32>
        %mul3A_350 = arith.mulf %div3A_345, %get3A_349 : vector<16xf32>
        %swap3A_351 = arith.index_cast %scan3A_314 : i32 to index
        %swap3A_352 = arith.constant 0 : index
        %swap3A_353 = tpu.vector_load %arg29[%swap3A_351, %swap3A_352] {strides = array<i32>} : memref<40x128xf32, #tpu.memory_space<vmem>>, vector<1x16xf32>,
        %swap3A_354 = vector.shape_cast %swap3A_353 : vector<1x16xf32> to vector<16xf32>
        %swap3A_355 = vector.shape_cast %mul3A_350 : vector<16xf32> to vector<1x16xf32>
        tpu.vector_store %arg29[%swap3A_351, %swap3A_352], %swap3A_355 {strides = array<i32>} : memref<40x128xf32, #tpu.memory_space<vmem>>, vector<1x16xf32>,
        %swap3A_356 = arith.index_cast %scan3A_314 : i32 to index
        %swap3A_357 = arith.constant 64 : index
        %swap3A_358 = tpu.vector_load %arg29[%swap3A_356, %swap3A_357] {strides = array<i32>} : memref<40x128xf32, #tpu.memory_space<vmem>>, vector<1x16xf32>,
        %swap3A_359 = vector.shape_cast %swap3A_358 : vector<1x16xf32> to vector<16xf32>
        %swap3A_360 = vector.shape_cast %div3A_345 : vector<16xf32> to vector<1x16xf32>
        tpu.vector_store %arg29[%swap3A_356, %swap3A_357], %swap3A_360 {strides = array<i32>} : memref<40x128xf32, #tpu.memory_space<vmem>>, vector<1x16xf32>,
        %get3A_361 = arith.index_cast %scan3A_314 : i32 to index
        %get3A_362 = arith.constant 16 : index
        %get3A_363 = tpu.vector_load %arg22[%get3A_361, %get3A_362] {strides = array<i32>} : memref<40x64xf32, #tpu.memory_space<vmem>>, vector<1x16xf32>,
        %get3A_364 = vector.shape_cast %get3A_363 : vector<1x16xf32> to vector<16xf32>
        %get3A_365 = arith.index_cast %scan3A_314 : i32 to index
        %get3A_366 = arith.constant 16 : index
        %get3A_367 = tpu.vector_load %arg25[%get3A_365, %get3A_366] {strides = array<i32>} : memref<40x128xf32, #tpu.memory_space<vmem>>, vector<1x16xf32>,
        %get3A_368 = vector.shape_cast %get3A_367 : vector<1x16xf32> to vector<16xf32>
        %add3A_369 = arith.addf %get3A_364, %get3A_368 : vector<16xf32>
        %get3A_370 = arith.index_cast %scan3A_314 : i32 to index
        %get3A_371 = arith.constant 80 : index
        %get3A_372 = tpu.vector_load %arg27[%get3A_370, %get3A_371] {strides = array<i32>} : memref<40x128xf32, #tpu.memory_space<vmem>>, vector<1x16xf32>,
        %get3A_373 = vector.shape_cast %get3A_372 : vector<1x16xf32> to vector<16xf32>
        %add3A_374 = arith.addf %add3A_369, %get3A_373 : vector<16xf32>
        %mul3A_375 = arith.mulf %add3A_374, %get3A_90 : vector<16xf32>
        %add3A_376 = arith.addf %mul3A_375, %get3A_102 : vector<16xf32>
        %max3A_377 = arith.constant 0.000000e+00 : f32
        %max3A_378 = vector.broadcast %max3A_377 : f32 to vector<16xf32>
        %max3A_379 = arith.maximumf %add3A_376, %max3A_378 : vector<16xf32>
        %swap3A_380 = arith.index_cast %scan3A_314 : i32 to index
        %swap3A_381 = arith.constant 16 : index
        %swap3A_382 = tpu.vector_load %arg24[%swap3A_380, %swap3A_381] {strides = array<i32>} : memref<40x64xf32, #tpu.memory_space<vmem>>, vector<1x16xf32>,
        %swap3A_383 = vector.shape_cast %swap3A_382 : vector<1x16xf32> to vector<16xf32>
        %swap3A_384 = vector.shape_cast %max3A_379 : vector<16xf32> to vector<1x16xf32>
        tpu.vector_store %arg24[%swap3A_380, %swap3A_381], %swap3A_384 {strides = array<i32>} : memref<40x64xf32, #tpu.memory_space<vmem>>, vector<1x16xf32>,
        %neg3A_385 = arith.constant 0.000000e+00 : f32
        %neg3A_386 = vector.broadcast %neg3A_385 : f32 to vector<16xf32>
        %neg3A_387 = arith.subf %neg3A_386, %add3A_374 : vector<16xf32>
        %exp3A_388 = math.exp %neg3A_387 : vector<16xf32>
        %add3A_389 = arith.constant 1.000000e+00 : f32
        %add3A_390 = vector.broadcast %add3A_389 : f32 to vector<16xf32>
        %add3A_391 = arith.addf %add3A_390, %exp3A_388 : vector<16xf32>
        %div3A_392 = arith.constant 1.000000e+00 : f32
        %div3A_393 = vector.broadcast %div3A_392 : f32 to vector<16xf32>
        %div3A_394 = arith.divf %div3A_393, %add3A_391 : vector<16xf32>
        %get3A_395 = arith.index_cast %scan3A_314 : i32 to index
        %get3A_396 = arith.constant 80 : index
        %get3A_397 = tpu.vector_load %arg25[%get3A_395, %get3A_396] {strides = array<i32>} : memref<40x128xf32, #tpu.memory_space<vmem>>, vector<1x16xf32>,
        %get3A_398 = vector.shape_cast %get3A_397 : vector<1x16xf32> to vector<16xf32>
        %mul3A_399 = arith.mulf %div3A_394, %get3A_398 : vector<16xf32>
        %swap3A_400 = arith.index_cast %scan3A_314 : i32 to index
        %swap3A_401 = arith.constant 16 : index
        %swap3A_402 = tpu.vector_load %arg29[%swap3A_400, %swap3A_401] {strides = array<i32>} : memref<40x128xf32, #tpu.memory_space<vmem>>, vector<1x16xf32>,
        %swap3A_403 = vector.shape_cast %swap3A_402 : vector<1x16xf32> to vector<16xf32>
        %swap3A_404 = vector.shape_cast %mul3A_399 : vector<16xf32> to vector<1x16xf32>
        tpu.vector_store %arg29[%swap3A_400, %swap3A_401], %swap3A_404 {strides = array<i32>} : memref<40x128xf32, #tpu.memory_space<vmem>>, vector<1x16xf32>,
        %swap3A_405 = arith.index_cast %scan3A_314 : i32 to index
        %swap3A_406 = arith.constant 80 : index
        %swap3A_407 = tpu.vector_load %arg29[%swap3A_405, %swap3A_406] {strides = array<i32>} : memref<40x128xf32, #tpu.memory_space<vmem>>, vector<1x16xf32>,
        %swap3A_408 = vector.shape_cast %swap3A_407 : vector<1x16xf32> to vector<16xf32>
        %swap3A_409 = vector.shape_cast %div3A_394 : vector<16xf32> to vector<1x16xf32>
        tpu.vector_store %arg29[%swap3A_405, %swap3A_406], %swap3A_409 {strides = array<i32>} : memref<40x128xf32, #tpu.memory_space<vmem>>, vector<1x16xf32>,
        %get3A_410 = arith.index_cast %scan3A_314 : i32 to index
        %get3A_411 = arith.constant 32 : index
        %get3A_412 = tpu.vector_load %arg22[%get3A_410, %get3A_411] {strides = array<i32>} : memref<40x64xf32, #tpu.memory_space<vmem>>, vector<1x16xf32>,
        %get3A_413 = vector.shape_cast %get3A_412 : vector<1x16xf32> to vector<16xf32>
        %get3A_414 = arith.index_cast %scan3A_314 : i32 to index
        %get3A_415 = arith.constant 32 : index
        %get3A_416 = tpu.vector_load %arg25[%get3A_414, %get3A_415] {strides = array<i32>} : memref<40x128xf32, #tpu.memory_space<vmem>>, vector<1x16xf32>,
        %get3A_417 = vector.shape_cast %get3A_416 : vector<1x16xf32> to vector<16xf32>
        %add3A_418 = arith.addf %get3A_413, %get3A_417 : vector<16xf32>
        %get3A_419 = arith.index_cast %scan3A_314 : i32 to index
        %get3A_420 = arith.constant 96 : index
        %get3A_421 = tpu.vector_load %arg27[%get3A_419, %get3A_420] {strides = array<i32>} : memref<40x128xf32, #tpu.memory_space<vmem>>, vector<1x16xf32>,
        %get3A_422 = vector.shape_cast %get3A_421 : vector<1x16xf32> to vector<16xf32>
        %add3A_423 = arith.addf %add3A_418, %get3A_422 : vector<16xf32>
        %mul3A_424 = arith.mulf %add3A_423, %get3A_93 : vector<16xf32>
        %add3A_425 = arith.addf %mul3A_424, %get3A_105 : vector<16xf32>
        %max3A_426 = arith.constant 0.000000e+00 : f32
        %max3A_427 = vector.broadcast %max3A_426 : f32 to vector<16xf32>
        %max3A_428 = arith.maximumf %add3A_425, %max3A_427 : vector<16xf32>
        %swap3A_429 = arith.index_cast %scan3A_314 : i32 to index
        %swap3A_430 = arith.constant 32 : index
        %swap3A_431 = tpu.vector_load %arg24[%swap3A_429, %swap3A_430] {strides = array<i32>} : memref<40x64xf32, #tpu.memory_space<vmem>>, vector<1x16xf32>,
        %swap3A_432 = vector.shape_cast %swap3A_431 : vector<1x16xf32> to vector<16xf32>
        %swap3A_433 = vector.shape_cast %max3A_428 : vector<16xf32> to vector<1x16xf32>
        tpu.vector_store %arg24[%swap3A_429, %swap3A_430], %swap3A_433 {strides = array<i32>} : memref<40x64xf32, #tpu.memory_space<vmem>>, vector<1x16xf32>,
        %neg3A_434 = arith.constant 0.000000e+00 : f32
        %neg3A_435 = vector.broadcast %neg3A_434 : f32 to vector<16xf32>
        %neg3A_436 = arith.subf %neg3A_435, %add3A_423 : vector<16xf32>
        %exp3A_437 = math.exp %neg3A_436 : vector<16xf32>
        %add3A_438 = arith.constant 1.000000e+00 : f32
        %add3A_439 = vector.broadcast %add3A_438 : f32 to vector<16xf32>
        %add3A_440 = arith.addf %add3A_439, %exp3A_437 : vector<16xf32>
        %div3A_441 = arith.constant 1.000000e+00 : f32
        %div3A_442 = vector.broadcast %div3A_441 : f32 to vector<16xf32>
        %div3A_443 = arith.divf %div3A_442, %add3A_440 : vector<16xf32>
        %get3A_444 = arith.index_cast %scan3A_314 : i32 to index
        %get3A_445 = arith.constant 96 : index
        %get3A_446 = tpu.vector_load %arg25[%get3A_444, %get3A_445] {strides = array<i32>} : memref<40x128xf32, #tpu.memory_space<vmem>>, vector<1x16xf32>,
        %get3A_447 = vector.shape_cast %get3A_446 : vector<1x16xf32> to vector<16xf32>
        %mul3A_448 = arith.mulf %div3A_443, %get3A_447 : vector<16xf32>
        %swap3A_449 = arith.index_cast %scan3A_314 : i32 to index
        %swap3A_450 = arith.constant 32 : index
        %swap3A_451 = tpu.vector_load %arg29[%swap3A_449, %swap3A_450] {strides = array<i32>} : memref<40x128xf32, #tpu.memory_space<vmem>>, vector<1x16xf32>,
        %swap3A_452 = vector.shape_cast %swap3A_451 : vector<1x16xf32> to vector<16xf32>
        %swap3A_453 = vector.shape_cast %mul3A_448 : vector<16xf32> to vector<1x16xf32>
        tpu.vector_store %arg29[%swap3A_449, %swap3A_450], %swap3A_453 {strides = array<i32>} : memref<40x128xf32, #tpu.memory_space<vmem>>, vector<1x16xf32>,
        %swap3A_454 = arith.index_cast %scan3A_314 : i32 to index
        %swap3A_455 = arith.constant 96 : index
        %swap3A_456 = tpu.vector_load %arg29[%swap3A_454, %swap3A_455] {strides = array<i32>} : memref<40x128xf32, #tpu.memory_space<vmem>>, vector<1x16xf32>,
        %swap3A_457 = vector.shape_cast %swap3A_456 : vector<1x16xf32> to vector<16xf32>
        %swap3A_458 = vector.shape_cast %div3A_443 : vector<16xf32> to vector<1x16xf32>
        tpu.vector_store %arg29[%swap3A_454, %swap3A_455], %swap3A_458 {strides = array<i32>} : memref<40x128xf32, #tpu.memory_space<vmem>>, vector<1x16xf32>,
        %get3A_459 = arith.index_cast %scan3A_314 : i32 to index
        %get3A_460 = arith.constant 48 : index
        %get3A_461 = tpu.vector_load %arg22[%get3A_459, %get3A_460] {strides = array<i32>} : memref<40x64xf32, #tpu.memory_space<vmem>>, vector<1x16xf32>,
        %get3A_462 = vector.shape_cast %get3A_461 : vector<1x16xf32> to vector<16xf32>
        %get3A_463 = arith.index_cast %scan3A_314 : i32 to index
        %get3A_464 = arith.constant 48 : index
        %get3A_465 = tpu.vector_load %arg25[%get3A_463, %get3A_464] {strides = array<i32>} : memref<40x128xf32, #tpu.memory_space<vmem>>, vector<1x16xf32>,
        %get3A_466 = vector.shape_cast %get3A_465 : vector<1x16xf32> to vector<16xf32>
        %add3A_467 = arith.addf %get3A_462, %get3A_466 : vector<16xf32>
        %get3A_468 = arith.index_cast %scan3A_314 : i32 to index
        %get3A_469 = arith.constant 112 : index
        %get3A_470 = tpu.vector_load %arg27[%get3A_468, %get3A_469] {strides = array<i32>} : memref<40x128xf32, #tpu.memory_space<vmem>>, vector<1x16xf32>,
        %get3A_471 = vector.shape_cast %get3A_470 : vector<1x16xf32> to vector<16xf32>
        %add3A_472 = arith.addf %add3A_467, %get3A_471 : vector<16xf32>
        %mul3A_473 = arith.mulf %add3A_472, %get3A_96 : vector<16xf32>
        %add3A_474 = arith.addf %mul3A_473, %get3A_108 : vector<16xf32>
        %max3A_475 = arith.constant 0.000000e+00 : f32
        %max3A_476 = vector.broadcast %max3A_475 : f32 to vector<16xf32>
        %max3A_477 = arith.maximumf %add3A_474, %max3A_476 : vector<16xf32>
        %swap3A_478 = arith.index_cast %scan3A_314 : i32 to index
        %swap3A_479 = arith.constant 48 : index
        %swap3A_480 = tpu.vector_load %arg24[%swap3A_478, %swap3A_479] {strides = array<i32>} : memref<40x64xf32, #tpu.memory_space<vmem>>, vector<1x16xf32>,
        %swap3A_481 = vector.shape_cast %swap3A_480 : vector<1x16xf32> to vector<16xf32>
        %swap3A_482 = vector.shape_cast %max3A_477 : vector<16xf32> to vector<1x16xf32>
        tpu.vector_store %arg24[%swap3A_478, %swap3A_479], %swap3A_482 {strides = array<i32>} : memref<40x64xf32, #tpu.memory_space<vmem>>, vector<1x16xf32>,
        %neg3A_483 = arith.constant 0.000000e+00 : f32
        %neg3A_484 = vector.broadcast %neg3A_483 : f32 to vector<16xf32>
        %neg3A_485 = arith.subf %neg3A_484, %add3A_472 : vector<16xf32>
        %exp3A_486 = math.exp %neg3A_485 : vector<16xf32>
        %add3A_487 = arith.constant 1.000000e+00 : f32
        %add3A_488 = vector.broadcast %add3A_487 : f32 to vector<16xf32>
        %add3A_489 = arith.addf %add3A_488, %exp3A_486 : vector<16xf32>
        %div3A_490 = arith.constant 1.000000e+00 : f32
        %div3A_491 = vector.broadcast %div3A_490 : f32 to vector<16xf32>
        %div3A_492 = arith.divf %div3A_491, %add3A_489 : vector<16xf32>
        %get3A_493 = arith.index_cast %scan3A_314 : i32 to index
        %get3A_494 = arith.constant 112 : index
        %get3A_495 = tpu.vector_load %arg25[%get3A_493, %get3A_494] {strides = array<i32>} : memref<40x128xf32, #tpu.memory_space<vmem>>, vector<1x16xf32>,
        %get3A_496 = vector.shape_cast %get3A_495 : vector<1x16xf32> to vector<16xf32>
        %mul3A_497 = arith.mulf %div3A_492, %get3A_496 : vector<16xf32>
        %swap3A_498 = arith.index_cast %scan3A_314 : i32 to index
        %swap3A_499 = arith.constant 48 : index
        %swap3A_500 = tpu.vector_load %arg29[%swap3A_498, %swap3A_499] {strides = array<i32>} : memref<40x128xf32, #tpu.memory_space<vmem>>, vector<1x16xf32>,
        %swap3A_501 = vector.shape_cast %swap3A_500 : vector<1x16xf32> to vector<16xf32>
        %swap3A_502 = vector.shape_cast %mul3A_497 : vector<16xf32> to vector<1x16xf32>
        tpu.vector_store %arg29[%swap3A_498, %swap3A_499], %swap3A_502 {strides = array<i32>} : memref<40x128xf32, #tpu.memory_space<vmem>>, vector<1x16xf32>,
        %swap3A_503 = arith.index_cast %scan3A_314 : i32 to index
        %swap3A_504 = arith.constant 112 : index
        %swap3A_505 = tpu.vector_load %arg29[%swap3A_503, %swap3A_504] {strides = array<i32>} : memref<40x128xf32, #tpu.memory_space<vmem>>, vector<1x16xf32>,
        %swap3A_506 = vector.shape_cast %swap3A_505 : vector<1x16xf32> to vector<16xf32>
        %swap3A_507 = vector.shape_cast %div3A_492 : vector<16xf32> to vector<1x16xf32>
        tpu.vector_store %arg29[%swap3A_503, %swap3A_504], %swap3A_507 {strides = array<i32>} : memref<40x128xf32, #tpu.memory_space<vmem>>, vector<1x16xf32>,
        %scan3A_508 = arith.constant 0 : i32
        scf.yield %scan3A_508 : i32
      }
      %scan3A_230 = arith.constant 40 : i32
      %mul3A_231 = arith.constant 40 : i32
      %mul3A_232 = arith.muli %mul3A_170, %mul3A_231 : i32
      %add3A_233 = arith.addi %mul3A_2, %mul3A_232 : i32
      %dma_start3A_234 = arith.constant 0 : i32
      %dma_start3A_235 = tpu.memref_slice %arg13[%add3A_233, %dma_start3A_234] : memref<320000x64xf32, #tpu.memory_space<hbm>> -> memref<40x64xf32, #tpu.memory_space<hbm>>
      %dma_start3A_236 = arith.constant 0 : i32
      %dma_start3A_237 = tpu.memref_slice %arg13[%add3A_233, %dma_start3A_236] : memref<320000x64xf32, #tpu.memory_space<hbm>> -> memref<40x64xf32, #tpu.memory_space<hbm>>
      tpu.enqueue_dma source(%arg24 : memref<40x64xf32, #tpu.memory_space<vmem>>) target(%dma_start3A_237 : memref<40x64xf32, #tpu.memory_space<hbm>>) target_semaphore(%arg39 : memref<!tpu.dma_semaphore, #tpu.memory_space<semaphore_mem>>)
      %dma_start3A_238 = arith.constant 0 : i32
      %dma_start3A_239 = arith.constant 0 : i32
      %dma_start3A_240 = tpu.memref_slice %arg15[%dma_start3A_238, %dma_start3A_239] : memref<10112x128xf32, #tpu.memory_space<vmem_shared>> -> memref<10112x128xf32, #tpu.memory_space<vmem_shared>>
      tpu.enqueue_indirect_dma source(%arg29 : memref<40x128xf32, #tpu.memory_space<vmem>>) target(%dma_start3A_240 : memref<10112x128xf32, #tpu.memory_space<vmem_shared>>) offsets(%arg20 : memref<40xi32, #tpu.memory_space<vmem>>) semaphore(%arg37 : memref<!tpu.dma_semaphore, #tpu.memory_space<semaphore_mem>>) {add = true}
      %lt3A = arith.constant 124 : i32
      %lt3A_241 = arith.cmpi slt, %scan3A_167, %lt3A : i32
      %convert_element_type3A_242 = arith.extui %lt3A_241 : i1 to i32
      %cond3A_243 = arith.constant 0 : i32
      %cond3A_244 = arith.cmpi ne, %convert_element_type3A_242, %cond3A_243 : i32
      scf.if %cond3A_244 {
        %add3A_314 = arith.constant 2 : i32
        %add3A_315 = arith.addi %mul3A_170, %add3A_314 : i32
        %mul3A_316 = arith.constant 40 : i32
        %mul3A_317 = arith.muli %add3A_315, %mul3A_316 : i32
        %add3A_318 = arith.addi %mul3A_2, %mul3A_317 : i32
        %dma_start3A_319 = tpu.memref_slice %arg4[%add3A_318] : memref<320000xi32, #tpu.memory_space<hbm>> -> memref<40xi32, #tpu.memory_space<hbm>>
        %dma_start3A_320 = tpu.memref_slice %arg4[%add3A_318] : memref<320000xi32, #tpu.memory_space<hbm>> -> memref<40xi32, #tpu.memory_space<hbm>>
        tpu.enqueue_dma source(%dma_start3A_320 : memref<40xi32, #tpu.memory_space<hbm>>) target(%arg16 : memref<40xi32, #tpu.memory_space<vmem>>) target_semaphore(%arg33 : memref<!tpu.dma_semaphore, #tpu.memory_space<semaphore_mem>>)
        %dma_start3A_321 = tpu.memref_slice %arg5[%add3A_318] : memref<320000xi32, #tpu.memory_space<hbm>> -> memref<40xi32, #tpu.memory_space<hbm>>
        %dma_start3A_322 = tpu.memref_slice %arg5[%add3A_318] : memref<320000xi32, #tpu.memory_space<hbm>> -> memref<40xi32, #tpu.memory_space<hbm>>
        tpu.enqueue_dma source(%dma_start3A_322 : memref<40xi32, #tpu.memory_space<hbm>>) target(%arg18 : memref<40xi32, #tpu.memory_space<vmem>>) target_semaphore(%arg33 : memref<!tpu.dma_semaphore, #tpu.memory_space<semaphore_mem>>)
        %dma_start3A_323 = arith.constant 0 : i32
        %dma_start3A_324 = tpu.memref_slice %arg3[%add3A_318, %dma_start3A_323] : memref<320000x64xf32, #tpu.memory_space<hbm>> -> memref<40x64xf32, #tpu.memory_space<hbm>>
        %dma_start3A_325 = arith.constant 0 : i32
        %dma_start3A_326 = tpu.memref_slice %arg3[%add3A_318, %dma_start3A_325] : memref<320000x64xf32, #tpu.memory_space<hbm>> -> memref<40x64xf32, #tpu.memory_space<hbm>>
        tpu.enqueue_dma source(%dma_start3A_326 : memref<40x64xf32, #tpu.memory_space<hbm>>) target(%arg22 : memref<40x64xf32, #tpu.memory_space<vmem>>) target_semaphore(%arg33 : memref<!tpu.dma_semaphore, #tpu.memory_space<semaphore_mem>>)
      } else {
      }
      %lt3A_245 = arith.constant 124 : i32
      %lt3A_246 = arith.cmpi slt, %scan3A_167, %lt3A_245 : i32
      %convert_element_type3A_247 = arith.extui %lt3A_246 : i1 to i32
      %cond3A_248 = arith.constant 0 : i32
      %cond3A_249 = arith.cmpi ne, %convert_element_type3A_247, %cond3A_248 : i32
      scf.if %cond3A_249 {
        %add3A_314 = arith.constant 2 : i32
        %add3A_315 = arith.addi %mul3A_170, %add3A_314 : i32
        %mul3A_316 = arith.constant 40 : i32
        %mul3A_317 = arith.muli %add3A_315, %mul3A_316 : i32
        %add3A_318 = arith.addi %mul3A_2, %mul3A_317 : i32
        %dma_wait3A_319 = tpu.memref_slice %arg4[%add3A_318] : memref<320000xi32, #tpu.memory_space<hbm>> -> memref<40xi32, #tpu.memory_space<hbm>>
        %dma_wait3A_320 = tpu.memref_slice %arg4[%add3A_318] : memref<320000xi32, #tpu.memory_space<hbm>> -> memref<40xi32, #tpu.memory_space<hbm>>
        tpu.wait_dma2 semaphore(%arg33 : memref<!tpu.dma_semaphore, #tpu.memory_space<semaphore_mem>>) src(%dma_wait3A_320 : memref<40xi32, #tpu.memory_space<hbm>>) dst(%arg16 : memref<40xi32, #tpu.memory_space<vmem>>)
        %dma_wait3A_321 = tpu.memref_slice %arg5[%add3A_318] : memref<320000xi32, #tpu.memory_space<hbm>> -> memref<40xi32, #tpu.memory_space<hbm>>
        %dma_wait3A_322 = tpu.memref_slice %arg5[%add3A_318] : memref<320000xi32, #tpu.memory_space<hbm>> -> memref<40xi32, #tpu.memory_space<hbm>>
        tpu.wait_dma2 semaphore(%arg33 : memref<!tpu.dma_semaphore, #tpu.memory_space<semaphore_mem>>) src(%dma_wait3A_322 : memref<40xi32, #tpu.memory_space<hbm>>) dst(%arg18 : memref<40xi32, #tpu.memory_space<vmem>>)
        %dma_wait3A_323 = arith.constant 0 : i32
        %dma_wait3A_324 = tpu.memref_slice %arg3[%add3A_318, %dma_wait3A_323] : memref<320000x64xf32, #tpu.memory_space<hbm>> -> memref<40x64xf32, #tpu.memory_space<hbm>>
        %dma_wait3A_325 = arith.constant 0 : i32
        %dma_wait3A_326 = tpu.memref_slice %arg3[%add3A_318, %dma_wait3A_325] : memref<320000x64xf32, #tpu.memory_space<hbm>> -> memref<40x64xf32, #tpu.memory_space<hbm>>
        tpu.wait_dma2 semaphore(%arg33 : memref<!tpu.dma_semaphore, #tpu.memory_space<semaphore_mem>>) src(%dma_wait3A_326 : memref<40x64xf32, #tpu.memory_space<hbm>>) dst(%arg22 : memref<40x64xf32, #tpu.memory_space<vmem>>)
        %dma_start3A_327 = arith.constant 0 : i32
        %dma_start3A_328 = arith.constant 0 : i32
        %dma_start3A_329 = tpu.memref_slice %arg7[%dma_start3A_327, %dma_start3A_328] : memref<10000x128xf32, #tpu.memory_space<hbm>> -> memref<10000x128xf32, #tpu.memory_space<hbm>>
        tpu.enqueue_indirect_dma source(%dma_start3A_329 : memref<10000x128xf32, #tpu.memory_space<hbm>>) target(%arg25 : memref<40x128xf32, #tpu.memory_space<vmem>>) offsets(%arg16 : memref<40xi32, #tpu.memory_space<vmem>>) semaphore(%arg35 : memref<!tpu.dma_semaphore, #tpu.memory_space<semaphore_mem>>)
        %dma_start3A_330 = arith.constant 0 : i32
        %dma_start3A_331 = arith.constant 0 : i32
        %dma_start3A_332 = tpu.memref_slice %arg8[%dma_start3A_330, %dma_start3A_331] : memref<10000x128xf32, #tpu.memory_space<hbm>> -> memref<10000x128xf32, #tpu.memory_space<hbm>>
        tpu.enqueue_indirect_dma source(%dma_start3A_332 : memref<10000x128xf32, #tpu.memory_space<hbm>>) target(%arg27 : memref<40x128xf32, #tpu.memory_space<vmem>>) offsets(%arg18 : memref<40xi32, #tpu.memory_space<vmem>>) semaphore(%arg35 : memref<!tpu.dma_semaphore, #tpu.memory_space<semaphore_mem>>)
      } else {
      }
      %add3A_250 = arith.constant 1 : i32
      %add3A_251 = arith.addi %mul3A_170, %add3A_250 : i32
      %dma_wait3A_252 = arith.constant 0 : i32
      %dma_wait3A_253 = arith.constant 0 : i32
      %dma_wait3A_254 = tpu.memref_slice %arg7[%dma_wait3A_252, %dma_wait3A_253] : memref<10000x128xf32, #tpu.memory_space<hbm>> -> memref<10000x128xf32, #tpu.memory_space<hbm>>
      tpu.wait_indirect_dma semaphore(%arg36 : memref<!tpu.dma_semaphore, #tpu.memory_space<semaphore_mem>>) src(%dma_wait3A_254 : memref<10000x128xf32, #tpu.memory_space<hbm>>) dst(%arg26 : memref<40x128xf32, #tpu.memory_space<vmem>>)
      %dma_wait3A_255 = arith.constant 0 : i32
      %dma_wait3A_256 = arith.constant 0 : i32
      %dma_wait3A_257 = tpu.memref_slice %arg8[%dma_wait3A_255, %dma_wait3A_256] : memref<10000x128xf32, #tpu.memory_space<hbm>> -> memref<10000x128xf32, #tpu.memory_space<hbm>>
      tpu.wait_indirect_dma semaphore(%arg36 : memref<!tpu.dma_semaphore, #tpu.memory_space<semaphore_mem>>) src(%dma_wait3A_257 : memref<10000x128xf32, #tpu.memory_space<hbm>>) dst(%arg28 : memref<40x128xf32, #tpu.memory_space<vmem>>)
      %ge3A_258 = arith.constant 1 : i32
      %ge3A_259 = arith.cmpi sge, %scan3A_167, %ge3A_258 : i32
      %convert_element_type3A_260 = arith.extui %ge3A_259 : i1 to i32
      %cond3A_261 = arith.constant 0 : i32
      %cond3A_262 = arith.cmpi ne, %convert_element_type3A_260, %cond3A_261 : i32
      scf.if %cond3A_262 {
        %dma_wait3A_314 = arith.constant 0 : i32
        %dma_wait3A_315 = arith.constant 0 : i32
        %dma_wait3A_316 = tpu.memref_slice %arg15[%dma_wait3A_314, %dma_wait3A_315] : memref<10112x128xf32, #tpu.memory_space<vmem_shared>> -> memref<10112x128xf32, #tpu.memory_space<vmem_shared>>
        tpu.wait_indirect_dma semaphore(%arg38 : memref<!tpu.dma_semaphore, #tpu.memory_space<semaphore_mem>>) src(%arg30 : memref<40x128xf32, #tpu.memory_space<vmem>>) dst(%dma_wait3A_316 : memref<10112x128xf32, #tpu.memory_space<vmem_shared>>)
      } else {
      }
      %get3A_263 = arith.constant 0 : index
      %get3A_264 = tpu.vector_load %arg19[%get3A_263] {strides = array<i32>} : memref<40xi32, #tpu.memory_space<vmem>>, vector<16xi32>,
      %get3A_265 = vector.shape_cast %get3A_264 : vector<16xi32> to vector<16xi32>
      %swap3A_266 = arith.constant 0 : index
      %swap3A_267 = tpu.vector_load %arg21[%swap3A_266] {strides = array<i32>} : memref<40xi32, #tpu.memory_space<vmem>>, vector<16xi32>,
      %swap3A_268 = vector.shape_cast %swap3A_267 : vector<16xi32> to vector<16xi32>
      %swap3A_269 = vector.shape_cast %get3A_265 : vector<16xi32> to vector<16xi32>
      tpu.vector_store %arg21[%swap3A_266], %swap3A_269 {strides = array<i32>} : memref<40xi32, #tpu.memory_space<vmem>>, vector<16xi32>,
      %get3A_270 = arith.constant 16 : index
      %get3A_271 = tpu.vector_load %arg19[%get3A_270] {strides = array<i32>} : memref<40xi32, #tpu.memory_space<vmem>>, vector<16xi32>,
      %get3A_272 = vector.shape_cast %get3A_271 : vector<16xi32> to vector<16xi32>
      %swap3A_273 = arith.constant 16 : index
      %swap3A_274 = tpu.vector_load %arg21[%swap3A_273] {strides = array<i32>} : memref<40xi32, #tpu.memory_space<vmem>>, vector<16xi32>,
      %swap3A_275 = vector.shape_cast %swap3A_274 : vector<16xi32> to vector<16xi32>
      %swap3A_276 = vector.shape_cast %get3A_272 : vector<16xi32> to vector<16xi32>
      tpu.vector_store %arg21[%swap3A_273], %swap3A_276 {strides = array<i32>} : memref<40xi32, #tpu.memory_space<vmem>>, vector<16xi32>,
      %get3A_277 = arith.constant 24 : index
      %get3A_278 = tpu.vector_load %arg19[%get3A_277] {strides = array<i32>} : memref<40xi32, #tpu.memory_space<vmem>>, vector<16xi32>,
      %get3A_279 = vector.shape_cast %get3A_278 : vector<16xi32> to vector<16xi32>
      %swap3A_280 = arith.constant 24 : index
      %swap3A_281 = tpu.vector_load %arg21[%swap3A_280] {strides = array<i32>} : memref<40xi32, #tpu.memory_space<vmem>>, vector<16xi32>,
      %swap3A_282 = vector.shape_cast %swap3A_281 : vector<16xi32> to vector<16xi32>
      %swap3A_283 = vector.shape_cast %get3A_279 : vector<16xi32> to vector<16xi32>
      tpu.vector_store %arg21[%swap3A_280], %swap3A_283 {strides = array<i32>} : memref<40xi32, #tpu.memory_space<vmem>>, vector<16xi32>,
      %mul3A_284 = arith.constant 40 : i32
      %mul3A_285 = arith.muli %mul3A_170, %mul3A_284 : i32
      %add3A_286 = arith.addi %mul3A_2, %mul3A_285 : i32
      %dma_wait3A_287 = arith.constant 0 : i32
      %dma_wait3A_288 = tpu.memref_slice %arg13[%add3A_286, %dma_wait3A_287] : memref<320000x64xf32, #tpu.memory_space<hbm>> -> memref<40x64xf32, #tpu.memory_space<hbm>>
      %dma_wait3A_289 = arith.constant 0 : i32
      %dma_wait3A_290 = tpu.memref_slice %arg13[%add3A_286, %dma_wait3A_289] : memref<320000x64xf32, #tpu.memory_space<hbm>> -> memref<40x64xf32, #tpu.memory_space<hbm>>
      tpu.wait_dma2 semaphore(%arg39 : memref<!tpu.dma_semaphore, #tpu.memory_space<semaphore_mem>>) src(%arg24 : memref<40x64xf32, #tpu.memory_space<vmem>>) dst(%dma_wait3A_290 : memref<40x64xf32, #tpu.memory_space<hbm>>)
      %scan3A_291 = arith.constant 0 : i32
      %scan3A_292 = arith.constant 0 : i32
      %scan3A_293 = arith.constant 40 : i32
      %scan3A_294 = arith.addi %scan3A_292, %scan3A_293 : i32
      %scan3A_295 = arith.constant 1 : i32
      %scan3A_296 = scf.for %scan3A_314 = %scan3A_292 to %scan3A_294 step %scan3A_295 iter_args(%scan3A_315 = %scan3A_291) -> (i32)  : i32 {
        %get3A_316 = arith.index_cast %scan3A_314 : i32 to index
        %get3A_317 = arith.constant 0 : index
        %get3A_318 = tpu.vector_load %arg23[%get3A_316, %get3A_317] {strides = array<i32>} : memref<40x64xf32, #tpu.memory_space<vmem>>, vector<1x16xf32>,
        %get3A_319 = vector.shape_cast %get3A_318 : vector<1x16xf32> to vector<16xf32>
        %get3A_320 = arith.index_cast %scan3A_314 : i32 to index
        %get3A_321 = arith.constant 0 : index
        %get3A_322 = tpu.vector_load %arg26[%get3A_320, %get3A_321] {strides = array<i32>} : memref<40x128xf32, #tpu.memory_space<vmem>>, vector<1x16xf32>,
        %get3A_323 = vector.shape_cast %get3A_322 : vector<1x16xf32> to vector<16xf32>
        %add3A_324 = arith.addf %get3A_319, %get3A_323 : vector<16xf32>
        %get3A_325 = arith.index_cast %scan3A_314 : i32 to index
        %get3A_326 = arith.constant 64 : index
        %get3A_327 = tpu.vector_load %arg28[%get3A_325, %get3A_326] {strides = array<i32>} : memref<40x128xf32, #tpu.memory_space<vmem>>, vector<1x16xf32>,
        %get3A_328 = vector.shape_cast %get3A_327 : vector<1x16xf32> to vector<16xf32>
        %add3A_329 = arith.addf %add3A_324, %get3A_328 : vector<16xf32>
        %mul3A_330 = arith.mulf %add3A_329, %get3A_87 : vector<16xf32>
        %add3A_331 = arith.addf %mul3A_330, %get3A_99 : vector<16xf32>
        %max3A = arith.constant 0.000000e+00 : f32
        %max3A_332 = vector.broadcast %max3A : f32 to vector<16xf32>
        %max3A_333 = arith.maximumf %add3A_331, %max3A_332 : vector<16xf32>
        %swap3A_334 = arith.index_cast %scan3A_314 : i32 to index
        %swap3A_335 = arith.constant 0 : index
        %swap3A_336 = tpu.vector_load %arg24[%swap3A_334, %swap3A_335] {strides = array<i32>} : memref<40x64xf32, #tpu.memory_space<vmem>>, vector<1x16xf32>,
        %swap3A_337 = vector.shape_cast %swap3A_336 : vector<1x16xf32> to vector<16xf32>
        %swap3A_338 = vector.shape_cast %max3A_333 : vector<16xf32> to vector<1x16xf32>
        tpu.vector_store %arg24[%swap3A_334, %swap3A_335], %swap3A_338 {strides = array<i32>} : memref<40x64xf32, #tpu.memory_space<vmem>>, vector<1x16xf32>,
        %neg3A = arith.constant 0.000000e+00 : f32
        %neg3A_339 = vector.broadcast %neg3A : f32 to vector<16xf32>
        %neg3A_340 = arith.subf %neg3A_339, %add3A_329 : vector<16xf32>
        %exp3A = math.exp %neg3A_340 : vector<16xf32>
        %add3A_341 = arith.constant 1.000000e+00 : f32
        %add3A_342 = vector.broadcast %add3A_341 : f32 to vector<16xf32>
        %add3A_343 = arith.addf %add3A_342, %exp3A : vector<16xf32>
        %div3A = arith.constant 1.000000e+00 : f32
        %div3A_344 = vector.broadcast %div3A : f32 to vector<16xf32>
        %div3A_345 = arith.divf %div3A_344, %add3A_343 : vector<16xf32>
        %get3A_346 = arith.index_cast %scan3A_314 : i32 to index
        %get3A_347 = arith.constant 64 : index
        %get3A_348 = tpu.vector_load %arg26[%get3A_346, %get3A_347] {strides = array<i32>} : memref<40x128xf32, #tpu.memory_space<vmem>>, vector<1x16xf32>,
        %get3A_349 = vector.shape_cast %get3A_348 : vector<1x16xf32> to vector<16xf32>
        %mul3A_350 = arith.mulf %div3A_345, %get3A_349 : vector<16xf32>
        %swap3A_351 = arith.index_cast %scan3A_314 : i32 to index
        %swap3A_352 = arith.constant 0 : index
        %swap3A_353 = tpu.vector_load %arg30[%swap3A_351, %swap3A_352] {strides = array<i32>} : memref<40x128xf32, #tpu.memory_space<vmem>>, vector<1x16xf32>,
        %swap3A_354 = vector.shape_cast %swap3A_353 : vector<1x16xf32> to vector<16xf32>
        %swap3A_355 = vector.shape_cast %mul3A_350 : vector<16xf32> to vector<1x16xf32>
        tpu.vector_store %arg30[%swap3A_351, %swap3A_352], %swap3A_355 {strides = array<i32>} : memref<40x128xf32, #tpu.memory_space<vmem>>, vector<1x16xf32>,
        %swap3A_356 = arith.index_cast %scan3A_314 : i32 to index
        %swap3A_357 = arith.constant 64 : index
        %swap3A_358 = tpu.vector_load %arg30[%swap3A_356, %swap3A_357] {strides = array<i32>} : memref<40x128xf32, #tpu.memory_space<vmem>>, vector<1x16xf32>,
        %swap3A_359 = vector.shape_cast %swap3A_358 : vector<1x16xf32> to vector<16xf32>
        %swap3A_360 = vector.shape_cast %div3A_345 : vector<16xf32> to vector<1x16xf32>
        tpu.vector_store %arg30[%swap3A_356, %swap3A_357], %swap3A_360 {strides = array<i32>} : memref<40x128xf32, #tpu.memory_space<vmem>>, vector<1x16xf32>,
        %get3A_361 = arith.index_cast %scan3A_314 : i32 to index
        %get3A_362 = arith.constant 16 : index
        %get3A_363 = tpu.vector_load %arg23[%get3A_361, %get3A_362] {strides = array<i32>} : memref<40x64xf32, #tpu.memory_space<vmem>>, vector<1x16xf32>,
        %get3A_364 = vector.shape_cast %get3A_363 : vector<1x16xf32> to vector<16xf32>
        %get3A_365 = arith.index_cast %scan3A_314 : i32 to index
        %get3A_366 = arith.constant 16 : index
        %get3A_367 = tpu.vector_load %arg26[%get3A_365, %get3A_366] {strides = array<i32>} : memref<40x128xf32, #tpu.memory_space<vmem>>, vector<1x16xf32>,
        %get3A_368 = vector.shape_cast %get3A_367 : vector<1x16xf32> to vector<16xf32>
        %add3A_369 = arith.addf %get3A_364, %get3A_368 : vector<16xf32>
        %get3A_370 = arith.index_cast %scan3A_314 : i32 to index
        %get3A_371 = arith.constant 80 : index
        %get3A_372 = tpu.vector_load %arg28[%get3A_370, %get3A_371] {strides = array<i32>} : memref<40x128xf32, #tpu.memory_space<vmem>>, vector<1x16xf32>,
        %get3A_373 = vector.shape_cast %get3A_372 : vector<1x16xf32> to vector<16xf32>
        %add3A_374 = arith.addf %add3A_369, %get3A_373 : vector<16xf32>
        %mul3A_375 = arith.mulf %add3A_374, %get3A_90 : vector<16xf32>
        %add3A_376 = arith.addf %mul3A_375, %get3A_102 : vector<16xf32>
        %max3A_377 = arith.constant 0.000000e+00 : f32
        %max3A_378 = vector.broadcast %max3A_377 : f32 to vector<16xf32>
        %max3A_379 = arith.maximumf %add3A_376, %max3A_378 : vector<16xf32>
        %swap3A_380 = arith.index_cast %scan3A_314 : i32 to index
        %swap3A_381 = arith.constant 16 : index
        %swap3A_382 = tpu.vector_load %arg24[%swap3A_380, %swap3A_381] {strides = array<i32>} : memref<40x64xf32, #tpu.memory_space<vmem>>, vector<1x16xf32>,
        %swap3A_383 = vector.shape_cast %swap3A_382 : vector<1x16xf32> to vector<16xf32>
        %swap3A_384 = vector.shape_cast %max3A_379 : vector<16xf32> to vector<1x16xf32>
        tpu.vector_store %arg24[%swap3A_380, %swap3A_381], %swap3A_384 {strides = array<i32>} : memref<40x64xf32, #tpu.memory_space<vmem>>, vector<1x16xf32>,
        %neg3A_385 = arith.constant 0.000000e+00 : f32
        %neg3A_386 = vector.broadcast %neg3A_385 : f32 to vector<16xf32>
        %neg3A_387 = arith.subf %neg3A_386, %add3A_374 : vector<16xf32>
        %exp3A_388 = math.exp %neg3A_387 : vector<16xf32>
        %add3A_389 = arith.constant 1.000000e+00 : f32
        %add3A_390 = vector.broadcast %add3A_389 : f32 to vector<16xf32>
        %add3A_391 = arith.addf %add3A_390, %exp3A_388 : vector<16xf32>
        %div3A_392 = arith.constant 1.000000e+00 : f32
        %div3A_393 = vector.broadcast %div3A_392 : f32 to vector<16xf32>
        %div3A_394 = arith.divf %div3A_393, %add3A_391 : vector<16xf32>
        %get3A_395 = arith.index_cast %scan3A_314 : i32 to index
        %get3A_396 = arith.constant 80 : index
        %get3A_397 = tpu.vector_load %arg26[%get3A_395, %get3A_396] {strides = array<i32>} : memref<40x128xf32, #tpu.memory_space<vmem>>, vector<1x16xf32>,
        %get3A_398 = vector.shape_cast %get3A_397 : vector<1x16xf32> to vector<16xf32>
        %mul3A_399 = arith.mulf %div3A_394, %get3A_398 : vector<16xf32>
        %swap3A_400 = arith.index_cast %scan3A_314 : i32 to index
        %swap3A_401 = arith.constant 16 : index
        %swap3A_402 = tpu.vector_load %arg30[%swap3A_400, %swap3A_401] {strides = array<i32>} : memref<40x128xf32, #tpu.memory_space<vmem>>, vector<1x16xf32>,
        %swap3A_403 = vector.shape_cast %swap3A_402 : vector<1x16xf32> to vector<16xf32>
        %swap3A_404 = vector.shape_cast %mul3A_399 : vector<16xf32> to vector<1x16xf32>
        tpu.vector_store %arg30[%swap3A_400, %swap3A_401], %swap3A_404 {strides = array<i32>} : memref<40x128xf32, #tpu.memory_space<vmem>>, vector<1x16xf32>,
        %swap3A_405 = arith.index_cast %scan3A_314 : i32 to index
        %swap3A_406 = arith.constant 80 : index
        %swap3A_407 = tpu.vector_load %arg30[%swap3A_405, %swap3A_406] {strides = array<i32>} : memref<40x128xf32, #tpu.memory_space<vmem>>, vector<1x16xf32>,
        %swap3A_408 = vector.shape_cast %swap3A_407 : vector<1x16xf32> to vector<16xf32>
        %swap3A_409 = vector.shape_cast %div3A_394 : vector<16xf32> to vector<1x16xf32>
        tpu.vector_store %arg30[%swap3A_405, %swap3A_406], %swap3A_409 {strides = array<i32>} : memref<40x128xf32, #tpu.memory_space<vmem>>, vector<1x16xf32>,
        %get3A_410 = arith.index_cast %scan3A_314 : i32 to index
        %get3A_411 = arith.constant 32 : index
        %get3A_412 = tpu.vector_load %arg23[%get3A_410, %get3A_411] {strides = array<i32>} : memref<40x64xf32, #tpu.memory_space<vmem>>, vector<1x16xf32>,
        %get3A_413 = vector.shape_cast %get3A_412 : vector<1x16xf32> to vector<16xf32>
        %get3A_414 = arith.index_cast %scan3A_314 : i32 to index
        %get3A_415 = arith.constant 32 : index
        %get3A_416 = tpu.vector_load %arg26[%get3A_414, %get3A_415] {strides = array<i32>} : memref<40x128xf32, #tpu.memory_space<vmem>>, vector<1x16xf32>,
        %get3A_417 = vector.shape_cast %get3A_416 : vector<1x16xf32> to vector<16xf32>
        %add3A_418 = arith.addf %get3A_413, %get3A_417 : vector<16xf32>
        %get3A_419 = arith.index_cast %scan3A_314 : i32 to index
        %get3A_420 = arith.constant 96 : index
        %get3A_421 = tpu.vector_load %arg28[%get3A_419, %get3A_420] {strides = array<i32>} : memref<40x128xf32, #tpu.memory_space<vmem>>, vector<1x16xf32>,
        %get3A_422 = vector.shape_cast %get3A_421 : vector<1x16xf32> to vector<16xf32>
        %add3A_423 = arith.addf %add3A_418, %get3A_422 : vector<16xf32>
        %mul3A_424 = arith.mulf %add3A_423, %get3A_93 : vector<16xf32>
        %add3A_425 = arith.addf %mul3A_424, %get3A_105 : vector<16xf32>
        %max3A_426 = arith.constant 0.000000e+00 : f32
        %max3A_427 = vector.broadcast %max3A_426 : f32 to vector<16xf32>
        %max3A_428 = arith.maximumf %add3A_425, %max3A_427 : vector<16xf32>
        %swap3A_429 = arith.index_cast %scan3A_314 : i32 to index
        %swap3A_430 = arith.constant 32 : index
        %swap3A_431 = tpu.vector_load %arg24[%swap3A_429, %swap3A_430] {strides = array<i32>} : memref<40x64xf32, #tpu.memory_space<vmem>>, vector<1x16xf32>,
        %swap3A_432 = vector.shape_cast %swap3A_431 : vector<1x16xf32> to vector<16xf32>
        %swap3A_433 = vector.shape_cast %max3A_428 : vector<16xf32> to vector<1x16xf32>
        tpu.vector_store %arg24[%swap3A_429, %swap3A_430], %swap3A_433 {strides = array<i32>} : memref<40x64xf32, #tpu.memory_space<vmem>>, vector<1x16xf32>,
        %neg3A_434 = arith.constant 0.000000e+00 : f32
        %neg3A_435 = vector.broadcast %neg3A_434 : f32 to vector<16xf32>
        %neg3A_436 = arith.subf %neg3A_435, %add3A_423 : vector<16xf32>
        %exp3A_437 = math.exp %neg3A_436 : vector<16xf32>
        %add3A_438 = arith.constant 1.000000e+00 : f32
        %add3A_439 = vector.broadcast %add3A_438 : f32 to vector<16xf32>
        %add3A_440 = arith.addf %add3A_439, %exp3A_437 : vector<16xf32>
        %div3A_441 = arith.constant 1.000000e+00 : f32
        %div3A_442 = vector.broadcast %div3A_441 : f32 to vector<16xf32>
        %div3A_443 = arith.divf %div3A_442, %add3A_440 : vector<16xf32>
        %get3A_444 = arith.index_cast %scan3A_314 : i32 to index
        %get3A_445 = arith.constant 96 : index
        %get3A_446 = tpu.vector_load %arg26[%get3A_444, %get3A_445] {strides = array<i32>} : memref<40x128xf32, #tpu.memory_space<vmem>>, vector<1x16xf32>,
        %get3A_447 = vector.shape_cast %get3A_446 : vector<1x16xf32> to vector<16xf32>
        %mul3A_448 = arith.mulf %div3A_443, %get3A_447 : vector<16xf32>
        %swap3A_449 = arith.index_cast %scan3A_314 : i32 to index
        %swap3A_450 = arith.constant 32 : index
        %swap3A_451 = tpu.vector_load %arg30[%swap3A_449, %swap3A_450] {strides = array<i32>} : memref<40x128xf32, #tpu.memory_space<vmem>>, vector<1x16xf32>,
        %swap3A_452 = vector.shape_cast %swap3A_451 : vector<1x16xf32> to vector<16xf32>
        %swap3A_453 = vector.shape_cast %mul3A_448 : vector<16xf32> to vector<1x16xf32>
        tpu.vector_store %arg30[%swap3A_449, %swap3A_450], %swap3A_453 {strides = array<i32>} : memref<40x128xf32, #tpu.memory_space<vmem>>, vector<1x16xf32>,
        %swap3A_454 = arith.index_cast %scan3A_314 : i32 to index
        %swap3A_455 = arith.constant 96 : index
        %swap3A_456 = tpu.vector_load %arg30[%swap3A_454, %swap3A_455] {strides = array<i32>} : memref<40x128xf32, #tpu.memory_space<vmem>>, vector<1x16xf32>,
        %swap3A_457 = vector.shape_cast %swap3A_456 : vector<1x16xf32> to vector<16xf32>
        %swap3A_458 = vector.shape_cast %div3A_443 : vector<16xf32> to vector<1x16xf32>
        tpu.vector_store %arg30[%swap3A_454, %swap3A_455], %swap3A_458 {strides = array<i32>} : memref<40x128xf32, #tpu.memory_space<vmem>>, vector<1x16xf32>,
        %get3A_459 = arith.index_cast %scan3A_314 : i32 to index
        %get3A_460 = arith.constant 48 : index
        %get3A_461 = tpu.vector_load %arg23[%get3A_459, %get3A_460] {strides = array<i32>} : memref<40x64xf32, #tpu.memory_space<vmem>>, vector<1x16xf32>,
        %get3A_462 = vector.shape_cast %get3A_461 : vector<1x16xf32> to vector<16xf32>
        %get3A_463 = arith.index_cast %scan3A_314 : i32 to index
        %get3A_464 = arith.constant 48 : index
        %get3A_465 = tpu.vector_load %arg26[%get3A_463, %get3A_464] {strides = array<i32>} : memref<40x128xf32, #tpu.memory_space<vmem>>, vector<1x16xf32>,
        %get3A_466 = vector.shape_cast %get3A_465 : vector<1x16xf32> to vector<16xf32>
        %add3A_467 = arith.addf %get3A_462, %get3A_466 : vector<16xf32>
        %get3A_468 = arith.index_cast %scan3A_314 : i32 to index
        %get3A_469 = arith.constant 112 : index
        %get3A_470 = tpu.vector_load %arg28[%get3A_468, %get3A_469] {strides = array<i32>} : memref<40x128xf32, #tpu.memory_space<vmem>>, vector<1x16xf32>,
        %get3A_471 = vector.shape_cast %get3A_470 : vector<1x16xf32> to vector<16xf32>
        %add3A_472 = arith.addf %add3A_467, %get3A_471 : vector<16xf32>
        %mul3A_473 = arith.mulf %add3A_472, %get3A_96 : vector<16xf32>
        %add3A_474 = arith.addf %mul3A_473, %get3A_108 : vector<16xf32>
        %max3A_475 = arith.constant 0.000000e+00 : f32
        %max3A_476 = vector.broadcast %max3A_475 : f32 to vector<16xf32>
        %max3A_477 = arith.maximumf %add3A_474, %max3A_476 : vector<16xf32>
        %swap3A_478 = arith.index_cast %scan3A_314 : i32 to index
        %swap3A_479 = arith.constant 48 : index
        %swap3A_480 = tpu.vector_load %arg24[%swap3A_478, %swap3A_479] {strides = array<i32>} : memref<40x64xf32, #tpu.memory_space<vmem>>, vector<1x16xf32>,
        %swap3A_481 = vector.shape_cast %swap3A_480 : vector<1x16xf32> to vector<16xf32>
        %swap3A_482 = vector.shape_cast %max3A_477 : vector<16xf32> to vector<1x16xf32>
        tpu.vector_store %arg24[%swap3A_478, %swap3A_479], %swap3A_482 {strides = array<i32>} : memref<40x64xf32, #tpu.memory_space<vmem>>, vector<1x16xf32>,
        %neg3A_483 = arith.constant 0.000000e+00 : f32
        %neg3A_484 = vector.broadcast %neg3A_483 : f32 to vector<16xf32>
        %neg3A_485 = arith.subf %neg3A_484, %add3A_472 : vector<16xf32>
        %exp3A_486 = math.exp %neg3A_485 : vector<16xf32>
        %add3A_487 = arith.constant 1.000000e+00 : f32
        %add3A_488 = vector.broadcast %add3A_487 : f32 to vector<16xf32>
        %add3A_489 = arith.addf %add3A_488, %exp3A_486 : vector<16xf32>
        %div3A_490 = arith.constant 1.000000e+00 : f32
        %div3A_491 = vector.broadcast %div3A_490 : f32 to vector<16xf32>
        %div3A_492 = arith.divf %div3A_491, %add3A_489 : vector<16xf32>
        %get3A_493 = arith.index_cast %scan3A_314 : i32 to index
        %get3A_494 = arith.constant 112 : index
        %get3A_495 = tpu.vector_load %arg26[%get3A_493, %get3A_494] {strides = array<i32>} : memref<40x128xf32, #tpu.memory_space<vmem>>, vector<1x16xf32>,
        %get3A_496 = vector.shape_cast %get3A_495 : vector<1x16xf32> to vector<16xf32>
        %mul3A_497 = arith.mulf %div3A_492, %get3A_496 : vector<16xf32>
        %swap3A_498 = arith.index_cast %scan3A_314 : i32 to index
        %swap3A_499 = arith.constant 48 : index
        %swap3A_500 = tpu.vector_load %arg30[%swap3A_498, %swap3A_499] {strides = array<i32>} : memref<40x128xf32, #tpu.memory_space<vmem>>, vector<1x16xf32>,
        %swap3A_501 = vector.shape_cast %swap3A_500 : vector<1x16xf32> to vector<16xf32>
        %swap3A_502 = vector.shape_cast %mul3A_497 : vector<16xf32> to vector<1x16xf32>
        tpu.vector_store %arg30[%swap3A_498, %swap3A_499], %swap3A_502 {strides = array<i32>} : memref<40x128xf32, #tpu.memory_space<vmem>>, vector<1x16xf32>,
        %swap3A_503 = arith.index_cast %scan3A_314 : i32 to index
        %swap3A_504 = arith.constant 112 : index
        %swap3A_505 = tpu.vector_load %arg30[%swap3A_503, %swap3A_504] {strides = array<i32>} : memref<40x128xf32, #tpu.memory_space<vmem>>, vector<1x16xf32>,
        %swap3A_506 = vector.shape_cast %swap3A_505 : vector<1x16xf32> to vector<16xf32>
        %swap3A_507 = vector.shape_cast %div3A_492 : vector<16xf32> to vector<1x16xf32>
        tpu.vector_store %arg30[%swap3A_503, %swap3A_504], %swap3A_507 {strides = array<i32>} : memref<40x128xf32, #tpu.memory_space<vmem>>, vector<1x16xf32>,
        %scan3A_508 = arith.constant 0 : i32
        scf.yield %scan3A_508 : i32
      }
      %scan3A_297 = arith.constant 40 : i32
      %mul3A_298 = arith.constant 40 : i32
      %mul3A_299 = arith.muli %add3A_251, %mul3A_298 : i32
      %add3A_300 = arith.addi %mul3A_2, %mul3A_299 : i32
      %dma_start3A_301 = arith.constant 0 : i32
      %dma_start3A_302 = tpu.memref_slice %arg13[%add3A_300, %dma_start3A_301] : memref<320000x64xf32, #tpu.memory_space<hbm>> -> memref<40x64xf32, #tpu.memory_space<hbm>>
      %dma_start3A_303 = arith.constant 0 : i32
      %dma_start3A_304 = tpu.memref_slice %arg13[%add3A_300, %dma_start3A_303] : memref<320000x64xf32, #tpu.memory_space<hbm>> -> memref<40x64xf32, #tpu.memory_space<hbm>>
      tpu.enqueue_dma source(%arg24 : memref<40x64xf32, #tpu.memory_space<vmem>>) target(%dma_start3A_304 : memref<40x64xf32, #tpu.memory_space<hbm>>) target_semaphore(%arg39 : memref<!tpu.dma_semaphore, #tpu.memory_space<semaphore_mem>>)
      %dma_start3A_305 = arith.constant 0 : i32
      %dma_start3A_306 = arith.constant 0 : i32
      %dma_start3A_307 = tpu.memref_slice %arg15[%dma_start3A_305, %dma_start3A_306] : memref<10112x128xf32, #tpu.memory_space<vmem_shared>> -> memref<10112x128xf32, #tpu.memory_space<vmem_shared>>
      tpu.enqueue_indirect_dma source(%arg30 : memref<40x128xf32, #tpu.memory_space<vmem>>) target(%dma_start3A_307 : memref<10112x128xf32, #tpu.memory_space<vmem_shared>>) offsets(%arg21 : memref<40xi32, #tpu.memory_space<vmem>>) semaphore(%arg38 : memref<!tpu.dma_semaphore, #tpu.memory_space<semaphore_mem>>) {add = true}
      %lt3A_308 = arith.constant 124 : i32
      %lt3A_309 = arith.cmpi slt, %scan3A_167, %lt3A_308 : i32
      %convert_element_type3A_310 = arith.extui %lt3A_309 : i1 to i32
      %cond3A_311 = arith.constant 0 : i32
      %cond3A_312 = arith.cmpi ne, %convert_element_type3A_310, %cond3A_311 : i32
      scf.if %cond3A_312 {
        %add3A_314 = arith.constant 2 : i32
        %add3A_315 = arith.addi %add3A_251, %add3A_314 : i32
        %mul3A_316 = arith.constant 40 : i32
        %mul3A_317 = arith.muli %add3A_315, %mul3A_316 : i32
        %add3A_318 = arith.addi %mul3A_2, %mul3A_317 : i32
        %dma_start3A_319 = tpu.memref_slice %arg4[%add3A_318] : memref<320000xi32, #tpu.memory_space<hbm>> -> memref<40xi32, #tpu.memory_space<hbm>>
        %dma_start3A_320 = tpu.memref_slice %arg4[%add3A_318] : memref<320000xi32, #tpu.memory_space<hbm>> -> memref<40xi32, #tpu.memory_space<hbm>>
        tpu.enqueue_dma source(%dma_start3A_320 : memref<40xi32, #tpu.memory_space<hbm>>) target(%arg17 : memref<40xi32, #tpu.memory_space<vmem>>) target_semaphore(%arg34 : memref<!tpu.dma_semaphore, #tpu.memory_space<semaphore_mem>>)
        %dma_start3A_321 = tpu.memref_slice %arg5[%add3A_318] : memref<320000xi32, #tpu.memory_space<hbm>> -> memref<40xi32, #tpu.memory_space<hbm>>
        %dma_start3A_322 = tpu.memref_slice %arg5[%add3A_318] : memref<320000xi32, #tpu.memory_space<hbm>> -> memref<40xi32, #tpu.memory_space<hbm>>
        tpu.enqueue_dma source(%dma_start3A_322 : memref<40xi32, #tpu.memory_space<hbm>>) target(%arg19 : memref<40xi32, #tpu.memory_space<vmem>>) target_semaphore(%arg34 : memref<!tpu.dma_semaphore, #tpu.memory_space<semaphore_mem>>)
        %dma_start3A_323 = arith.constant 0 : i32
        %dma_start3A_324 = tpu.memref_slice %arg3[%add3A_318, %dma_start3A_323] : memref<320000x64xf32, #tpu.memory_space<hbm>> -> memref<40x64xf32, #tpu.memory_space<hbm>>
        %dma_start3A_325 = arith.constant 0 : i32
        %dma_start3A_326 = tpu.memref_slice %arg3[%add3A_318, %dma_start3A_325] : memref<320000x64xf32, #tpu.memory_space<hbm>> -> memref<40x64xf32, #tpu.memory_space<hbm>>
        tpu.enqueue_dma source(%dma_start3A_326 : memref<40x64xf32, #tpu.memory_space<hbm>>) target(%arg23 : memref<40x64xf32, #tpu.memory_space<vmem>>) target_semaphore(%arg34 : memref<!tpu.dma_semaphore, #tpu.memory_space<semaphore_mem>>)
      } else {
      }
      %scan3A_313 = arith.constant 0 : i32
      scf.yield %scan3A_313 : i32
    }
    %scan3A_152 = arith.constant 125 : i32
    %add3A_153 = arith.constant 9960 : i32
    %add3A_154 = arith.addi %mul3A_2, %add3A_153 : i32
    %dma_wait3A_155 = arith.constant 0 : i32
    %dma_wait3A_156 = tpu.memref_slice %arg13[%add3A_154, %dma_wait3A_155] : memref<320000x64xf32, #tpu.memory_space<hbm>> -> memref<40x64xf32, #tpu.memory_space<hbm>>
    %dma_wait3A_157 = arith.constant 0 : i32
    %dma_wait3A_158 = tpu.memref_slice %arg13[%add3A_154, %dma_wait3A_157] : memref<320000x64xf32, #tpu.memory_space<hbm>> -> memref<40x64xf32, #tpu.memory_space<hbm>>
    tpu.wait_dma2 semaphore(%arg39 : memref<!tpu.dma_semaphore, #tpu.memory_space<semaphore_mem>>) src(%arg24 : memref<40x64xf32, #tpu.memory_space<vmem>>) dst(%dma_wait3A_158 : memref<40x64xf32, #tpu.memory_space<hbm>>)
    %dma_wait3A_159 = arith.constant 0 : i32
    %dma_wait3A_160 = arith.constant 0 : i32
    %dma_wait3A_161 = tpu.memref_slice %arg15[%dma_wait3A_159, %dma_wait3A_160] : memref<10112x128xf32, #tpu.memory_space<vmem_shared>> -> memref<10112x128xf32, #tpu.memory_space<vmem_shared>>
    tpu.wait_indirect_dma semaphore(%arg37 : memref<!tpu.dma_semaphore, #tpu.memory_space<semaphore_mem>>) src(%arg29 : memref<40x128xf32, #tpu.memory_space<vmem>>) dst(%dma_wait3A_161 : memref<10112x128xf32, #tpu.memory_space<vmem_shared>>)
    %dma_wait3A_162 = arith.constant 0 : i32
    %dma_wait3A_163 = arith.constant 0 : i32
    %dma_wait3A_164 = tpu.memref_slice %arg15[%dma_wait3A_162, %dma_wait3A_163] : memref<10112x128xf32, #tpu.memory_space<vmem_shared>> -> memref<10112x128xf32, #tpu.memory_space<vmem_shared>>
    tpu.wait_indirect_dma semaphore(%arg38 : memref<!tpu.dma_semaphore, #tpu.memory_space<semaphore_mem>>) src(%arg30 : memref<40x128xf32, #tpu.memory_space<vmem>>) dst(%dma_wait3A_164 : memref<10112x128xf32, #tpu.memory_space<vmem_shared>>)
    %barrier3A_165 = arith.constant 0 : index
    tpu.barrier barrier_id(%barrier3A_165)
    %run_scoped3A_166 = arith.constant 1 : i32
    "tpu.region"() ({
      %run_scoped3A_167 = tpu.sem_alloc : memref<!tpu.dma_semaphore, #tpu.memory_space<semaphore_mem>>
      %dma_start3A_168 = arith.constant 0 : i32
      %dma_start3A_169 = tpu.memref_slice %arg14[%arg0, %run_scoped3A_166, %mul3A_84, %dma_start3A_168] : memref<2x2x10112x128xf32, #tpu.memory_space<hbm>> -> memref<1x1x632x128xf32, #tpu.memory_space<hbm>>
      %dma_start3A_170 = tpu.memref_squeeze %dma_start3A_169 : memref<1x1x632x128xf32, #tpu.memory_space<hbm>> -> memref<632x128xf32, #tpu.memory_space<hbm>>
      %dma_start3A_171 = arith.constant 0 : i32
      %dma_start3A_172 = tpu.memref_slice %arg15[%mul3A_84, %dma_start3A_171] : memref<10112x128xf32, #tpu.memory_space<vmem_shared>> -> memref<632x128xf32, #tpu.memory_space<vmem_shared>>
      tpu.enqueue_dma source(%dma_start3A_172 : memref<632x128xf32, #tpu.memory_space<vmem_shared>>) target(%dma_start3A_170 : memref<632x128xf32, #tpu.memory_space<hbm>>) target_semaphore(%run_scoped3A_167 : memref<!tpu.dma_semaphore, #tpu.memory_space<semaphore_mem>>)
      %dma_wait3A_173 = arith.constant 0 : i32
      %dma_wait3A_174 = tpu.memref_slice %arg14[%arg0, %run_scoped3A_166, %mul3A_84, %dma_wait3A_173] : memref<2x2x10112x128xf32, #tpu.memory_space<hbm>> -> memref<1x1x632x128xf32, #tpu.memory_space<hbm>>
      %dma_wait3A_175 = tpu.memref_squeeze %dma_wait3A_174 : memref<1x1x632x128xf32, #tpu.memory_space<hbm>> -> memref<632x128xf32, #tpu.memory_space<hbm>>
      %dma_wait3A_176 = arith.constant 0 : i32
      %dma_wait3A_177 = tpu.memref_slice %arg15[%mul3A_84, %dma_wait3A_176] : memref<10112x128xf32, #tpu.memory_space<vmem_shared>> -> memref<632x128xf32, #tpu.memory_space<vmem_shared>>
      tpu.wait_dma2 semaphore(%run_scoped3A_167 : memref<!tpu.dma_semaphore, #tpu.memory_space<semaphore_mem>>) src(%dma_wait3A_177 : memref<632x128xf32, #tpu.memory_space<vmem_shared>>) dst(%dma_wait3A_175 : memref<632x128xf32, #tpu.memory_space<hbm>>)
      tpu.yield
    }) : () -> ()
    return
  }
}

module attributes {stable_mosaic.version = 14 : i64} {
  func.func @_ce_body(%arg0: i32, %arg1: memref<6400x128xf32, #tpu.memory_space<vmem>>, %arg2: memref<128x128xf32, #tpu.memory_space<vmem>>, %arg3: memref<1x128xf32, #tpu.memory_space<vmem>>, %arg4: memref<6400x64xf32, #tpu.memory_space<vmem>>, %arg5: memref<6400x64xf32, #tpu.memory_space<vmem>>) attributes {dimension_semantics = [#tpu.dimension_semantics<arbitrary>], iteration_bounds = array<i64: 50>, scalar_prefetch = 0 : i64, scratch_operands = 0 : i64, tpu.core_type = #tpu.core_type<tc>, window_params = [{transform_indices = @transform_0, window_bounds = array<i64: 6400, 128>}, {pipeline_mode = #tpu.pipeline_mode<synchronous>, transform_indices = @transform_1, window_bounds = array<i64: 128, 128>}, {pipeline_mode = #tpu.pipeline_mode<synchronous>, transform_indices = @transform_2, window_bounds = array<i64: 1, 128>}, {transform_indices = @transform_3, window_bounds = array<i64: 6400, 64>}, {transform_indices = @transform_4, window_bounds = array<i64: 6400, 64>}]} {
    %get3A = arith.constant 0 : index
    %get3A_0 = arith.constant 0 : index
    %get3A_1 = vector.load %arg1[%get3A, %get3A_0] : memref<6400x128xf32, #tpu.memory_space<vmem>>, vector<6400x128xf32>
    %get3A_2 = arith.constant 0 : index
    %get3A_3 = arith.constant 0 : index
    %get3A_4 = vector.load %arg2[%get3A_2, %get3A_3] : memref<128x128xf32, #tpu.memory_space<vmem>>, vector<128x128xf32>
    %dot_general3A = arith.constant dense<0.000000e+00> : vector<6400x128xf32>
    %dot_general3A_5 = tpu.matmul %get3A_1, %get3A_4, %dot_general3A {dimension_numbers = #tpu.dot_dimension_numbers<[1], [1], [0], [0], [0, 0, 1, 0], [], []>, transpose_lhs_hint = false} : vector<6400x128xf32>, vector<128x128xf32>, vector<6400x128xf32> -> vector<6400x128xf32>
    %get3A_6 = arith.constant 0 : index
    %get3A_7 = arith.constant 0 : index
    %get3A_8 = vector.load %arg3[%get3A_6, %get3A_7] : memref<1x128xf32, #tpu.memory_space<vmem>>, vector<1x128xf32>
    %add3A = vector.broadcast %get3A_8 : vector<1x128xf32> to vector<6400x128xf32>
    %add3A_9 = arith.addf %dot_general3A_5, %add3A : vector<6400x128xf32>
    %slice3A = vector.extract_strided_slice %add3A_9 {offsets = [0, 0], sizes = [6400, 64], strides = [1, 1]} : vector<6400x128xf32> to vector<6400x64xf32>
    %swap3A = arith.constant 0 : index
    %swap3A_10 = arith.constant 0 : index
    %swap3A_11 = vector.load %arg4[%swap3A, %swap3A_10] : memref<6400x64xf32, #tpu.memory_space<vmem>>, vector<6400x64xf32>
    tpu.vector_store %arg4[%swap3A, %swap3A_10], %slice3A {strides = array<i32>} : memref<6400x64xf32, #tpu.memory_space<vmem>>, vector<6400x64xf32>,
    %slice3A_12 = vector.extract_strided_slice %add3A_9 {offsets = [0, 64], sizes = [6400, 64], strides = [1, 1]} : vector<6400x128xf32> to vector<6400x64xf32>
    %swap3A_13 = arith.constant 0 : index
    %swap3A_14 = arith.constant 0 : index
    %swap3A_15 = vector.load %arg5[%swap3A_13, %swap3A_14] : memref<6400x64xf32, #tpu.memory_space<vmem>>, vector<6400x64xf32>
    tpu.vector_store %arg5[%swap3A_13, %swap3A_14], %slice3A_12 {strides = array<i32>} : memref<6400x64xf32, #tpu.memory_space<vmem>>, vector<6400x64xf32>,
    return
  }
  func.func @transform_0(%arg0: i32) -> (i32, i32) {
    %c0_i32 = arith.constant 0 : i32
    %c0_i32_0 = arith.constant 0 : i32
    return %arg0, %c0_i32 : i32, i32
  }
  func.func @transform_1(%arg0: i32) -> (i32, i32) {
    %c0_i32 = arith.constant 0 : i32
    %c0_i32_0 = arith.constant 0 : i32
    %c0_i32_1 = arith.constant 0 : i32
    return %c0_i32, %c0_i32_0 : i32, i32
  }
  func.func @transform_2(%arg0: i32) -> (i32, i32) {
    %c0_i32 = arith.constant 0 : i32
    %c0_i32_0 = arith.constant 0 : i32
    %c0_i32_1 = arith.constant 0 : i32
    return %c0_i32, %c0_i32_0 : i32, i32
  }
  func.func @transform_3(%arg0: i32) -> (i32, i32) {
    %c0_i32 = arith.constant 0 : i32
    %c0_i32_0 = arith.constant 0 : i32
    return %arg0, %c0_i32 : i32, i32
  }
  func.func @transform_4(%arg0: i32) -> (i32, i32) {
    %c0_i32 = arith.constant 0 : i32
    %c0_i32_0 = arith.constant 0 : i32
    return %arg0, %c0_i32 : i32, i32
  }
}

module attributes {stable_mosaic.version = 14 : i64} {
  func.func @_node_body(%arg0: i32, %arg1: memref<2000x128xf32, #tpu.memory_space<vmem>>, %arg2: memref<128x128xf32, #tpu.memory_space<vmem>>, %arg3: memref<1x128xf32, #tpu.memory_space<vmem>>, %arg4: memref<128x128xf32, #tpu.memory_space<vmem>>, %arg5: memref<1x128xf32, #tpu.memory_space<vmem>>, %arg6: memref<128x128xf32, #tpu.memory_space<vmem>>, %arg7: memref<1x128xf32, #tpu.memory_space<vmem>>, %arg8: memref<128x128xf32, #tpu.memory_space<vmem>>, %arg9: memref<1x128xf32, #tpu.memory_space<vmem>>, %arg10: memref<1x128xf32, #tpu.memory_space<vmem>>, %arg11: memref<1x128xf32, #tpu.memory_space<vmem>>, %arg12: memref<1x128xf32, #tpu.memory_space<vmem>>, %arg13: memref<1x128xf32, #tpu.memory_space<vmem>>, %arg14: memref<2000x128xf32, #tpu.memory_space<vmem>>, %arg15: memref<2000x128xf32, #tpu.memory_space<vmem>>, %arg16: memref<2000x128xf32, #tpu.memory_space<vmem>>, %arg17: memref<2000x128xf32, #tpu.memory_space<vmem>>, %arg18: memref<1x128xf32, #tpu.memory_space<vmem>>, %arg19: memref<1x128xf32, #tpu.memory_space<vmem>>) attributes {dimension_semantics = [#tpu.dimension_semantics<arbitrary>], iteration_bounds = array<i64: 5>, scalar_prefetch = 0 : i64, scratch_operands = 0 : i64, tpu.core_type = #tpu.core_type<tc>, window_params = [{transform_indices = @transform_0, window_bounds = array<i64: 2000, 128>}, {pipeline_mode = #tpu.pipeline_mode<synchronous>, transform_indices = @transform_1, window_bounds = array<i64: 128, 128>}, {pipeline_mode = #tpu.pipeline_mode<synchronous>, transform_indices = @transform_2, window_bounds = array<i64: 1, 128>}, {pipeline_mode = #tpu.pipeline_mode<synchronous>, transform_indices = @transform_3, window_bounds = array<i64: 128, 128>}, {pipeline_mode = #tpu.pipeline_mode<synchronous>, transform_indices = @transform_4, window_bounds = array<i64: 1, 128>}, {pipeline_mode = #tpu.pipeline_mode<synchronous>, transform_indices = @transform_5, window_bounds = array<i64: 128, 128>}, {pipeline_mode = #tpu.pipeline_mode<synchronous>, transform_indices = @transform_6, window_bounds = array<i64: 1, 128>}, {pipeline_mode = #tpu.pipeline_mode<synchronous>, transform_indices = @transform_7, window_bounds = array<i64: 128, 128>}, {pipeline_mode = #tpu.pipeline_mode<synchronous>, transform_indices = @transform_8, window_bounds = array<i64: 1, 128>}, {pipeline_mode = #tpu.pipeline_mode<synchronous>, transform_indices = @transform_9, window_bounds = array<i64: 1, 128>}, {pipeline_mode = #tpu.pipeline_mode<synchronous>, transform_indices = @transform_10, window_bounds = array<i64: 1, 128>}, {pipeline_mode = #tpu.pipeline_mode<synchronous>, transform_indices = @transform_11, window_bounds = array<i64: 1, 128>}, {pipeline_mode = #tpu.pipeline_mode<synchronous>, transform_indices = @transform_12, window_bounds = array<i64: 1, 128>}, {transform_indices = @transform_13, window_bounds = array<i64: 2000, 128>}, {transform_indices = @transform_14, window_bounds = array<i64: 2000, 128>}, {transform_indices = @transform_15, window_bounds = array<i64: 2000, 128>}, {transform_indices = @transform_16, window_bounds = array<i64: 2000, 128>}, {pipeline_mode = #tpu.pipeline_mode<synchronous>, transform_indices = @transform_17, window_bounds = array<i64: 1, 128>}, {pipeline_mode = #tpu.pipeline_mode<synchronous>, transform_indices = @transform_18, window_bounds = array<i64: 1, 128>}]} {
    %get3A = arith.constant 0 : index
    %get3A_0 = arith.constant 0 : index
    %get3A_1 = vector.load %arg1[%get3A, %get3A_0] : memref<2000x128xf32, #tpu.memory_space<vmem>>, vector<2000x128xf32>
    %get3A_2 = arith.constant 0 : index
    %get3A_3 = arith.constant 0 : index
    %get3A_4 = vector.load %arg2[%get3A_2, %get3A_3] : memref<128x128xf32, #tpu.memory_space<vmem>>, vector<128x128xf32>
    %dot_general3A = arith.constant dense<0.000000e+00> : vector<2000x128xf32>
    %dot_general3A_5 = tpu.matmul %get3A_1, %get3A_4, %dot_general3A {dimension_numbers = #tpu.dot_dimension_numbers<[1], [1], [0], [0], [0, 0, 1, 0], [], []>, transpose_lhs_hint = false} : vector<2000x128xf32>, vector<128x128xf32>, vector<2000x128xf32> -> vector<2000x128xf32>
    %get3A_6 = arith.constant 0 : index
    %get3A_7 = arith.constant 0 : index
    %get3A_8 = vector.load %arg3[%get3A_6, %get3A_7] : memref<1x128xf32, #tpu.memory_space<vmem>>, vector<1x128xf32>
    %add3A = vector.broadcast %get3A_8 : vector<1x128xf32> to vector<2000x128xf32>
    %add3A_9 = arith.addf %dot_general3A_5, %add3A : vector<2000x128xf32>
    %get3A_10 = arith.constant 0 : index
    %get3A_11 = arith.constant 0 : index
    %get3A_12 = vector.load %arg4[%get3A_10, %get3A_11] : memref<128x128xf32, #tpu.memory_space<vmem>>, vector<128x128xf32>
    %dot_general3A_13 = arith.constant dense<0.000000e+00> : vector<2000x128xf32>
    %dot_general3A_14 = tpu.matmul %get3A_1, %get3A_12, %dot_general3A_13 {dimension_numbers = #tpu.dot_dimension_numbers<[1], [1], [0], [0], [0, 0, 1, 0], [], []>, transpose_lhs_hint = false} : vector<2000x128xf32>, vector<128x128xf32>, vector<2000x128xf32> -> vector<2000x128xf32>
    %get3A_15 = arith.constant 0 : index
    %get3A_16 = arith.constant 0 : index
    %get3A_17 = vector.load %arg5[%get3A_15, %get3A_16] : memref<1x128xf32, #tpu.memory_space<vmem>>, vector<1x128xf32>
    %add3A_18 = vector.broadcast %get3A_17 : vector<1x128xf32> to vector<2000x128xf32>
    %add3A_19 = arith.addf %dot_general3A_14, %add3A_18 : vector<2000x128xf32>
    %get3A_20 = arith.constant 0 : index
    %get3A_21 = arith.constant 0 : index
    %get3A_22 = vector.load %arg6[%get3A_20, %get3A_21] : memref<128x128xf32, #tpu.memory_space<vmem>>, vector<128x128xf32>
    %dot_general3A_23 = arith.constant dense<0.000000e+00> : vector<2000x128xf32>
    %dot_general3A_24 = tpu.matmul %get3A_1, %get3A_22, %dot_general3A_23 {dimension_numbers = #tpu.dot_dimension_numbers<[1], [1], [0], [0], [0, 0, 1, 0], [], []>, transpose_lhs_hint = false} : vector<2000x128xf32>, vector<128x128xf32>, vector<2000x128xf32> -> vector<2000x128xf32>
    %get3A_25 = arith.constant 0 : index
    %get3A_26 = arith.constant 0 : index
    %get3A_27 = vector.load %arg7[%get3A_25, %get3A_26] : memref<1x128xf32, #tpu.memory_space<vmem>>, vector<1x128xf32>
    %add3A_28 = vector.broadcast %get3A_27 : vector<1x128xf32> to vector<2000x128xf32>
    %add3A_29 = arith.addf %dot_general3A_24, %add3A_28 : vector<2000x128xf32>
    %get3A_30 = arith.constant 0 : index
    %get3A_31 = arith.constant 0 : index
    %get3A_32 = vector.load %arg8[%get3A_30, %get3A_31] : memref<128x128xf32, #tpu.memory_space<vmem>>, vector<128x128xf32>
    %dot_general3A_33 = arith.constant dense<0.000000e+00> : vector<2000x128xf32>
    %dot_general3A_34 = tpu.matmul %get3A_1, %get3A_32, %dot_general3A_33 {dimension_numbers = #tpu.dot_dimension_numbers<[1], [1], [0], [0], [0, 0, 1, 0], [], []>, transpose_lhs_hint = false} : vector<2000x128xf32>, vector<128x128xf32>, vector<2000x128xf32> -> vector<2000x128xf32>
    %get3A_35 = arith.constant 0 : index
    %get3A_36 = arith.constant 0 : index
    %get3A_37 = vector.load %arg9[%get3A_35, %get3A_36] : memref<1x128xf32, #tpu.memory_space<vmem>>, vector<1x128xf32>
    %add3A_38 = vector.broadcast %get3A_37 : vector<1x128xf32> to vector<2000x128xf32>
    %add3A_39 = arith.addf %dot_general3A_34, %add3A_38 : vector<2000x128xf32>
    %swap3A = arith.constant 0 : index
    %swap3A_40 = arith.constant 0 : index
    %swap3A_41 = vector.load %arg14[%swap3A, %swap3A_40] : memref<2000x128xf32, #tpu.memory_space<vmem>>, vector<2000x128xf32>
    tpu.vector_store %arg14[%swap3A, %swap3A_40], %add3A_9 {strides = array<i32>} : memref<2000x128xf32, #tpu.memory_space<vmem>>, vector<2000x128xf32>,
    %slice3A = vector.extract_strided_slice %add3A_29 {offsets = [0, 0], sizes = [2000, 64], strides = [1, 1]} : vector<2000x128xf32> to vector<2000x64xf32>
    %slice3A_42 = vector.extract_strided_slice %add3A_19 {offsets = [0, 0], sizes = [2000, 64], strides = [1, 1]} : vector<2000x128xf32> to vector<2000x64xf32>
    %concatenate3A = tpu.concatenate %slice3A, %slice3A_42 in 1 : vector<2000x64xf32>, vector<2000x64xf32> -> vector<2000x128xf32>
    %swap3A_43 = arith.constant 0 : index
    %swap3A_44 = arith.constant 0 : index
    %swap3A_45 = vector.load %arg15[%swap3A_43, %swap3A_44] : memref<2000x128xf32, #tpu.memory_space<vmem>>, vector<2000x128xf32>
    tpu.vector_store %arg15[%swap3A_43, %swap3A_44], %concatenate3A {strides = array<i32>} : memref<2000x128xf32, #tpu.memory_space<vmem>>, vector<2000x128xf32>,
    %slice3A_46 = vector.extract_strided_slice %add3A_29 {offsets = [0, 64], sizes = [2000, 64], strides = [1, 1]} : vector<2000x128xf32> to vector<2000x64xf32>
    %slice3A_47 = vector.extract_strided_slice %add3A_19 {offsets = [0, 64], sizes = [2000, 64], strides = [1, 1]} : vector<2000x128xf32> to vector<2000x64xf32>
    %concatenate3A_48 = tpu.concatenate %slice3A_46, %slice3A_47 in 1 : vector<2000x64xf32>, vector<2000x64xf32> -> vector<2000x128xf32>
    %swap3A_49 = arith.constant 0 : index
    %swap3A_50 = arith.constant 0 : index
    %swap3A_51 = vector.load %arg16[%swap3A_49, %swap3A_50] : memref<2000x128xf32, #tpu.memory_space<vmem>>, vector<2000x128xf32>
    tpu.vector_store %arg16[%swap3A_49, %swap3A_50], %concatenate3A_48 {strides = array<i32>} : memref<2000x128xf32, #tpu.memory_space<vmem>>, vector<2000x128xf32>,
    %swap3A_52 = arith.constant 0 : index
    %swap3A_53 = arith.constant 0 : index
    %swap3A_54 = vector.load %arg17[%swap3A_52, %swap3A_53] : memref<2000x128xf32, #tpu.memory_space<vmem>>, vector<2000x128xf32>
    tpu.vector_store %arg17[%swap3A_52, %swap3A_53], %add3A_39 {strides = array<i32>} : memref<2000x128xf32, #tpu.memory_space<vmem>>, vector<2000x128xf32>,
    %get3A_55 = arith.constant 0 : index
    %get3A_56 = arith.constant 0 : index
    %get3A_57 = vector.load %arg10[%get3A_55, %get3A_56] : memref<1x128xf32, #tpu.memory_space<vmem>>, vector<1x128xf32>
    %get3A_58 = arith.constant 0 : index
    %get3A_59 = arith.constant 0 : index
    %get3A_60 = vector.load %arg13[%get3A_58, %get3A_59] : memref<1x128xf32, #tpu.memory_space<vmem>>, vector<1x128xf32>
    %add3A_61 = arith.constant 9.99999974E-6 : f32
    %add3A_62 = vector.broadcast %add3A_61 : f32 to vector<1x128xf32>
    %add3A_63 = arith.addf %get3A_60, %add3A_62 : vector<1x128xf32>
    %sqrt3A = math.sqrt %add3A_63 : vector<1x128xf32>
    %div3A = arith.divf %get3A_57, %sqrt3A : vector<1x128xf32>
    %swap3A_64 = arith.constant 0 : index
    %swap3A_65 = arith.constant 0 : index
    %swap3A_66 = vector.load %arg18[%swap3A_64, %swap3A_65] : memref<1x128xf32, #tpu.memory_space<vmem>>, vector<1x128xf32>
    tpu.vector_store %arg18[%swap3A_64, %swap3A_65], %div3A {strides = array<i32>} : memref<1x128xf32, #tpu.memory_space<vmem>>, vector<1x128xf32>,
    %get3A_67 = arith.constant 0 : index
    %get3A_68 = arith.constant 0 : index
    %get3A_69 = vector.load %arg11[%get3A_67, %get3A_68] : memref<1x128xf32, #tpu.memory_space<vmem>>, vector<1x128xf32>
    %get3A_70 = arith.constant 0 : index
    %get3A_71 = arith.constant 0 : index
    %get3A_72 = vector.load %arg12[%get3A_70, %get3A_71] : memref<1x128xf32, #tpu.memory_space<vmem>>, vector<1x128xf32>
    %mul3A = arith.mulf %get3A_72, %div3A : vector<1x128xf32>
    %sub3A = arith.subf %get3A_69, %mul3A : vector<1x128xf32>
    %swap3A_73 = arith.constant 0 : index
    %swap3A_74 = arith.constant 0 : index
    %swap3A_75 = vector.load %arg19[%swap3A_73, %swap3A_74] : memref<1x128xf32, #tpu.memory_space<vmem>>, vector<1x128xf32>
    tpu.vector_store %arg19[%swap3A_73, %swap3A_74], %sub3A {strides = array<i32>} : memref<1x128xf32, #tpu.memory_space<vmem>>, vector<1x128xf32>,
    return
  }
  func.func @transform_0(%arg0: i32) -> (i32, i32) {
    %c0_i32 = arith.constant 0 : i32
    %c0_i32_0 = arith.constant 0 : i32
    return %arg0, %c0_i32 : i32, i32
  }
  func.func @transform_1(%arg0: i32) -> (i32, i32) {
    %c0_i32 = arith.constant 0 : i32
    %c0_i32_0 = arith.constant 0 : i32
    %c0_i32_1 = arith.constant 0 : i32
    return %c0_i32, %c0_i32_0 : i32, i32
  }
  func.func @transform_2(%arg0: i32) -> (i32, i32) {
    %c0_i32 = arith.constant 0 : i32
    %c0_i32_0 = arith.constant 0 : i32
    %c0_i32_1 = arith.constant 0 : i32
    return %c0_i32, %c0_i32_0 : i32, i32
  }
  func.func @transform_3(%arg0: i32) -> (i32, i32) {
    %c0_i32 = arith.constant 0 : i32
    %c0_i32_0 = arith.constant 0 : i32
    %c0_i32_1 = arith.constant 0 : i32
    return %c0_i32, %c0_i32_0 : i32, i32
  }
  func.func @transform_4(%arg0: i32) -> (i32, i32) {
    %c0_i32 = arith.constant 0 : i32
    %c0_i32_0 = arith.constant 0 : i32
    %c0_i32_1 = arith.constant 0 : i32
    return %c0_i32, %c0_i32_0 : i32, i32
  }
  func.func @transform_5(%arg0: i32) -> (i32, i32) {
    %c0_i32 = arith.constant 0 : i32
    %c0_i32_0 = arith.constant 0 : i32
    %c0_i32_1 = arith.constant 0 : i32
    return %c0_i32, %c0_i32_0 : i32, i32
  }
  func.func @transform_6(%arg0: i32) -> (i32, i32) {
    %c0_i32 = arith.constant 0 : i32
    %c0_i32_0 = arith.constant 0 : i32
    %c0_i32_1 = arith.constant 0 : i32
    return %c0_i32, %c0_i32_0 : i32, i32
  }
  func.func @transform_7(%arg0: i32) -> (i32, i32) {
    %c0_i32 = arith.constant 0 : i32
    %c0_i32_0 = arith.constant 0 : i32
    %c0_i32_1 = arith.constant 0 : i32
    return %c0_i32, %c0_i32_0 : i32, i32
  }
  func.func @transform_8(%arg0: i32) -> (i32, i32) {
    %c0_i32 = arith.constant 0 : i32
    %c0_i32_0 = arith.constant 0 : i32
    %c0_i32_1 = arith.constant 0 : i32
    return %c0_i32, %c0_i32_0 : i32, i32
  }
  func.func @transform_9(%arg0: i32) -> (i32, i32) {
    %c0_i32 = arith.constant 0 : i32
    %c0_i32_0 = arith.constant 0 : i32
    %c0_i32_1 = arith.constant 0 : i32
    return %c0_i32, %c0_i32_0 : i32, i32
  }
  func.func @transform_10(%arg0: i32) -> (i32, i32) {
    %c0_i32 = arith.constant 0 : i32
    %c0_i32_0 = arith.constant 0 : i32
    %c0_i32_1 = arith.constant 0 : i32
    return %c0_i32, %c0_i32_0 : i32, i32
  }
  func.func @transform_11(%arg0: i32) -> (i32, i32) {
    %c0_i32 = arith.constant 0 : i32
    %c0_i32_0 = arith.constant 0 : i32
    %c0_i32_1 = arith.constant 0 : i32
    return %c0_i32, %c0_i32_0 : i32, i32
  }
  func.func @transform_12(%arg0: i32) -> (i32, i32) {
    %c0_i32 = arith.constant 0 : i32
    %c0_i32_0 = arith.constant 0 : i32
    %c0_i32_1 = arith.constant 0 : i32
    return %c0_i32, %c0_i32_0 : i32, i32
  }
  func.func @transform_13(%arg0: i32) -> (i32, i32) {
    %c0_i32 = arith.constant 0 : i32
    %c0_i32_0 = arith.constant 0 : i32
    return %arg0, %c0_i32 : i32, i32
  }
  func.func @transform_14(%arg0: i32) -> (i32, i32) {
    %c0_i32 = arith.constant 0 : i32
    %c0_i32_0 = arith.constant 0 : i32
    return %arg0, %c0_i32 : i32, i32
  }
  func.func @transform_15(%arg0: i32) -> (i32, i32) {
    %c0_i32 = arith.constant 0 : i32
    %c0_i32_0 = arith.constant 0 : i32
    return %arg0, %c0_i32 : i32, i32
  }
  func.func @transform_16(%arg0: i32) -> (i32, i32) {
    %c0_i32 = arith.constant 0 : i32
    %c0_i32_0 = arith.constant 0 : i32
    return %arg0, %c0_i32 : i32, i32
  }
  func.func @transform_17(%arg0: i32) -> (i32, i32) {
    %c0_i32 = arith.constant 0 : i32
    %c0_i32_0 = arith.constant 0 : i32
    %c0_i32_1 = arith.constant 0 : i32
    return %c0_i32, %c0_i32_0 : i32, i32
  }
  func.func @transform_18(%arg0: i32) -> (i32, i32) {
    %c0_i32 = arith.constant 0 : i32
    %c0_i32_0 = arith.constant 0 : i32
    %c0_i32_1 = arith.constant 0 : i32
    return %c0_i32, %c0_i32_0 : i32, i32
  }
}

module attributes {stable_mosaic.version = 14 : i64} {
  func.func @_combine_body(%arg0: i32, %arg1: memref<2000x128xf32, #tpu.memory_space<vmem>>, %arg2: memref<2x2x2000x128xf32, #tpu.memory_space<vmem>>, %arg3: memref<1x128xf32, #tpu.memory_space<vmem>>, %arg4: memref<1x128xf32, #tpu.memory_space<vmem>>, %arg5: memref<1x128xf32, #tpu.memory_space<vmem>>, %arg6: memref<1x128xf32, #tpu.memory_space<vmem>>, %arg7: memref<2000x128xf32, #tpu.memory_space<vmem>>) attributes {dimension_semantics = [#tpu.dimension_semantics<arbitrary>], iteration_bounds = array<i64: 5>, scalar_prefetch = 0 : i64, scratch_operands = 0 : i64, tpu.core_type = #tpu.core_type<tc>, window_params = [{transform_indices = @transform_0, window_bounds = array<i64: 2000, 128>}, {transform_indices = @transform_1, window_bounds = array<i64: 2, 2, 2000, 128>}, {pipeline_mode = #tpu.pipeline_mode<synchronous>, transform_indices = @transform_2, window_bounds = array<i64: 1, 128>}, {pipeline_mode = #tpu.pipeline_mode<synchronous>, transform_indices = @transform_3, window_bounds = array<i64: 1, 128>}, {pipeline_mode = #tpu.pipeline_mode<synchronous>, transform_indices = @transform_4, window_bounds = array<i64: 1, 128>}, {pipeline_mode = #tpu.pipeline_mode<synchronous>, transform_indices = @transform_5, window_bounds = array<i64: 1, 128>}, {transform_indices = @transform_6, window_bounds = array<i64: 2000, 128>}]} {
    %get3A = arith.constant 0 : index
    %get3A_0 = arith.constant 0 : index
    %get3A_1 = arith.constant 0 : index
    %get3A_2 = arith.constant 0 : index
    %get3A_3 = vector.load %arg2[%get3A, %get3A_0, %get3A_1, %get3A_2] : memref<2x2x2000x128xf32, #tpu.memory_space<vmem>>, vector<1x1x2000x64xf32>
    %get3A_4 = vector.shape_cast %get3A_3 : vector<1x1x2000x64xf32> to vector<2000x64xf32>
    %get3A_5 = arith.constant 1 : index
    %get3A_6 = arith.constant 0 : index
    %get3A_7 = arith.constant 0 : index
    %get3A_8 = arith.constant 0 : index
    %get3A_9 = vector.load %arg2[%get3A_5, %get3A_6, %get3A_7, %get3A_8] : memref<2x2x2000x128xf32, #tpu.memory_space<vmem>>, vector<1x1x2000x64xf32>
    %get3A_10 = vector.shape_cast %get3A_9 : vector<1x1x2000x64xf32> to vector<2000x64xf32>
    %add3A = arith.addf %get3A_4, %get3A_10 : vector<2000x64xf32>
    %get3A_11 = arith.constant 0 : index
    %get3A_12 = arith.constant 1 : index
    %get3A_13 = arith.constant 0 : index
    %get3A_14 = arith.constant 0 : index
    %get3A_15 = vector.load %arg2[%get3A_11, %get3A_12, %get3A_13, %get3A_14] : memref<2x2x2000x128xf32, #tpu.memory_space<vmem>>, vector<1x1x2000x64xf32>
    %get3A_16 = vector.shape_cast %get3A_15 : vector<1x1x2000x64xf32> to vector<2000x64xf32>
    %get3A_17 = arith.constant 1 : index
    %get3A_18 = arith.constant 1 : index
    %get3A_19 = arith.constant 0 : index
    %get3A_20 = arith.constant 0 : index
    %get3A_21 = vector.load %arg2[%get3A_17, %get3A_18, %get3A_19, %get3A_20] : memref<2x2x2000x128xf32, #tpu.memory_space<vmem>>, vector<1x1x2000x64xf32>
    %get3A_22 = vector.shape_cast %get3A_21 : vector<1x1x2000x64xf32> to vector<2000x64xf32>
    %add3A_23 = arith.addf %get3A_16, %get3A_22 : vector<2000x64xf32>
    %concatenate3A = tpu.concatenate %add3A, %add3A_23 in 1 : vector<2000x64xf32>, vector<2000x64xf32> -> vector<2000x128xf32>
    %get3A_24 = arith.constant 0 : index
    %get3A_25 = arith.constant 0 : index
    %get3A_26 = arith.constant 0 : index
    %get3A_27 = arith.constant 64 : index
    %get3A_28 = vector.load %arg2[%get3A_24, %get3A_25, %get3A_26, %get3A_27] : memref<2x2x2000x128xf32, #tpu.memory_space<vmem>>, vector<1x1x2000x64xf32>
    %get3A_29 = vector.shape_cast %get3A_28 : vector<1x1x2000x64xf32> to vector<2000x64xf32>
    %get3A_30 = arith.constant 1 : index
    %get3A_31 = arith.constant 0 : index
    %get3A_32 = arith.constant 0 : index
    %get3A_33 = arith.constant 64 : index
    %get3A_34 = vector.load %arg2[%get3A_30, %get3A_31, %get3A_32, %get3A_33] : memref<2x2x2000x128xf32, #tpu.memory_space<vmem>>, vector<1x1x2000x64xf32>
    %get3A_35 = vector.shape_cast %get3A_34 : vector<1x1x2000x64xf32> to vector<2000x64xf32>
    %add3A_36 = arith.addf %get3A_29, %get3A_35 : vector<2000x64xf32>
    %get3A_37 = arith.constant 0 : index
    %get3A_38 = arith.constant 1 : index
    %get3A_39 = arith.constant 0 : index
    %get3A_40 = arith.constant 64 : index
    %get3A_41 = vector.load %arg2[%get3A_37, %get3A_38, %get3A_39, %get3A_40] : memref<2x2x2000x128xf32, #tpu.memory_space<vmem>>, vector<1x1x2000x64xf32>
    %get3A_42 = vector.shape_cast %get3A_41 : vector<1x1x2000x64xf32> to vector<2000x64xf32>
    %get3A_43 = arith.constant 1 : index
    %get3A_44 = arith.constant 1 : index
    %get3A_45 = arith.constant 0 : index
    %get3A_46 = arith.constant 64 : index
    %get3A_47 = vector.load %arg2[%get3A_43, %get3A_44, %get3A_45, %get3A_46] : memref<2x2x2000x128xf32, #tpu.memory_space<vmem>>, vector<1x1x2000x64xf32>
    %get3A_48 = vector.shape_cast %get3A_47 : vector<1x1x2000x64xf32> to vector<2000x64xf32>
    %add3A_49 = arith.addf %get3A_42, %get3A_48 : vector<2000x64xf32>
    %concatenate3A_50 = tpu.concatenate %add3A_36, %add3A_49 in 1 : vector<2000x64xf32>, vector<2000x64xf32> -> vector<2000x128xf32>
    %get3A_51 = arith.constant 0 : index
    %get3A_52 = arith.constant 0 : index
    %get3A_53 = vector.load %arg1[%get3A_51, %get3A_52] : memref<2000x128xf32, #tpu.memory_space<vmem>>, vector<2000x128xf32>
    %add3A_54 = arith.constant 9.99999997E-7 : f32
    %add3A_55 = vector.broadcast %add3A_54 : f32 to vector<2000x128xf32>
    %add3A_56 = arith.addf %concatenate3A_50, %add3A_55 : vector<2000x128xf32>
    %div3A = arith.divf %concatenate3A, %add3A_56 : vector<2000x128xf32>
    %add3A_57 = arith.addf %get3A_53, %div3A : vector<2000x128xf32>
    %get3A_58 = arith.constant 0 : index
    %get3A_59 = arith.constant 0 : index
    %get3A_60 = vector.load %arg3[%get3A_58, %get3A_59] : memref<1x128xf32, #tpu.memory_space<vmem>>, vector<1x128xf32>
    %get3A_61 = arith.constant 0 : index
    %get3A_62 = arith.constant 0 : index
    %get3A_63 = vector.load %arg6[%get3A_61, %get3A_62] : memref<1x128xf32, #tpu.memory_space<vmem>>, vector<1x128xf32>
    %add3A_64 = arith.constant 9.99999974E-6 : f32
    %add3A_65 = vector.broadcast %add3A_64 : f32 to vector<1x128xf32>
    %add3A_66 = arith.addf %get3A_63, %add3A_65 : vector<1x128xf32>
    %sqrt3A = math.sqrt %add3A_66 : vector<1x128xf32>
    %div3A_67 = arith.divf %get3A_60, %sqrt3A : vector<1x128xf32>
    %get3A_68 = arith.constant 0 : index
    %get3A_69 = arith.constant 0 : index
    %get3A_70 = vector.load %arg5[%get3A_68, %get3A_69] : memref<1x128xf32, #tpu.memory_space<vmem>>, vector<1x128xf32>
    %sub3A = vector.broadcast %get3A_70 : vector<1x128xf32> to vector<2000x128xf32>
    %sub3A_71 = arith.subf %add3A_57, %sub3A : vector<2000x128xf32>
    %mul3A = vector.broadcast %div3A_67 : vector<1x128xf32> to vector<2000x128xf32>
    %mul3A_72 = arith.mulf %mul3A, %sub3A_71 : vector<2000x128xf32>
    %get3A_73 = arith.constant 0 : index
    %get3A_74 = arith.constant 0 : index
    %get3A_75 = vector.load %arg4[%get3A_73, %get3A_74] : memref<1x128xf32, #tpu.memory_space<vmem>>, vector<1x128xf32>
    %add3A_76 = vector.broadcast %get3A_75 : vector<1x128xf32> to vector<2000x128xf32>
    %add3A_77 = arith.addf %mul3A_72, %add3A_76 : vector<2000x128xf32>
    %max3A = arith.constant 0.000000e+00 : f32
    %max3A_78 = vector.broadcast %max3A : f32 to vector<2000x128xf32>
    %max3A_79 = arith.maximumf %add3A_77, %max3A_78 : vector<2000x128xf32>
    %swap3A = arith.constant 0 : index
    %swap3A_80 = arith.constant 0 : index
    %swap3A_81 = vector.load %arg7[%swap3A, %swap3A_80] : memref<2000x128xf32, #tpu.memory_space<vmem>>, vector<2000x128xf32>
    tpu.vector_store %arg7[%swap3A, %swap3A_80], %max3A_79 {strides = array<i32>} : memref<2000x128xf32, #tpu.memory_space<vmem>>, vector<2000x128xf32>,
    return
  }
  func.func @transform_0(%arg0: i32) -> (i32, i32) {
    %c0_i32 = arith.constant 0 : i32
    %c0_i32_0 = arith.constant 0 : i32
    return %arg0, %c0_i32 : i32, i32
  }
  func.func @transform_1(%arg0: i32) -> (i32, i32, i32, i32) {
    %c0_i32 = arith.constant 0 : i32
    %c0_i32_0 = arith.constant 0 : i32
    %c0_i32_1 = arith.constant 0 : i32
    %c0_i32_2 = arith.constant 0 : i32
    return %c0_i32, %c0_i32_0, %arg0, %c0_i32_1 : i32, i32, i32, i32
  }
  func.func @transform_2(%arg0: i32) -> (i32, i32) {
    %c0_i32 = arith.constant 0 : i32
    %c0_i32_0 = arith.constant 0 : i32
    %c0_i32_1 = arith.constant 0 : i32
    return %c0_i32, %c0_i32_0 : i32, i32
  }
  func.func @transform_3(%arg0: i32) -> (i32, i32) {
    %c0_i32 = arith.constant 0 : i32
    %c0_i32_0 = arith.constant 0 : i32
    %c0_i32_1 = arith.constant 0 : i32
    return %c0_i32, %c0_i32_0 : i32, i32
  }
  func.func @transform_4(%arg0: i32) -> (i32, i32) {
    %c0_i32 = arith.constant 0 : i32
    %c0_i32_0 = arith.constant 0 : i32
    %c0_i32_1 = arith.constant 0 : i32
    return %c0_i32, %c0_i32_0 : i32, i32
  }
  func.func @transform_5(%arg0: i32) -> (i32, i32) {
    %c0_i32 = arith.constant 0 : i32
    %c0_i32_0 = arith.constant 0 : i32
    %c0_i32_1 = arith.constant 0 : i32
    return %c0_i32, %c0_i32_0 : i32, i32
  }
  func.func @transform_6(%arg0: i32) -> (i32, i32) {
    %c0_i32 = arith.constant 0 : i32
    %c0_i32_0 = arith.constant 0 : i32
    return %arg0, %c0_i32 : i32, i32
  }
}

</mosaic_0001>

<sc_bundles>
// kernel: kernel.6.cloned.1.call-start
scs
__scs_entry_jumppad:
0x0: {  	(pc) =	sbr.rel $0x88, $3  }
0x1: {  	(tag) =	ssettag $0x0;
	lr =	simm.s32 $0x1  }
0x2: {  	[smem:$0x3F8C] =	sst lr;
	_ =	strace $0xD0000000  }
0x3: {  	_ = 	snop  }
0x4: {  	_ = 	snop  }
0x5: {  	_ = 	snop  }
0x6: {  	_ = 	snop  }
0x7: {  	_ = 	snop  }
__scs_overlays_trampoline_lowered:
0x8: {  	[smem:$0x3F9B] =	sst s0  }
0x9: {  	[smem:$0x3F9C] =	sst s1  }
0xa: {  	[smem:$0x3F9D] =	sst s2  }
0xb: {  	[smem:$0x3F9E] =	sst s3  }
0xc: {  	[smem:$0x3F9F] =	sst s4  }
0xd: {  	[smem:$0x3FA0] =	sst s5  }
0xe: {  	[smem:$0x3FA1] =	sst s6  }
0xf: {  	[smem:$0x3FA2] =	sst s7  }
0x10: {  	[smem:$0x3FA3] =	sst s8  }
0x11: {  	[smem:$0x3FA4] =	sst s9;
	s0 =	simm.s32 @!p0 $0x0  }
0x12: {  	s1 =	sld [smem:$0x3F8A];
	s0 =	simm.s32 @p0 $0x1  }
0x13: {  	[smem:$0x3FA5] =	sst s0;
	s0 =	simm.s32 @!p1 $0x0  }
0x14: {  	s2 =	sld [smem:$0x3F89];
	s0 =	simm.s32 @p1 $0x1  }
0x15: {  	[smem:$0x3FA6] =	sst s0;
	s0 =	simm.s32 @!p2 $0x0  }
0x16: {  	s3 =	sld [smem:$0x3FDB];
	s0 =	simm.s32 @p2 $0x1  }
0x17: {  	s4 =	simm.s32 $0x1BF5;
	[smem:$0x3FA8] =	sst s0  }
0x18: {  	s0 =	sld [smem:$0x3F8B];
	_ =	swait.ge [sflag:s4], $0x0  }
0x19: {  	s7 =	sld [smem:$0x3F8C]  }
0x1a: {  	s8 =	sadd.s32 $0xFFFFE003, lr  }
0x1b: {  	s9 =	sadd.s32 $0xFFFFFEF7, lr;
	s5 =	simm.s32 $0xFFFFFFFF;
	p2 =	slt.u32 s8, $0xFFFFF086  }
0x1c: {  	p1 =	slt.u32 s9, $0xF7A;
	s5 =	simm.s32 @!p2 $0x0  }
0x1d: {  	s5 =	simm.s32 @p1 $0x1;
	p0 =	seq.s32 s7, s2  }
0x1e: {  	s7 =	smul.u32 @!p0 $0xF7A, s2;
	p2 =	seq.s32 @!p0 s5, $0x0  }
0x1f: {  	s9 =	smul.u32 $0xF7A, s1;
	s8 =	simm.s32 @!p0 $0x1BF5;
	p2 =	por !p2, p0  }
0x20: {  	[sflag:s8] =	ssyncset.s32 @!p0 $0xFFFFF086;
	s6 =	sadd.s32 @!p0 s3, s7;
	s7 =	simm.s32 @!p0 $0x108  }
0x21: {  	s3 =	sadd.s32 s3, s9;
	s6 =	sadd.s32 @!p0 $0x88, s6;
	s7 =	simm.s32 @p2 $0x1082  }
0x22: {  	[simem:s7], [sflag:s8] =	dma.local @!p0 [hbm:s6], $0xF7A  }
0x23: {  	s9 =	sor.u32 $0xD0000000, s2;
	s6 =	simm.s32 $0x108;
	_ =	swait.ge @!p0 [sflag:s8], $0x0  }
0x24: {  	s3 =	sadd.s32 $0x88, s3;
	s6 =	simm.s32 @!p1 $0x1082;
	[sflag:s4] =	ssyncset.s32 $0xFFFFF086  }
0x25: {  	[simem:s6], [sflag:s4] =	dma.local [hbm:s3], $0xF7A  }
0x26: {  	[smem:$0x3F8C] =	sst s1;
	(tag) =	ssettag s2;
	_ =	strace s9  }
0x27: {  	s1 =	sld [smem:$0x3F9C]  }
0x28: {  	s2 =	sld [smem:$0x3F9D]  }
0x29: {  	s4 =	sld [smem:$0x3F9F]  }
0x2a: {  	p0 =	seq.s32 s5, $0x0;
	s5 =	sld [smem:$0x3FA0]  }
0x2b: {  	s6 =	sld [smem:$0x3FA1]  }
0x2c: {  	s7 =	sld [smem:$0x3FA2]  }
0x2d: {  	s3 =	simm.s32 $0x108;
	s8 =	sld [smem:$0x3FA3]  }
0x2e: {  	s3 =	simm.s32 @!p0 $0x1082;
	s9 =	sld [smem:$0x3FA4]  }
0x2f: {  	lr =	sadd.s32 s0, s3;
	s0 =	sld [smem:$0x3F9B]  }
0x30: {  	s3 =	sld [smem:$0x3F9E]  }
0x31: {  	[smem:$0x3FA7] =	sst s10  }
0x32: {  	s10 =	sld [smem:$0x3FA5];
	_ =	sdelay $0x3  }
0x33: {  	p0 =	seq.s32 s10, $0x1;
	s10 =	sld [smem:$0x3FA7];
	_ =	sdelay $0x3  }
0x34: {  	[smem:$0x3FA7] =	sst s10  }
0x35: {  	s10 =	sld [smem:$0x3FA6];
	_ =	sdelay $0x3  }
0x36: {  	p1 =	seq.s32 s10, $0x1;
	s10 =	sld [smem:$0x3FA7];
	_ =	sdelay $0x3  }
0x37: {  	[smem:$0x3FA7] =	sst s10  }
0x38: {  	s10 =	sld [smem:$0x3FA8]  }
0x39: {  	_ = 	snop;
	(pc) =	sbr.ind lr, $3  }
0x3a: {  	_ = 	snop  }
0x3b: {  	_ = 	snop  }
0x3c: {  	p2 =	seq.s32 s10, $0x1;
	s10 =	sld [smem:$0x3FA7]  }
0x3d: {  	_ =	shalt  }
0x3e: {  	_ =	shalt  }
0x3f: {  	_ =	shalt  }
0x40: {  	_ =	shalt  }
0x41: {  	_ =	shalt  }
0x42: {  	_ =	shalt  }
0x43: {  	_ =	shalt  }
0x44: {  	_ =	shalt  }
0x45: {  	_ =	shalt  }
0x46: {  	_ =	shalt  }
0x47: {  	_ =	shalt  }
0x48: {  	_ =	shalt  }
0x49: {  	_ =	shalt  }
0x4a: {  	_ =	shalt  }
0x4b: {  	_ =	shalt  }
0x4c: {  	_ =	shalt  }
0x4d: {  	_ =	shalt  }
0x4e: {  	_ =	shalt  }
0x4f: {  	_ =	shalt  }
0x50: {  	_ =	shalt  }
0x51: {  	_ =	shalt  }
0x52: {  	_ =	shalt  }
0x53: {  	_ =	shalt  }
0x54: {  	_ =	shalt  }
0x55: {  	_ =	shalt  }
0x56: {  	_ =	shalt  }
0x57: {  	_ =	shalt  }
0x58: {  	_ =	shalt  }
0x59: {  	_ =	shalt  }
0x5a: {  	_ =	shalt  }
0x5b: {  	_ =	shalt  }
0x5c: {  	_ =	shalt  }
0x5d: {  	_ =	shalt  }
0x5e: {  	_ =	shalt  }
0x5f: {  	_ =	shalt  }
0x60: {  	_ =	shalt  }
0x61: {  	_ =	shalt  }
0x62: {  	_ =	shalt  }
0x63: {  	_ =	shalt  }
0x64: {  	_ =	shalt  }
0x65: {  	_ =	shalt  }
0x66: {  	_ =	shalt  }
0x67: {  	_ =	shalt  }
0x68: {  	_ =	shalt  }
0x69: {  	_ =	shalt  }
0x6a: {  	_ =	shalt  }
0x6b: {  	_ =	shalt  }
0x6c: {  	_ =	shalt  }
0x6d: {  	_ =	shalt  }
0x6e: {  	_ =	shalt  }
0x6f: {  	_ =	shalt  }
0x70: {  	_ =	shalt  }
0x71: {  	_ =	shalt  }
0x72: {  	_ =	shalt  }
0x73: {  	_ =	shalt  }
0x74: {  	_ =	shalt  }
0x75: {  	_ =	shalt  }
0x76: {  	_ =	shalt  }
0x77: {  	_ =	shalt  }
0x78: {  	_ =	shalt  }
0x79: {  	_ =	shalt  }
0x7a: {  	_ =	shalt  }
0x7b: {  	_ =	shalt  }
0x7c: {  	_ =	shalt  }
0x7d: {  	_ =	shalt  }
0x7e: {  	_ =	shalt  }
0x7f: {  	_ =	shalt  }
0x80: {  	_ =	shalt  }
0x81: {  	_ =	shalt  }
0x82: {  	_ =	shalt  }
0x83: {  	_ =	shalt  }
0x84: {  	_ =	shalt  }
0x85: {  	_ =	shalt  }
0x86: {  	_ =	shalt  }
0x87: {  	_ =	shalt  }
.Lfunc_end0:
.L_simem_size_0:
called_computation_lowered:
.L_overlay_start_0:
0x88: {  	s2 =	sld [smem:$0x3FD9]  }
0x89: {  	s3 =	sld [smem:$0x3FFE];
	_ =	sdelay $0x1  }
0x8a: {  	s1 =	srdreg.scid  }
0x8b: {  	s0 =	sand.u32 $0x1, s1  }
0x8c: {  	s14 =	sshll.u32 s0, $0xA;
	s2 =	sadd.s32 s3, s2  }
0x8d: {  	s2 =	sadd.s32 s2, s14  }
0x8e: {  	[smem:$0x3FB3] =	sst s2  }
0x8f: {  	_ = 	snop  }
0x90: {  	s2 =	sld [smem:$0x3FD0];
	_ =	sdelay $0x2  }
0x91: {  	s15 =	simm.s32 $0xA;
	s4 =	simm.s32 $0x10  }
0x92: {  	[smem:s4], [sflag:s15] =	dma.local [hbm:s2], $0x1  }
0x93: {  	_ =	swait.eq [sflag:s15], $0x1  }
0x94: {  	[sflag:s15] =	ssyncset.done $0x0  }
0x95: {  	[sflag:s15] =	ssyncadd.s32 $0xFFFFFFFF  }
0x96: {  	s16 =	sld [smem:$0x11];
	(tm) =	ssettm $0x1  }
0x97: {  	s17 =	sld [smem:$0x3FFB];
	_ =	sdelay $0x3  }
0x98: {  	_ =	strace s17  }
0x99: {  	s3 =	sld [smem:$0x3FFC];
	_ =	sdelay $0x3  }
0x9a: {  	_ =	strace s3  }
0x9b: {  	s3 =	sld [smem:$0x3FFD];
	_ =	sdelay $0x3  }
0x9c: {  	_ =	strace s3  }
0x9d: {  	_ =	strace $0x8FFFFFFF  }
0x9e: {  	s18 =	sld [smem:$0x3FDB];
	_ =	sdelay $0x1  }
0x9f: {  	s19 =	simm.s32 $_scs_section_size  }
0xa0: {  	s5 =	simm.s32 $_size__tile_overlayer_lowered;
	s6 =	simm.s32 $_tile_overlayer_lowered  }
0xa1: {  	s22 =	simm.s32 $0x1BFF;
	s21 =	sshll.u32 s6, $0x1;
	s3 =	sadd.s32 s19, s18  }
0xa2: {  	s7 =	simm.s32 $0x0;
	s20 =	sshll.u32 s5, $0x1;
	s5 =	sadd.s32 s21, s3  }
0xa3: {  	[timem:s7], [sflag:s22] =	dma.local [hbm:s5], s20  }
0xa4: {  	_ =	swait.ge [sflag:s22], s20  }
0xa5: {  	s4 =	ssub.s32 $0x0, s20;
	[sflag:s22] =	ssyncset.done $0x0  }
0xa6: {  	[sflag:s22] =	ssyncadd.s32 s4;
	_ =	sdelay $0x1  }
0xa7: {  	s23 =	simm.s32 $0x1B8B  }
0xa8: {  	_ =	swait.ge [sflag:s23], $0x1  }
0xa9: {  	[sflag:s23] =	ssyncset.done $0x0  }
0xaa: {  	s25 =	simm.s32 $0x1B8E;
	s24 =	sld [smem:$0x3FFE];
	[sflag:s23] =	ssyncadd.s32 $0xFFFFFFFF  }
0xab: {  	s26 =	simm.s32 $execute0_lowered;
	[smem:$0x3FD2] =	sst s25  }
0xac: {  	s5 =	sshll.u32 s26, $0x1;
	_ =	strace $0x80000046;
	[dreg:$0x1] =	wrdreg $0xFFFFFFFF  }
0xad: {  	s28 =	simm.s32 $_size_execute0_lowered;
	s3 =	sadd.s32 s3, s5;
	[dreg:$0x0] =	wrdreg $0x0  }
0xae: {  	s5 =	sshll.u32 s28, $0x1;
	[dreg:$0x2] =	wrdreg s3  }
0xaf: {  	[dreg:$0x3] =	wrdreg s5  }
0xb0: {  	[dreg:$0x4] =	wrdreg $0xC0  }
0xb1: {  	_ =	task [dreg:s7], $0x5FFFF  }
0xb2: {  	[dreg:$0x1] =	wrdreg $0xFFFFFFFF  }
0xb3: {  	[dreg:$0x0] =	wrdreg $0x60  }
0xb4: {  	[dreg:$0x2] =	wrdreg s16  }
0xb5: {  	[dreg:$0x3] =	wrdreg s24  }
0xb6: {  	[dreg:$0x4] =	wrdreg $0x0  }
0xb7: {  	[dreg:$0x5] =	wrdreg $0x9  }
0xb8: {  	_ =	task.clear_ibuf [dreg:s7], $0x6FFFF;
	_ =	strace $0x90000046  }
0xb9: {  	s29 =	simm.s32 $0x9;
	_ =	strace $0x80000048  }
0xba: {  	_ =	swait.ge [sflag:s29], $0x1  }
0xbb: {  	[sflag:s29] =	ssyncadd.s32 $0xFFFFFFFF  }
0xbc: {  	_ =	strace $0x90000048  }
0xbd: {  	_ =	sfence  }
0xbe: {  	s30 =	sld [smem:$0x0];
	_ =	sdelay $0x2  }
0xbf: {  	s31 =	sshll.u32 s1, $0xD;
	s1 =	sshrl.u32 s1, $0x2  }
0xc0: {  	s3 =	sand.u32 $0x4000, s31;
	s1 =	sadd.s32 s1, s30  }
0xc1: {  	s0 =	sor.u32 s3, s0;
	s1 =	sshll.u32 s1, $0x11  }
0xc2: {  	s0 =	sor.u32 s1, s0  }
0xc3: {  	s0 =	sadd.s32 $0x8F2B, s0  }
0xc4: {  	[sflag:s0] =	ssyncadd.remote.s32 $0x1  }
0xc5: {  	_ =	sfence.sel $0xFFFF  }
0xc6: {  	[dreg:$0x0] =	wrdreg $0xFFFFFFFF;
	(pc) =	sbr.abs _section_cstart, $3  }
0xc7: {  	[dreg:$0x1] =	wrdreg $0xFFFFFFFF  }
0xc8: {  	_ =	task.clear_ibuf [dreg:s7], $0x2FFFF;
	_ =	strace $0x9FFFFFFF  }
0xc9: {  	(tm) =	ssettm $0x7FFFFFFF  }
tec
execute0_lowered:
.L_overlay_start_1:
0x0: {  	(tag) =	ssettag $0x1  }
0x1: {  	s17 =	rddreg [dreg:$0x0]  }
0x2: {  	s0 =	rddreg [dreg:$0x1]  }
0x3: {  	s2 =	rddreg [dreg:$0x2]  }
0x4: {  	s3 =	simm.s32 $0x0;
	s16 =	stileid.u32;
	s4 =	srdreg.scid  }
0x5: {  	[smem:$0x7FF] =	sst s3;
	s5 =	sadd.s32 $0x17200, s0;
	s6 =	sadd.s32 $0xD400, s0  }
0x6: {  	s7 =	sadd.s32 $0x3600, s0;
	s8 =	sadd.s32 $0x547A00, s0;
	s1 =	smul.u32 $0x13C00, s16  }
0x7: {  	s28 =	simm.s32 $0x2;
	s9 =	sadd.s32 $0x4F9200, s0;
	s10 =	sadd.s32 $0x520400, s0  }
0x8: {  	s11 =	sadd.s32 $0x547600, s0;
	s4 =	sand.u32 $0x1, s4;
	s12 =	sadd.s32 $0x547800, s0  }
0x9: {  	s13 =	sadd.s32 $0x596400, s0;
	s14 =	sadd.s32 $0xA78400, s0;
	s15 =	sshll.u32 s16, $0x1  }
0xa: {  	s16 =	smul.u32 $0x4F000, s16;
	_ =	strace $0x80000047;
	[dreg:$0x4] =	wrdreg s11  }
0xb: {  	[dreg:$0x5] =	wrdreg s12;
	s26 =	smul.u32 $0x278000, s4;
	s29 =	sor.u32 s4, s15  }
0xc: {  	s4 =	ssub.s32 $0x2, s4;
	s12 =	simm.s32 $0x4;
	s25 =	sshrl.u32 s1, $0x3  }
0xd: {  	s15 =	smul.u32 $0x2710, s29;
	s30 =	sshrl.u32 s4, $0x1;
	s16 =	sshrl.u32 s16, $0x2  }
0xe: {  	s20 =	smul.u32 $0x27100, s29;
	s1 =	sadd.s32 s1, s26;
	s16 =	sadd.s32 s16, s2  }
0xf: {  	s11 =	sadd.s32 s25, s0;
	s1 =	sshrl.u32 s1, $0x3;
	[dreg:$0x6] =	wrdreg s16  }
0x10: {  	s18 =	sshrl.u32 s15, $0x3;
	s11 =	sadd.s32 $0x56EC00, s11;
	s24 =	sadd.s32 s17, s20  }
0x11: {  	s31 =	sadd.s32 $0x50, s15;
	s16 =	simm.s32 $0x13C80;
	[dreg:$0x7] =	wrdreg s11  }
0x12: {  	s0 =	sadd.s32 s1, s0;
	s19 =	sadd.s32 s6, s18;
	[dreg:$0xc] =	wrdreg s24  }
0x13: {  	s1 =	ssub.s32 s4, s30;
	s4 =	sadd.s32 s7, s18;
	[dreg:$0x8] =	wrdreg s19  }
0x14: {  	s18 =	simm.s32 $0x16700;
	[dreg:$0x9] =	wrdreg s4;
	s4 =	sadd.s32 s5, s20  }
0x15: {  	s19 =	sadd.s32 $0x28, s15;
	s29 =	sadd.s32 $0xF5A400, s0;
	[dreg:$0xd] =	wrdreg s4  }
0x16: {  	s0 =	sadd.s32 $0xF81C00, s0;
	s30 =	smax.u32 s1, $0x1;
	[dreg:$0x10] =	wrdreg s29  }
0x17: {  	s20 =	simm.s32 $0x8;
	s21 =	sshrl.u32 s19, $0x3;
	[dreg:$0x11] =	wrdreg s0  }
0x18: {  	s23 =	sshll.u32 s19, $0x4;
	[dreg:$0x12] =	wrdreg s30;
	s0 =	sadd.s32 $0x78, s15  }
.Ltmp0:
0x19: {  	s4 =	simm.s32 $0x1DF00;
	s22 =	sadd.s32 s6, s21;
	(pc) =	sbr.rel .LBB2_1-.Ltmp0, $4  }
0x1a: {  	s11 =	sadd.s32 s7, s21;
	s25 =	sadd.s32 s17, s23;
	[dreg:$0xa] =	wrdreg s22  }
0x1b: {  	s26 =	sadd.s32 s5, s23;
	s23 =	simm.s32 $0x13D80;
	[dreg:$0xb] =	wrdreg s11  }
0x1c: {  	s17 =	simm.s32 $0x3;
	s21 =	simm.s32 $0x7;
	[dreg:$0xe] =	wrdreg s25  }
0x1d: {  	[dreg:$0xf] =	wrdreg s26;
	s26 =	simm.s32 $0x28;
	s11 =	simm.s32 $0x0  }
.LBB2_15:
0x1e: {  	_ =	swait.ge [sflag:s21], $0x1400  }
0x1f: {  	[sflag:s21] =	ssyncset.done $0x0  }
0x20: {  	s1 =	simm.s32 $0x5;
	[sflag:s21] =	ssyncadd.s32 $0xFFFFEC00  }
0x21: {  	_ =	swait.ge [sflag:s1], $0x1400  }
0x22: {  	[sflag:s1] =	ssyncset.done $0x0  }
0x23: {  	s24 =	simm.s32 $0x6;
	[sflag:s1] =	ssyncadd.s32 $0xFFFFEC00  }
0x24: {  	_ =	swait.ge [sflag:s24], $0x1400  }
0x25: {  	[sflag:s24] =	ssyncset.done $0x0  }
0x26: {  	[sflag:s24] =	ssyncadd.s32 $0xFFFFEC00  }
0x27: {  	[bflag:$0x0] =	sbarrier.arrive $0xFFFF  }
0x28: {  	s25 =	rddreg [dreg:$0x11]  }
0x29: {  	s11 =	rddreg [dreg:$0x14]  }
0x2a: {  	s20 =	rddreg [dreg:$0x15]  }
0x2b: {  	[hbm:s25], [sflag:s11] =	dma.local [spmem:s20], $0x2780  }
0x2c: {  	s20 =	simm.s32 $0x8  }
0x2d: {  	_ =	swait.ge [sflag:s20], $0x2780  }
0x2e: {  	s29 =	rddreg [dreg:$0x13]  }
0x2f: {  	s30 =	rddreg [dreg:$0x12];
	s11 =	sadd.s32 $0x1, s29  }
0x30: {  	p0 =	sne.s32 s11, s30  }
.Ltmp1:
0x31: {  	_ = 	snop;
	(pc) =	sbr.rel @!p0 .LBB2_16-.Ltmp1, $3  }
0x32: {  	_ =	sdelay $0x1  }
0x33: {  	[sflag:s20] =	ssyncset.done $0x0  }
0x34: {  	[sflag:s20] =	ssyncadd.s32 $0xFFFFD880  }
.LBB2_1:
0x35: {  	[dreg:$0x13] =	wrdreg s11  }
0x36: {  	s1 =	rddreg [dreg:$0x4];
	s30 =	simm.s32 $0x1F300  }
0x37: {  	[tilespmem:s30], [sflag:$0x8] =	stream.linear.gather [hbm4b:s1+s3], $0x80, $0x38;
	[tilespmem:$0x1F400] =	vst v63  }
0x38: {  	_ =	swait.ge [sflag:s20], $0x80  }
0x39: {  	[sflag:s20] =	ssyncset.done $0x0  }
0x3a: {  	s22 =	simm.s32 $0x1F380;
	s11 =	rddreg [dreg:$0x5];
	[sflag:s20] =	ssyncadd.s32 $0xFFFFFF80  }
0x3b: {  	[tilespmem:s22], [sflag:$0x8] =	stream.linear.gather [hbm4b:s11+s3], $0x80, $0x38;
	[tilespmem:$0x1F400] =	vst v63  }
0x3c: {  	_ =	swait.ge [sflag:s20], $0x80  }
0x3d: {  	[sflag:s20] =	ssyncset.done $0x0  }
0x3e: {  	[sflag:s20] =	ssyncadd.s32 $0xFFFFFF80  }
0x3f: {  	s24 =	stileid.u32;
	v0 =	vld [tilespmem:$0x1F300]  }
0x40: {  	s1 =	sshll.u32 s24, $0x6;
	v1 =	vld [tilespmem:$0x1F310]  }
0x41: {  	s25 =	sor.u32 $0x1C08, s1;
	v2 =	vld [tilespmem:$0x1F320]  }
0x42: {  	[dreg:$0x14] =	wrdreg s25;
	v3 =	vld [tilespmem:$0x1F330]  }
0x43: {  	s29 =	rddreg [dreg:$0x6];
	v4 =	vld [tilespmem:$0x1F380]  }
0x44: {  	s30 =	rddreg [dreg:$0x7];
	s22 =	sshrl.u32 s29, $0x3;
	v5 =	vld [tilespmem:$0x1F390]  }
0x45: {  	v6 =	vld [tilespmem:$0x1F3A0];
	[dreg:$0x15] =	wrdreg s22  }
0x46: {  	v7 =	vld [tilespmem:$0x1F3B0];
	[spmem:s22], [sflag:s25] =	dma.local [hbm:s30], $0x2780  }
0x47: {  	_ =	swait.ge [sflag:s20], $0x2780  }
0x48: {  	[sflag:s20] =	ssyncset.done $0x0  }
0x49: {  	[sflag:s20] =	ssyncadd.s32 $0xFFFFD880  }
0x4a: {  	[bflag:$0x0] =	sbarrier.arrive $0xFFFF  }
0x4b: {  	s11 =	simm.s32 $0x13C00;
	s20 =	rddreg [dreg:$0x8]  }
0x4c: {  	[tilespmem:s11], [sflag:$0x1] =	stream.linear.gather [hbm4b:s20+s3], $0x28, $0x38;
	[tilespmem:$0x1F400] =	vst v63  }
0x4d: {  	s22 =	rddreg [dreg:$0x9];
	s20 =	simm.s32 $0x13D00  }
0x4e: {  	[tilespmem:s20], [sflag:$0x1] =	stream.linear.gather [hbm4b:s22+s3], $0x28, $0x38;
	[tilespmem:$0x1F400] =	vst v63  }
0x4f: {  	s25 =	simm.s32 $0x13F00;
	s24 =	rddreg [dreg:$0xc]  }
0x50: {  	[tilespmem:s25], [sflag:$0x1] =	stream.linear.gather [hbm4b:s24+s3], $0x1400, $0x38;
	[tilespmem:$0x1F400] =	vst v63  }
0x51: {  	s29 =	rddreg [dreg:$0xa]  }
0x52: {  	[tilespmem:s16], [sflag:$0x2] =	stream.linear.gather [hbm4b:s29+s3], $0x28, $0x38;
	[tilespmem:$0x1F400] =	vst v63  }
0x53: {  	s30 =	rddreg [dreg:$0xb]  }
0x54: {  	[tilespmem:s23], [sflag:$0x2] =	stream.linear.gather [hbm4b:s30+s3], $0x28, $0x38;
	[tilespmem:$0x1F400] =	vst v63  }
0x55: {  	s22 =	rddreg [dreg:$0xe];
	s24 =	simm.s32 $0x15300;
	s25 =	simm.s32 $0x1  }
0x56: {  	[tilespmem:s24], [sflag:$0x2] =	stream.linear.gather [hbm4b:s22+s3], $0x1400, $0x38;
	[tilespmem:$0x1F400] =	vst v63  }
0x57: {  	_ =	swait.ge [sflag:s25], $0x28  }
0x58: {  	[sflag:s25] =	ssyncset.done $0x0  }
0x59: {  	[sflag:s25] =	ssyncadd.s32 $0xFFFFFFD8  }
0x5a: {  	_ =	swait.ge [sflag:s25], $0x28  }
0x5b: {  	[sflag:s25] =	ssyncset.done $0x0  }
0x5c: {  	[sflag:s25] =	ssyncadd.s32 $0xFFFFFFD8  }
0x5d: {  	_ =	swait.ge [sflag:s25], $0x1400  }
0x5e: {  	[sflag:s25] =	ssyncset.done $0x0  }
0x5f: {  	s29 =	simm.s32 $0x17B00;
	[sflag:s25] =	ssyncadd.s32 $0xFFFFEC00  }
0x60: {  	[tilespmem:s29], [sflag:$0x3] =	stream.indirect.gather [hbm4b:s8+s26], $0x80, s11, s26, $0xb8;
	[tilespmem:$0x1F400] =	vst v63  }
0x61: {  	s30 =	simm.s32 $0x1A300;
	s25 =	simm.s32 $0x0  }
0x62: {  	[tilespmem:s30], [sflag:$0x3] =	stream.indirect.gather [hbm4b:s10+s26], $0x80, s20, s26, $0xb8;
	[tilespmem:$0x1F400] =	vst v63  }
.LBB2_2:
0x63: {  	_ =	swait.ge [sflag:s28], $0x28  }
0x64: {  	[sflag:s28] =	ssyncset.done $0x0  }
0x65: {  	[sflag:s28] =	ssyncadd.s32 $0xFFFFFFD8  }
0x66: {  	_ =	swait.ge [sflag:s28], $0x28  }
0x67: {  	[sflag:s28] =	ssyncset.done $0x0  }
0x68: {  	[sflag:s28] =	ssyncadd.s32 $0xFFFFFFD8  }
0x69: {  	_ =	swait.ge [sflag:s28], $0x1400  }
0x6a: {  	[sflag:s28] =	ssyncset.done $0x0  }
0x6b: {  	s1 =	simm.s32 $0x18F00;
	[sflag:s28] =	ssyncadd.s32 $0xFFFFEC00  }
0x6c: {  	[tilespmem:s1], [sflag:$0x4] =	stream.indirect.gather [hbm4b:s8+s26], $0x80, s16, s26, $0xb8;
	[tilespmem:$0x1F400] =	vst v63  }
0x6d: {  	s24 =	simm.s32 $0x1B700  }
0x6e: {  	[tilespmem:s24], [sflag:$0x4] =	stream.indirect.gather [hbm4b:s10+s26], $0x80, s23, s26, $0xb8;
	[tilespmem:$0x1F400] =	vst v63  }
0x6f: {  	_ =	swait.ge [sflag:s17], $0x1400  }
0x70: {  	[sflag:s17] =	ssyncset.done $0x0  }
0x71: {  	[sflag:s17] =	ssyncadd.s32 $0xFFFFEC00  }
0x72: {  	_ =	swait.ge [sflag:s17], $0x1400  }
0x73: {  	[sflag:s17] =	ssyncset.done $0x0  }
0x74: {  	p0 =	seq.s32 s25, $0x0;
	[sflag:s17] =	ssyncadd.s32 $0xFFFFEC00  }
0x75: {  	v8 =	vld @p0 [tilespmem:$0x13D00]  }
0x76: {  	v9 =	vld @p0 [tilespmem:$0x13D10]  }
0x77: {  	v10 =	vld @p0 [tilespmem:$0x13D18];
	_ =	sdelay $0x2  }
0x78: {  	[tilespmem:$0x13E00] =	vst @p0 v8  }
0x79: {  	[tilespmem:$0x13E10] =	vst @p0 v9  }
0x7a: {  	s1 =	simm.s32 @!p0 $0x5;
	[tilespmem:$0x13E18] =	vst @p0 v10  }
0x7b: {  	_ =	swait.ge @!p0 [sflag:s1], $0x1400  }
0x7c: {  	[sflag:s1] =	ssyncset.done @!p0 $0x0  }
0x7d: {  	[sflag:s1] =	ssyncadd.s32 @!p0 $0xFFFFEC00  }
0x7e: {  	v8 =	vld @!p0 [tilespmem:$0x13D00]  }
0x7f: {  	v9 =	vld @!p0 [tilespmem:$0x13D10]  }
0x80: {  	v10 =	vld @!p0 [tilespmem:$0x13D18];
	_ =	sdelay $0x2  }
0x81: {  	[tilespmem:$0x13E00] =	vst @!p0 v8  }
0x82: {  	[tilespmem:$0x13E10] =	vst @!p0 v9  }
0x83: {  	s1 =	simm.s32 @!p0 $0x7;
	[tilespmem:$0x13E18] =	vst @!p0 v10  }
0x84: {  	_ =	swait.ge @!p0 [sflag:s1], $0x1400  }
0x85: {  	[sflag:s1] =	ssyncset.done @!p0 $0x0  }
0x86: {  	s20 =	simm.s32 $0x0;
	[sflag:s1] =	ssyncadd.s32 @!p0 $0xFFFFEC00  }
0x87: {  	v8 =	vld [tilespmem:s20+$0x13F30]  }
0x88: {  	v9 =	vld [tilespmem:s20+$0x17B30];
	_ =	sdelay $0x1  }
0x89: {  	v10 =	vld [tilespmem:s20+$0x1A330];
	_ =	sdelay $0x2  }
0x8a: {  	v11 =	vld [tilespmem:s20+$0x13F00];
	v8 =	vadd.f32 v9, v8  }
0x8b: {  	v12 =	vld [tilespmem:s20+$0x17B00]  }
0x8c: {  	v13 =	vld [tilespmem:s20+$0x13F10];
	v8 =	vadd.f32 v10, v8  }
0x8d: {  	v14 =	vld [tilespmem:s20+$0x17B10]  }
0x8e: {  	v17 =	vld [tilespmem:s20+$0x1A300];
	v10 =	vmul.f32 v8, v3  }
0x8f: {  	v16 =	vld [tilespmem:s20+$0x17B20]  }
0x90: {  	v18 =	vld [tilespmem:s20+$0x1A310];
	v8 =	vsub.f32 $0.0e+00, v8;
	v21 =	vadd.f32 v10, v7  }
0x91: {  	v9 =	vld [tilespmem:s20+$0x13F20];
	v11 =	vadd.f32 v12, v11  }
0x92: {  	s29 =	simm.s32 $0x80;
	v19 =	vld [tilespmem:s20+$0x1A320];
	v8 =	vmul.f32 $1.442695020e+00, v8;
	v12 =	vmax.f32 v21, $0.0e+00  }
0x93: {  	v11 =	vadd.f32 v17, v11;
	v21 =	vld [tilespmem:s29+$0x13F30];
	[tilespmem:s20+$0x16730] =	vst v12  }
0x94: {  	v13 =	vadd.f32 v14, v13;
	(erf) = vpow2.f32 v8;
	v12 =	vld [tilespmem:s29+$0x17B30]  }
0x95: {  	v8 =	vmul.f32 v11, v0;
	v17 =	vld [tilespmem:s29+$0x13F00]  }
0x96: {  	v13 =	vadd.f32 v18, v13;
	v9 =	vadd.f32 v16, v9;
	v14 =	vld [tilespmem:s29+$0x1A330]  }
0x97: {  	v11 =	vsub.f32 $0.0e+00, v11;
	v22 =	vld [tilespmem:s29+$0x17B00];
	v8 =	vadd.f32 v8, v4  }
0x98: {  	v23 =	vmul.f32 v13, v1;
	v18 =	vld [tilespmem:s29+$0x13F10]  }
0x99: {  	v9 =	vadd.f32 v19, v9;
	v16 =	vld [tilespmem:s29+$0x17B10];
	v11 =	vmul.f32 $1.442695020e+00, v11;
	v8 =	vmax.f32 v8, $0.0e+00  }
0x9a: {  	v24 =	vld [tilespmem:s29+$0x13F20];
	[tilespmem:s20+$0x16700] =	vst v8;
	v8 =	vsub.f32 $0.0e+00, v13  }
0x9b: {  	v13 =	vadd.f32 v23, v5;
	v23 =	vsub.f32 $0.0e+00, v9  }
0x9c: {  	v20 =	vld [tilespmem:s20+$0x17B40];
	v8 =	vmul.f32 $1.442695020e+00, v8  }
0x9d: {  	(erf) = vpow2.f32 v11;
	v19 =	vld [tilespmem:s29+$0x17B20];
	v12 =	vadd.f32 v12, v21;
	v23 =	vmul.f32 $1.442695020e+00, v23;
	v11 =	vpop (erf)  }
0x9e: {  	v25 =	vld [tilespmem:s29+$0x1A300];
	v13 =	vmax.f32 v13, $0.0e+00;
	(erf) = vpow2.f32 v8;
	v8 =	vadd.f32 $1.000000000e+00, v11  }
0x9f: {  	v9 =	vmul.f32 v9, v2;
	v21 =	vld [tilespmem:s29+$0x1A310];
	[tilespmem:s20+$0x16710] =	vst v13;
	v13 =	vadd.f32 v14, v12;
	(erf) = vpow2.f32 v23  }
0xa0: {  	v15 =	vld [tilespmem:s20+$0x17B50];
	(erf) = vrcp.f32 v8  }
0xa1: {  	v10 =	vld [tilespmem:s20+$0x17B60];
	v9 =	vadd.f32 v9, v6;
	v14 =	vmul.f32 v13, v3  }
0xa2: {  	v12 =	vld [tilespmem:s29+$0x17B40]  }
0xa3: {  	v9 =	vmax.f32 v9, $0.0e+00;
	v11 =	vld [tilespmem:s29+$0x1A320];
	v14 =	vadd.f32 v14, v7  }
0xa4: {  	[tilespmem:s20+$0x16720] =	vst v9;
	v23 =	vld [tilespmem:s20+$0x17B70]  }
0xa5: {  	s30 =	simm.s32 $0x100;
	v9 =	vld [tilespmem:s29+$0x17B50];
	v13 =	vsub.f32 $0.0e+00, v13;
	v14 =	vmax.f32 v14, $0.0e+00  }
0xa6: {  	v26 =	vld [tilespmem:s30+$0x13F30];
	[tilespmem:s29+$0x16730] =	vst v14;
	v14 =	vadd.f32 v22, v17;
	v17 =	vpop (erf)  }
0xa7: {  	v8 =	vld [tilespmem:s29+$0x17B60];
	v13 =	vmul.f32 $1.442695020e+00, v13;
	v27 =	vpop (erf)  }
0xa8: {  	v22 =	vld [tilespmem:s30+$0x17B30];
	v17 =	vadd.f32 $1.000000000e+00, v17;
	v55 =	vpop (erf)  }
0xa9: {  	v16 =	vadd.f32 v16, v18;
	v28 =	vld [tilespmem:s30+$0x13F00];
	v14 =	vadd.f32 v25, v14;
	v30 =	vpop (erf);
	(erf) = vpow2.f32 v13  }
0xaa: {  	v29 =	vld [tilespmem:s30+$0x1A330];
	(erf) = vrcp.f32 v17  }
0xab: {  	v16 =	vadd.f32 v21, v16;
	v31 =	vld [tilespmem:s30+$0x17B00];
	v13 =	vmul.f32 v14, v0;
	[tilespmem:s20+$0x1CB70] =	vst v30;
	v17 =	vmul.f32 v30, v23  }
0xac: {  	v56 =	vadd.f32 $1.000000000e+00, v27;
	v14 =	vsub.f32 $0.0e+00, v14;
	v18 =	vld [tilespmem:s30+$0x13F10]  }
0xad: {  	v13 =	vadd.f32 v13, v4;
	v21 =	vld [tilespmem:s30+$0x17B10];
	[tilespmem:s20+$0x1CB30] =	vst v17;
	v17 =	vadd.f32 v19, v24  }
0xae: {  	v14 =	vmul.f32 $1.442695020e+00, v14;
	v19 =	vmul.f32 v16, v1  }
0xaf: {  	(erf) = vrcp.f32 v56;
	v13 =	vmax.f32 v13, $0.0e+00;
	v11 =	vadd.f32 v11, v17  }
0xb0: {  	v16 =	vsub.f32 $0.0e+00, v16;
	v23 =	vld [tilespmem:s30+$0x13F20];
	[tilespmem:s29+$0x16700] =	vst v13;
	v13 =	vadd.f32 v19, v5  }
0xb1: {  	v17 =	vld [tilespmem:s30+$0x17B20];
	v57 =	vsub.f32 $0.0e+00, v11;
	v11 =	vmul.f32 v11, v2  }
0xb2: {  	v22 =	vadd.f32 v22, v26;
	v16 =	vmul.f32 $1.442695020e+00, v16;
	v19 =	vld [tilespmem:s30+$0x1A300];
	v13 =	vmax.f32 v13, $0.0e+00;
	v59 =	vpop (erf)  }
0xb3: {  	(erf) = vpow2.f32 v14;
	v58 =	vld [tilespmem:s30+$0x1A310];
	[tilespmem:s29+$0x16710] =	vst v13;
	v13 =	vmul.f32 $1.442695020e+00, v57;
	v11 =	vadd.f32 v11, v6;
	v14 =	vpop (erf)  }
0xb4: {  	v60 =	vld [tilespmem:s30+$0x1A320];
	(erf) = vpow2.f32 v16;
	[tilespmem:s20+$0x1CB40] =	vst v14;
	v14 =	vmul.f32 v14, v20;
	v20 =	vadd.f32 $1.000000000e+00, v55  }
0xb5: {  	v16 =	vadd.f32 v29, v22;
	(erf) = vpow2.f32 v13  }
0xb6: {  	v61 =	vadd.f32 $1.000000000e+00, v59;
	v11 =	vmax.f32 v11, $0.0e+00;
	(erf) = vrcp.f32 v20  }
0xb7: {  	v62 =	vadd.f32 v31, v28;
	v13 =	vld [tilespmem:s30+$0x17B40];
	[tilespmem:s29+$0x16720] =	vst v11  }
0xb8: {  	v22 =	vmul.f32 v16, v3;
	v16 =	vsub.f32 $0.0e+00, v16;
	v11 =	vld [tilespmem:s30+$0x17B50];
	[tilespmem:s20+$0x1CB00] =	vst v14;
	v20 =	vpop (erf);
	(erf) = vrcp.f32 v61  }
0xb9: {  	v14 =	vld [tilespmem:s30+$0x17B60];
	v15 =	vmul.f32 v20, v15;
	[tilespmem:s20+$0x1CB50] =	vst v20;
	v20 =	vadd.f32 v21, v18  }
0xba: {  	v19 =	vadd.f32 v19, v62;
	v16 =	vmul.f32 $1.442695020e+00, v16  }
0xbb: {  	v22 =	vadd.f32 v22, v7  }
0xbc: {  	s1 =	smul.u32 $0x50, s25;
	v17 =	vadd.f32 v17, v23;
	v21 =	vpop (erf);
	(erf) = vpow2.f32 v16  }
0xbd: {  	s11 =	simm.s32 $0x180;
	v63 =	vmax.f32 v22, $0.0e+00;
	v18 =	vld [tilespmem:s29+$0x17B70];
	v21 =	vadd.f32 $1.000000000e+00, v21;
	[tilespmem:s20+$0x1CB10] =	vst v15;
	v16 =	vadd.f32 v58, v20;
	v20 =	vpop (erf)  }
0xbe: {  	s22 =	simm.s32 $0x800;
	s24 =	sadd.s32 s1, s19;
	v23 =	vsub.f32 $0.0e+00, v19;
	v17 =	vadd.f32 v60, v17;
	v22 =	vmul.f32 v19, v0;
	v15 =	vld [tilespmem:s11+$0x13F30];
	[tilespmem:s30+$0x16730] =	vst v63;
	v19 =	vpop (erf)  }
.LBB2_3:
0xbf: {  	p1 =	sne.s32 s22, $0x4E00;
	v24 =	vld [tilespmem:s11+$0x17B30];
	v25 =	vsub.f32 $0.0e+00, v16;
	v29 =	vadd.f32 $1.000000000e+00, v20;
	(erf) = vrcp.f32 v21;
	v21 =	vpop (erf)  }
0xc0: {  	v19 =	vadd.f32 $1.000000000e+00, v19;
	v26 =	vld [tilespmem:s11+$0x13F00];
	v23 =	vmul.f32 $1.442695020e+00, v23;
	v27 =	vsub.f32 $0.0e+00, v17;
	[tilespmem:s20+$0x1CB60] =	vst v21  }
0xc1: {  	v22 =	vadd.f32 v22, v4;
	v28 =	vld [tilespmem:s11+$0x1A330];
	v25 =	vmul.f32 $1.442695020e+00, v25;
	(erf) = vrcp.f32 v29;
	v20 =	vpop (erf)  }
0xc2: {  	v29 =	vld [tilespmem:s11+$0x17B00];
	v27 =	vmul.f32 $1.442695020e+00, v27;
	v18 =	vmul.f32 v20, v18;
	[tilespmem:s29+$0x1CB70] =	vst v20  }
0xc3: {  	v16 =	vmul.f32 v16, v1;
	v30 =	vmax.f32 v22, $0.0e+00;
	v20 =	vld [tilespmem:s11+$0x13F10];
	(erf) = vpow2.f32 v23  }
0xc4: {  	v17 =	vmul.f32 v17, v2;
	v23 =	vld [tilespmem:s11+$0x17B10];
	v15 =	vadd.f32 v24, v15;
	(erf) = vpow2.f32 v25;
	[tilespmem:s29+$0x1CB30] =	vst v18  }
0xc5: {  	v21 =	vmul.f32 v21, v10;
	v18 =	vld [tilespmem:s11+$0x13F20];
	[tilespmem:s30+$0x16700] =	vst v30;
	v30 =	vadd.f32 v16, v5;
	(erf) = vpow2.f32 v27;
	v22 =	vpop (erf)  }
0xc6: {  	v10 =	vmovc v8;
	v8 =	vmovc v14;
	v24 =	vld [tilespmem:s11+$0x17B20];
	v15 =	vadd.f32 v28, v15;
	v22 =	vadd.f32 $1.000000000e+00, v22;
	(erf) = vrcp.f32 v19  }
0xc7: {  	v28 =	vadd.f32 v17, v6;
	v14 =	vadd.f32 v29, v26;
	v19 =	vld [tilespmem:s11+$0x1A300];
	v26 =	vmax.f32 v30, $0.0e+00;
	[tilespmem:s20+$0x1CB20] =	vst v21;
	s20 =	smov.u32 s29;
	s29 =	smov.u32 s30;
	s30 =	smov.u32 s11  }
0xc8: {  	v21 =	vld [tilespmem:s30+$0x1A310];
	v25 =	vmul.f32 v15, v3;
	v15 =	vsub.f32 $0.0e+00, v15;
	[tilespmem:s29+$0x16710] =	vst v26;
	(erf) = vrcp.f32 v22;
	v16 =	vpop (erf)  }
0xc9: {  	v20 =	vadd.f32 v23, v20;
	v26 =	vld [tilespmem:s30+$0x1A320];
	v23 =	vmax.f32 v28, $0.0e+00;
	v22 =	vmul.f32 v16, v12;
	[tilespmem:s20+$0x1CB40] =	vst v16;
	v12 =	vmovc v13  }
.Ltmp2:
0xca: {  	v13 =	vld [tilespmem:s30+$0x17B40];
	v16 =	vadd.f32 v25, v7;
	v27 =	vmul.f32 $1.442695020e+00, v15;
	[tilespmem:s29+$0x16720] =	vst v23;
	v17 =	vpop (erf);
	(pc) =	sbr.rel @p1 .LBB2_3-.Ltmp2, $4  }
0xcb: {  	v24 =	vadd.f32 v24, v18;
	[tilespmem:s20+$0x1CB00] =	vst v22;
	v22 =	vmul.f32 v17, v9;
	v9 =	vmov v11;
	v11 =	vld [tilespmem:s30+$0x17B50]  }
0xcc: {  	v28 =	vadd.f32 v19, v14;
	v14 =	vld [tilespmem:s30+$0x17B60];
	v25 =	vmax.f32 v16, $0.0e+00;
	(erf) = vpow2.f32 v27;
	v15 =	vpop (erf);
	[tilespmem:s20+$0x1CB50] =	vst v17  }
0xcd: {  	s11 =	sshra.s32 s22, $0x2;
	v16 =	vadd.f32 v21, v20;
	v21 =	vadd.f32 $1.000000000e+00, v15;
	v18 =	vld [tilespmem:s29+$0x17B70];
	v20 =	vpop (erf);
	[tilespmem:s20+$0x1CB10] =	vst v22  }
0xce: {  	s22 =	sadd.s32 $0x200, s22;
	v15 =	vld [tilespmem:s11+$0x13F30];
	v22 =	vmul.f32 v28, v0;
	v23 =	vsub.f32 $0.0e+00, v28;
	v17 =	vadd.f32 v26, v24;
	[tilespmem:s30+$0x16730] =	vst v25;
	v19 =	vpop (erf)  }
0xcf: {  	v24 =	vld [tilespmem:s11+$0x17B30];
	v25 =	vpop (erf)  }
0xd0: {  	v26 =	vld [tilespmem:s11+$0x13F00];
	[tilespmem:s20+$0x1CB60] =	vst v25  }
0xd1: {  	(erf) = vrcp.f32 v21;
	v27 =	vld [tilespmem:s11+$0x1A330];
	v28 =	vpop (erf)  }
0xd2: {  	v21 =	vadd.f32 v22, v4;
	v29 =	vld [tilespmem:s11+$0x17B00];
	[tilespmem:s29+$0x1CB70] =	vst v28;
	v18 =	vmul.f32 v28, v18  }
0xd3: {  	v30 =	vsub.f32 $0.0e+00, v16;
	v16 =	vmul.f32 v16, v1;
	v42 =	vld [tilespmem:s11+$0x13F10]  }
0xd4: {  	v10 =	vmul.f32 v25, v10;
	v21 =	vmax.f32 v21, $0.0e+00;
	v22 =	vld [tilespmem:s11+$0x17B10];
	[tilespmem:s29+$0x1CB30] =	vst v18;
	v18 =	vadd.f32 $1.000000000e+00, v20  }
0xd5: {  	v16 =	vadd.f32 v16, v5;
	v20 =	vmul.f32 $1.442695020e+00, v23;
	v23 =	vld [tilespmem:s11+$0x13F20];
	[tilespmem:s30+$0x16700] =	vst v21;
	v21 =	vsub.f32 $0.0e+00, v17  }
0xd6: {  	v30 =	vmul.f32 $1.442695020e+00, v30;
	(erf) = vrcp.f32 v18  }
0xd7: {  	v16 =	vmax.f32 v16, $0.0e+00;
	v18 =	vld [tilespmem:s11+$0x17B20];
	(erf) = vpow2.f32 v20;
	v21 =	vmul.f32 $1.442695020e+00, v21  }
0xd8: {  	v20 =	vld [tilespmem:s11+$0x1A300];
	[tilespmem:s20+$0x1CB20] =	vst v10;
	v10 =	vadd.f32 v24, v15;
	v15 =	vmul.f32 v17, v2;
	(erf) = vpow2.f32 v30  }
0xd9: {  	v19 =	vadd.f32 $1.000000000e+00, v19;
	v43 =	vpop (erf)  }
0xda: {  	v17 =	vld [tilespmem:s11+$0x1A310];
	[tilespmem:s30+$0x16710] =	vst v16;
	v16 =	vpop (erf);
	(erf) = vpow2.f32 v21;
	v10 =	vadd.f32 v27, v10;
	v15 =	vadd.f32 v15, v6  }
0xdb: {  	v24 =	vadd.f32 $1.000000000e+00, v43;
	v12 =	vmul.f32 v16, v12;
	(erf) = vrcp.f32 v19  }
0xdc: {  	v19 =	vadd.f32 v29, v26;
	v44 =	vsub.f32 $0.0e+00, v10;
	v15 =	vmax.f32 v15, $0.0e+00  }
0xdd: {  	v21 =	vld [tilespmem:s11+$0x1A320];
	(erf) = vrcp.f32 v24  }
0xde: {  	v22 =	vadd.f32 v22, v42;
	[tilespmem:s29+$0x1CB40] =	vst v16;
	v19 =	vadd.f32 v20, v19;
	v20 =	vmul.f32 $1.442695020e+00, v44  }
0xdf: {  	v45 =	vld [tilespmem:s11+$0x17B40];
	[tilespmem:s30+$0x16720] =	vst v15;
	v15 =	vpop (erf)  }
0xe0: {  	v18 =	vadd.f32 v18, v23;
	v16 =	vld [tilespmem:s11+$0x17B50];
	[tilespmem:s29+$0x1CB00] =	vst v12;
	v17 =	vadd.f32 v17, v22;
	(erf) = vpow2.f32 v20;
	v12 =	vpop (erf)  }
0xe1: {  	v10 =	vmul.f32 v10, v3;
	v22 =	vld [tilespmem:s11+$0x17B60];
	v46 =	vsub.f32 $0.0e+00, v19;
	[tilespmem:s29+$0x1CB50] =	vst v15;
	v12 =	vadd.f32 $1.000000000e+00, v12;
	v23 =	vpop (erf)  }
0xe2: {  	v18 =	vadd.f32 v21, v18;
	v9 =	vmul.f32 v15, v9;
	v21 =	vld [tilespmem:s30+$0x17B70];
	v20 =	vadd.f32 $1.000000000e+00, v23  }
0xe3: {  	v10 =	vadd.f32 v10, v7;
	(erf) = vrcp.f32 v12;
	v12 =	vmul.f32 $1.442695020e+00, v46  }
0xe4: {  	v23 =	vsub.f32 $0.0e+00, v17;
	v15 =	vpop (erf);
	v17 =	vmul.f32 v17, v1;
	(erf) = vrcp.f32 v20  }
0xe5: {  	v10 =	vmax.f32 v10, $0.0e+00;
	[tilespmem:s29+$0x1CB10] =	vst v9;
	(erf) = vpow2.f32 v12;
	v12 =	vmul.f32 v19, v0;
	v19 =	vpop (erf)  }
0xe6: {  	[tilespmem:s11+$0x16730] =	vst v10;
	v20 =	vsub.f32 $0.0e+00, v18;
	v23 =	vmul.f32 $1.442695020e+00, v23;
	v9 =	vpop (erf)  }
0xe7: {  	[tilespmem:s29+$0x1CB60] =	vst v19;
	v10 =	vadd.f32 v12, v4;
	v12 =	vmul.f32 v9, v21  }
0xe8: {  	v20 =	vmul.f32 $1.442695020e+00, v20;
	(erf) = vpow2.f32 v23;
	[tilespmem:s30+$0x1CB70] =	vst v9  }
0xe9: {  	v8 =	vmul.f32 v19, v8;
	v9 =	vmax.f32 v10, $0.0e+00;
	[tilespmem:s30+$0x1CB30] =	vst v12;
	v12 =	vadd.f32 v17, v5;
	v17 =	vpop (erf)  }
0xea: {  	(erf) = vpow2.f32 v20;
	[tilespmem:s11+$0x16700] =	vst v9;
	v9 =	vadd.f32 $1.000000000e+00, v17  }
0xeb: {  	v15 =	vadd.f32 $1.000000000e+00, v15;
	v10 =	vmul.f32 v18, v2  }
0xec: {  	v17 =	vpop (erf)  }
0xed: {  	(erf) = vrcp.f32 v15;
	v10 =	vadd.f32 v10, v6;
	[tilespmem:s29+$0x1CB20] =	vst v8;
	v8 =	vpop (erf)  }
0xee: {  	(erf) = vrcp.f32 v9;
	v9 =	vpop (erf)  }
0xef: {  	v12 =	vmax.f32 v12, $0.0e+00;
	v10 =	vmax.f32 v10, $0.0e+00;
	v9 =	vadd.f32 $1.000000000e+00, v9  }
0xf0: {  	[tilespmem:s11+$0x16710] =	vst v12  }
0xf1: {  	v12 =	vmul.f32 v17, v13;
	[tilespmem:s30+$0x1CB40] =	vst v17  }
0xf2: {  	[tilespmem:s11+$0x16720] =	vst v10;
	v10 =	vpop (erf)  }
0xf3: {  	[tilespmem:s30+$0x1CB00] =	vst v12;
	v10 =	vadd.f32 $1.000000000e+00, v10;
	(erf) = vrcp.f32 v9;
	v9 =	vpop (erf)  }
0xf4: {  	[tilespmem:s30+$0x1CB50] =	vst v8;
	v9 =	vadd.f32 $1.000000000e+00, v9  }
0xf5: {  	v8 =	vmul.f32 v8, v11;
	v12 =	vld [tilespmem:s11+$0x17B70];
	(erf) = vrcp.f32 v10;
	_ =	sdelay $0x1  }
0xf6: {  	(erf) = vrcp.f32 v9  }
0xf7: {  	v9 =	vpop (erf)  }
0xf8: {  	[tilespmem:s30+$0x1CB10] =	vst v8;
	v8 =	vpop (erf)  }
0xf9: {  	[tilespmem:s30+$0x1CB60] =	vst v9;
	v10 =	vmul.f32 v8, v12  }
0xfa: {  	[tilespmem:s11+$0x1CB70] =	vst v8;
	v8 =	vmul.f32 v9, v14  }
0xfb: {  	v9 =	vpop (erf);
	[tilespmem:s11+$0x1CB30] =	vst v10  }
0xfc: {  	[tilespmem:s30+$0x1CB20] =	vst v8;
	v8 =	vmul.f32 v9, v45  }
0xfd: {  	[tilespmem:s11+$0x1CB40] =	vst v9;
	v9 =	vpop (erf)  }
0xfe: {  	[tilespmem:s11+$0x1CB00] =	vst v8;
	v8 =	vmul.f32 v9, v16  }
0xff: {  	[tilespmem:s11+$0x1CB50] =	vst v9;
	v9 =	vpop (erf)  }
0x100: {  	s22 =	sadd.s32 s15, s1;
	[tilespmem:s11+$0x1CB10] =	vst v8;
	v8 =	vmul.f32 v9, v22  }
0x101: {  	s20 =	sshll.u32 s22, $0x4;
	[tilespmem:s11+$0x1CB60] =	vst v9  }
0x102: {  	p1 =	seq.s32 s25, $0x7C;
	s22 =	sadd.s32 s13, s20;
	[tilespmem:s11+$0x1CB20] =	vst v8  }
0x103: {  	[hbm4b:s22+s3] =	stream.linear.scatter [tilespmem:s18], [sflag:$0x7], $0x1400, $0x38;
	[tilespmem:$0x1F400] =	vst v63  }
0x104: {  	s20 =	simm.s32 $0x13E00;
	s11 =	sadd.s32 @!p1 s1, s31;
	s22 =	simm.s32 $0x1CB00  }
0x105: {  	[spmem:s2] =	stream.indirect.scatter.add.f32 [tilespmem:s22], [sflag:$0x5], $0x80, s20, s26, $0xb8;
	[tilespmem:$0x1F400] =	vst v63  }
0x106: {  	s20 =	sshrl.u32 @!p1 s11, $0x3  }
0x107: {  	s29 =	simm.s32 @!p1 $0x0;
	s30 =	simm.s32 @!p1 $0x13C00;
	s22 =	sadd.s32 @!p1 s6, s20  }
0x108: {  	[tilespmem:s30], [sflag:$0x1] =	stream.linear.gather @!p1 [hbm4b:s22+s29], $0x28, $0x38;
	[tilespmem:$0x1F400] =	vst v63  }
0x109: {  	s20 =	sadd.s32 @!p1 s7, s20;
	s22 =	simm.s32 @!p1 $0x13D00  }
0x10a: {  	[tilespmem:s22], [sflag:$0x1] =	stream.linear.gather @!p1 [hbm4b:s20+s29], $0x28, $0x38;
	[tilespmem:$0x1F400] =	vst v63  }
0x10b: {  	s11 =	sshll.u32 @!p1 s11, $0x4;
	s20 =	rddreg [dreg:$0x0]  }
0x10c: {  	s11 =	sadd.s32 @!p1 s20, s11;
	s20 =	simm.s32 @!p1 $0x13F00  }
0x10d: {  	[tilespmem:s20], [sflag:$0x1] =	stream.linear.gather @!p1 [hbm4b:s11+s29], $0x1400, $0x38;
	[tilespmem:$0x1F400] =	vst v63  }
0x10e: {  	s11 =	simm.s32 @!p1 $0x1  }
0x10f: {  	_ =	swait.ge @!p1 [sflag:s11], $0x28  }
0x110: {  	[sflag:s11] =	ssyncset.done @!p1 $0x0  }
0x111: {  	[sflag:s11] =	ssyncadd.s32 @!p1 $0xFFFFFFD8  }
0x112: {  	_ =	swait.ge @!p1 [sflag:s11], $0x28  }
0x113: {  	[sflag:s11] =	ssyncset.done @!p1 $0x0  }
0x114: {  	[sflag:s11] =	ssyncadd.s32 @!p1 $0xFFFFFFD8  }
0x115: {  	_ =	swait.ge @!p1 [sflag:s11], $0x1400  }
0x116: {  	[sflag:s11] =	ssyncset.done @!p1 $0x0  }
0x117: {  	s20 =	simm.s32 @!p1 $0x17B00;
	[sflag:s11] =	ssyncadd.s32 @!p1 $0xFFFFEC00;
	s11 =	simm.s32 @!p1 $0x28  }
0x118: {  	[tilespmem:s20], [sflag:$0x3] =	stream.indirect.gather @!p1 [hbm4b:s8+s11], $0x80, s30, s11, $0xb8;
	[tilespmem:$0x1F400] =	vst v63  }
0x119: {  	s20 =	simm.s32 @!p1 $0x1A300  }
0x11a: {  	[tilespmem:s20], [sflag:$0x3] =	stream.indirect.gather @!p1 [hbm4b:s10+s11], $0x80, s22, s11, $0xb8;
	[tilespmem:$0x1F400] =	vst v63  }
0x11b: {  	_ =	swait.ge [sflag:s12], $0x1400  }
0x11c: {  	[sflag:s12] =	ssyncset.done $0x0  }
0x11d: {  	[sflag:s12] =	ssyncadd.s32 $0xFFFFEC00  }
0x11e: {  	_ =	swait.ge [sflag:s12], $0x1400  }
0x11f: {  	[sflag:s12] =	ssyncset.done $0x0  }
0x120: {  	s11 =	simm.s32 @!p0 $0x6;
	[sflag:s12] =	ssyncadd.s32 $0xFFFFEC00  }
0x121: {  	_ =	swait.ge @!p0 [sflag:s11], $0x1400  }
0x122: {  	[sflag:s11] =	ssyncset.done @!p0 $0x0  }
0x123: {  	[sflag:s11] =	ssyncadd.s32 @!p0 $0xFFFFEC00  }
0x124: {  	v8 =	vld [tilespmem:$0x13D80]  }
0x125: {  	v9 =	vld [tilespmem:$0x13D90]  }
0x126: {  	v10 =	vld [tilespmem:$0x13D98];
	_ =	sdelay $0x2  }
0x127: {  	[tilespmem:$0x13E80] =	vst v8  }
0x128: {  	[tilespmem:$0x13E90] =	vst v9  }
0x129: {  	[tilespmem:$0x13E98] =	vst v10  }
0x12a: {  	_ =	swait.ge [sflag:s21], $0x1400  }
0x12b: {  	[sflag:s21] =	ssyncset.done $0x0  }
0x12c: {  	s20 =	simm.s32 $0x0;
	[sflag:s21] =	ssyncadd.s32 $0xFFFFEC00  }
0x12d: {  	v8 =	vld [tilespmem:s20+$0x15330]  }
0x12e: {  	v9 =	vld [tilespmem:s20+$0x18F30];
	_ =	sdelay $0x1  }
0x12f: {  	v10 =	vld [tilespmem:s20+$0x1B730];
	_ =	sdelay $0x2  }
0x130: {  	v11 =	vld [tilespmem:s20+$0x15300];
	v8 =	vadd.f32 v9, v8  }
0x131: {  	v12 =	vld [tilespmem:s20+$0x18F00]  }
0x132: {  	v13 =	vld [tilespmem:s20+$0x15310];
	v8 =	vadd.f32 v10, v8  }
0x133: {  	v14 =	vld [tilespmem:s20+$0x18F10]  }
0x134: {  	v17 =	vld [tilespmem:s20+$0x1B700];
	v10 =	vmul.f32 v8, v3  }
0x135: {  	v16 =	vld [tilespmem:s20+$0x18F20]  }
0x136: {  	v18 =	vld [tilespmem:s20+$0x1B710];
	v8 =	vsub.f32 $0.0e+00, v8;
	v21 =	vadd.f32 v10, v7  }
0x137: {  	v9 =	vld [tilespmem:s20+$0x15320];
	v11 =	vadd.f32 v12, v11  }
0x138: {  	s29 =	simm.s32 $0x80;
	v19 =	vld [tilespmem:s20+$0x1B720];
	v8 =	vmul.f32 $1.442695020e+00, v8;
	v12 =	vmax.f32 v21, $0.0e+00  }
0x139: {  	v11 =	vadd.f32 v17, v11;
	v21 =	vld [tilespmem:s29+$0x15330];
	[tilespmem:s20+$0x16730] =	vst v12  }
0x13a: {  	v13 =	vadd.f32 v14, v13;
	(erf) = vpow2.f32 v8;
	v12 =	vld [tilespmem:s29+$0x18F30]  }
0x13b: {  	v8 =	vmul.f32 v11, v0;
	v17 =	vld [tilespmem:s29+$0x15300]  }
0x13c: {  	v13 =	vadd.f32 v18, v13;
	v9 =	vadd.f32 v16, v9;
	v14 =	vld [tilespmem:s29+$0x1B730]  }
0x13d: {  	v11 =	vsub.f32 $0.0e+00, v11;
	v22 =	vld [tilespmem:s29+$0x18F00];
	v8 =	vadd.f32 v8, v4  }
0x13e: {  	v23 =	vmul.f32 v13, v1;
	v18 =	vld [tilespmem:s29+$0x15310]  }
0x13f: {  	v9 =	vadd.f32 v19, v9;
	v16 =	vld [tilespmem:s29+$0x18F10];
	v11 =	vmul.f32 $1.442695020e+00, v11;
	v8 =	vmax.f32 v8, $0.0e+00  }
0x140: {  	v47 =	vld [tilespmem:s29+$0x15320];
	[tilespmem:s20+$0x16700] =	vst v8;
	v8 =	vsub.f32 $0.0e+00, v13  }
0x141: {  	v20 =	vld [tilespmem:s20+$0x18F40];
	v13 =	vadd.f32 v23, v5;
	v23 =	vsub.f32 $0.0e+00, v9  }
0x142: {  	v15 =	vld [tilespmem:s20+$0x18F50];
	(erf) = vpow2.f32 v11;
	v8 =	vmul.f32 $1.442695020e+00, v8  }
0x143: {  	v9 =	vmul.f32 v9, v2;
	v19 =	vld [tilespmem:s29+$0x18F20];
	v12 =	vadd.f32 v12, v21;
	v23 =	vmul.f32 $1.442695020e+00, v23;
	v11 =	vpop (erf)  }
0x144: {  	v48 =	vld [tilespmem:s29+$0x1B700];
	v13 =	vmax.f32 v13, $0.0e+00;
	(erf) = vpow2.f32 v8;
	v8 =	vadd.f32 $1.000000000e+00, v11  }
0x145: {  	v21 =	vld [tilespmem:s29+$0x1B710];
	[tilespmem:s20+$0x16710] =	vst v13;
	v13 =	vadd.f32 v14, v12;
	(erf) = vpow2.f32 v23  }
0x146: {  	v10 =	vld [tilespmem:s20+$0x18F60];
	v9 =	vadd.f32 v9, v6;
	(erf) = vrcp.f32 v8  }
0x147: {  	v12 =	vld [tilespmem:s29+$0x18F40];
	v14 =	vmul.f32 v13, v3  }
0x148: {  	v9 =	vmax.f32 v9, $0.0e+00;
	v11 =	vld [tilespmem:s29+$0x1B720]  }
0x149: {  	[tilespmem:s20+$0x16720] =	vst v9;
	v23 =	vld [tilespmem:s20+$0x18F70];
	v14 =	vadd.f32 v14, v7  }
0x14a: {  	s30 =	simm.s32 $0x100;
	v9 =	vld [tilespmem:s29+$0x18F50];
	v13 =	vsub.f32 $0.0e+00, v13  }
0x14b: {  	v49 =	vld [tilespmem:s30+$0x15330];
	v14 =	vmax.f32 v14, $0.0e+00  }
0x14c: {  	v8 =	vld [tilespmem:s29+$0x18F60];
	v13 =	vmul.f32 $1.442695020e+00, v13;
	[tilespmem:s29+$0x16730] =	vst v14;
	v14 =	vadd.f32 v22, v17;
	v17 =	vpop (erf)  }
0x14d: {  	v22 =	vld [tilespmem:s30+$0x18F30];
	v17 =	vadd.f32 $1.000000000e+00, v17;
	v50 =	vpop (erf)  }
0x14e: {  	v16 =	vadd.f32 v16, v18;
	v51 =	vld [tilespmem:s30+$0x15300];
	v14 =	vadd.f32 v48, v14;
	v52 =	vpop (erf);
	(erf) = vpow2.f32 v13  }
0x14f: {  	v53 =	vld [tilespmem:s30+$0x1B730];
	v54 =	vpop (erf);
	(erf) = vrcp.f32 v17  }
0x150: {  	v16 =	vadd.f32 v21, v16;
	v31 =	vld [tilespmem:s30+$0x18F00];
	v13 =	vmul.f32 v14, v0;
	[tilespmem:s20+$0x1DF70] =	vst v54;
	v17 =	vmul.f32 v54, v23  }
0x151: {  	v55 =	vadd.f32 $1.000000000e+00, v50;
	v14 =	vsub.f32 $0.0e+00, v14;
	v18 =	vld [tilespmem:s30+$0x15310]  }
0x152: {  	v13 =	vadd.f32 v13, v4;
	v21 =	vld [tilespmem:s30+$0x18F10];
	[tilespmem:s20+$0x1DF30] =	vst v17;
	v17 =	vadd.f32 v19, v47  }
0x153: {  	v14 =	vmul.f32 $1.442695020e+00, v14;
	v19 =	vmul.f32 v16, v1  }
0x154: {  	(erf) = vrcp.f32 v55;
	v13 =	vmax.f32 v13, $0.0e+00;
	v11 =	vadd.f32 v11, v17  }
0x155: {  	v16 =	vsub.f32 $0.0e+00, v16;
	v23 =	vld [tilespmem:s30+$0x15320];
	[tilespmem:s29+$0x16700] =	vst v13;
	v13 =	vadd.f32 v19, v5  }
0x156: {  	v17 =	vld [tilespmem:s30+$0x18F20];
	v56 =	vsub.f32 $0.0e+00, v11  }
0x157: {  	(erf) = vpow2.f32 v14;
	v19 =	vld [tilespmem:s30+$0x1B700];
	v16 =	vmul.f32 $1.442695020e+00, v16;
	v13 =	vmax.f32 v13, $0.0e+00;
	v58 =	vpop (erf)  }
0x158: {  	v22 =	vadd.f32 v22, v49;
	v57 =	vld [tilespmem:s30+$0x1B710];
	v11 =	vmul.f32 v11, v2;
	[tilespmem:s29+$0x16710] =	vst v13;
	v13 =	vmul.f32 $1.442695020e+00, v56;
	v14 =	vpop (erf)  }
0x159: {  	(erf) = vpow2.f32 v16;
	v59 =	vld [tilespmem:s30+$0x1B720];
	[tilespmem:s20+$0x1DF40] =	vst v14;
	v14 =	vmul.f32 v14, v20;
	v20 =	vadd.f32 $1.000000000e+00, v52  }
0x15a: {  	v16 =	vadd.f32 v53, v22;
	(erf) = vpow2.f32 v13  }
0x15b: {  	v60 =	vadd.f32 $1.000000000e+00, v58;
	v11 =	vadd.f32 v11, v6;
	(erf) = vrcp.f32 v20  }
0x15c: {  	v61 =	vadd.f32 v31, v51;
	v22 =	vmul.f32 v16, v3  }
0x15d: {  	v16 =	vsub.f32 $0.0e+00, v16;
	v11 =	vmax.f32 v11, $0.0e+00;
	v20 =	vpop (erf);
	(erf) = vrcp.f32 v60  }
0x15e: {  	v13 =	vld [tilespmem:s30+$0x18F40];
	[tilespmem:s29+$0x16720] =	vst v11  }
0x15f: {  	v19 =	vadd.f32 v19, v61;
	v16 =	vmul.f32 $1.442695020e+00, v16;
	v11 =	vld [tilespmem:s30+$0x18F50];
	[tilespmem:s20+$0x1DF00] =	vst v14  }
0x160: {  	v22 =	vadd.f32 v22, v7;
	v14 =	vld [tilespmem:s30+$0x18F60];
	v15 =	vmul.f32 v20, v15;
	[tilespmem:s20+$0x1DF50] =	vst v20;
	v20 =	vadd.f32 v21, v18  }
0x161: {  	v62 =	vadd.f32 v17, v23;
	v21 =	vpop (erf);
	(erf) = vpow2.f32 v16  }
0x162: {  	s11 =	simm.s32 $0x180;
	v63 =	vmax.f32 v22, $0.0e+00;
	v18 =	vld [tilespmem:s29+$0x18F70];
	v23 =	vpop (erf);
	[tilespmem:s20+$0x1DF10] =	vst v15;
	v17 =	vadd.f32 v57, v20;
	v20 =	vadd.f32 $1.000000000e+00, v21  }
0x163: {  	s22 =	simm.s32 $0x800;
	v22 =	vsub.f32 $0.0e+00, v19;
	v16 =	vadd.f32 v59, v62;
	v21 =	vmul.f32 v19, v0;
	v15 =	vld [tilespmem:s11+$0x15330];
	[tilespmem:s30+$0x16730] =	vst v63;
	v19 =	vpop (erf)  }
.LBB2_5:
0x164: {  	p0 =	sne.s32 s22, $0x4E00;
	v24 =	vld [tilespmem:s11+$0x18F30];
	v25 =	vsub.f32 $0.0e+00, v17;
	v29 =	vadd.f32 $1.000000000e+00, v23;
	(erf) = vrcp.f32 v20;
	v20 =	vpop (erf)  }
0x165: {  	v19 =	vadd.f32 $1.000000000e+00, v19;
	v26 =	vld [tilespmem:s11+$0x15300];
	v22 =	vmul.f32 $1.442695020e+00, v22;
	v27 =	vsub.f32 $0.0e+00, v16;
	[tilespmem:s20+$0x1DF60] =	vst v20  }
0x166: {  	v21 =	vadd.f32 v21, v4;
	v28 =	vld [tilespmem:s11+$0x1B730];
	v25 =	vmul.f32 $1.442695020e+00, v25;
	(erf) = vrcp.f32 v29;
	v23 =	vpop (erf)  }
0x167: {  	v29 =	vld [tilespmem:s11+$0x18F00];
	v27 =	vmul.f32 $1.442695020e+00, v27;
	v18 =	vmul.f32 v23, v18;
	[tilespmem:s29+$0x1DF70] =	vst v23  }
0x168: {  	v17 =	vmul.f32 v17, v1;
	v30 =	vmax.f32 v21, $0.0e+00;
	v23 =	vld [tilespmem:s11+$0x15310];
	(erf) = vpow2.f32 v22  }
0x169: {  	v16 =	vmul.f32 v16, v2;
	v22 =	vld [tilespmem:s11+$0x18F10];
	v15 =	vadd.f32 v24, v15;
	(erf) = vpow2.f32 v25;
	[tilespmem:s29+$0x1DF30] =	vst v18  }
0x16a: {  	v20 =	vmul.f32 v20, v10;
	v18 =	vld [tilespmem:s11+$0x15320];
	[tilespmem:s30+$0x16700] =	vst v30;
	v30 =	vadd.f32 v17, v5;
	(erf) = vpow2.f32 v27;
	v21 =	vpop (erf)  }
0x16b: {  	v10 =	vmovc v8;
	v8 =	vmovc v14;
	v24 =	vld [tilespmem:s11+$0x18F20];
	v15 =	vadd.f32 v28, v15;
	v21 =	vadd.f32 $1.000000000e+00, v21;
	(erf) = vrcp.f32 v19  }
0x16c: {  	v28 =	vadd.f32 v16, v6;
	v14 =	vadd.f32 v29, v26;
	v19 =	vld [tilespmem:s11+$0x1B700];
	v26 =	vmax.f32 v30, $0.0e+00;
	[tilespmem:s20+$0x1DF20] =	vst v20;
	s20 =	smov.u32 s29;
	s29 =	smov.u32 s30;
	s30 =	smov.u32 s11  }
0x16d: {  	v20 =	vld [tilespmem:s30+$0x1B710];
	v25 =	vmul.f32 v15, v3;
	v15 =	vsub.f32 $0.0e+00, v15;
	[tilespmem:s29+$0x16710] =	vst v26;
	(erf) = vrcp.f32 v21;
	v17 =	vpop (erf)  }
0x16e: {  	v21 =	vadd.f32 v22, v23;
	v26 =	vld [tilespmem:s30+$0x1B720];
	v23 =	vmax.f32 v28, $0.0e+00;
	v22 =	vmul.f32 v17, v12;
	[tilespmem:s20+$0x1DF40] =	vst v17;
	v12 =	vmovc v13  }
.Ltmp3:
0x16f: {  	v13 =	vld [tilespmem:s30+$0x18F40];
	v17 =	vadd.f32 v25, v7;
	v27 =	vmul.f32 $1.442695020e+00, v15;
	[tilespmem:s29+$0x16720] =	vst v23;
	v16 =	vpop (erf);
	(pc) =	sbr.rel @p0 .LBB2_5-.Ltmp3, $4  }
0x170: {  	v24 =	vadd.f32 v24, v18;
	[tilespmem:s20+$0x1DF00] =	vst v22;
	v22 =	vmul.f32 v16, v9;
	v9 =	vmov v11;
	v11 =	vld [tilespmem:s30+$0x18F50]  }
0x171: {  	v28 =	vadd.f32 v19, v14;
	v14 =	vld [tilespmem:s30+$0x18F60];
	v25 =	vmax.f32 v17, $0.0e+00;
	(erf) = vpow2.f32 v27;
	v15 =	vpop (erf);
	[tilespmem:s20+$0x1DF50] =	vst v16  }
0x172: {  	s11 =	sshra.s32 s22, $0x2;
	v17 =	vadd.f32 v20, v21;
	v20 =	vadd.f32 $1.000000000e+00, v15;
	v18 =	vld [tilespmem:s29+$0x18F70];
	v23 =	vpop (erf);
	[tilespmem:s20+$0x1DF10] =	vst v22  }
0x173: {  	s22 =	sadd.s32 $0x200, s22;
	v15 =	vld [tilespmem:s11+$0x15330];
	v21 =	vmul.f32 v28, v0;
	v22 =	vsub.f32 $0.0e+00, v28;
	v16 =	vadd.f32 v26, v24;
	[tilespmem:s30+$0x16730] =	vst v25;
	v19 =	vpop (erf)  }
0x174: {  	v24 =	vld [tilespmem:s11+$0x18F30];
	v25 =	vpop (erf)  }
0x175: {  	v26 =	vld [tilespmem:s11+$0x15300];
	[tilespmem:s20+$0x1DF60] =	vst v25  }
0x176: {  	v27 =	vld [tilespmem:s11+$0x1B730];
	v28 =	vpop (erf)  }
0x177: {  	v23 =	vadd.f32 $1.000000000e+00, v23;
	v47 =	vsub.f32 $0.0e+00, v17;
	v29 =	vld [tilespmem:s11+$0x18F00];
	[tilespmem:s29+$0x1DF70] =	vst v28;
	v18 =	vmul.f32 v28, v18  }
0x178: {  	(erf) = vrcp.f32 v20;
	v45 =	vadd.f32 v21, v4;
	v22 =	vmul.f32 $1.442695020e+00, v22;
	v44 =	vld [tilespmem:s11+$0x15310]  }
0x179: {  	(erf) = vrcp.f32 v23;
	v46 =	vld [tilespmem:s11+$0x18F10];
	[tilespmem:s29+$0x1DF30] =	vst v18;
	v18 =	vmul.f32 $1.442695020e+00, v47  }
0x17a: {  	v49 =	vmul.f32 v17, v1;
	v20 =	vmax.f32 v45, $0.0e+00;
	(erf) = vpow2.f32 v22  }
0x17b: {  	v50 =	vsub.f32 $0.0e+00, v16;
	v10 =	vmul.f32 v25, v10;
	v48 =	vld [tilespmem:s11+$0x15320];
	[tilespmem:s30+$0x16700] =	vst v20;
	(erf) = vpow2.f32 v18  }
0x17c: {  	v54 =	vmul.f32 v16, v2;
	v17 =	vadd.f32 v49, v5;
	v51 =	vld [tilespmem:s11+$0x18F20]  }
0x17d: {  	v53 =	vadd.f32 v24, v15;
	v20 =	vmul.f32 $1.442695020e+00, v50;
	v52 =	vld [tilespmem:s11+$0x1B700];
	[tilespmem:s20+$0x1DF20] =	vst v10  }
0x17e: {  	v55 =	vmax.f32 v17, $0.0e+00;
	v15 =	vadd.f32 v54, v6;
	v56 =	vld [tilespmem:s11+$0x1B710]  }
0x17f: {  	v57 =	vadd.f32 $1.000000000e+00, v19;
	v58 =	vpop (erf);
	v10 =	vadd.f32 v27, v53;
	[tilespmem:s30+$0x16710] =	vst v55;
	(erf) = vpow2.f32 v20  }
0x180: {  	v19 =	vadd.f32 $1.000000000e+00, v58;
	v61 =	vadd.f32 v29, v26;
	v15 =	vmax.f32 v15, $0.0e+00;
	v60 =	vld [tilespmem:s11+$0x1B720]  }
0x181: {  	v59 =	vpop (erf);
	(erf) = vrcp.f32 v57;
	v62 =	vsub.f32 $0.0e+00, v10;
	v29 =	vadd.f32 v46, v44  }
0x182: {  	[tilespmem:s29+$0x1DF40] =	vst v59;
	(erf) = vrcp.f32 v19;
	v12 =	vmul.f32 v59, v12;
	v30 =	vpop (erf);
	v18 =	vadd.f32 v52, v61  }
0x183: {  	v63 =	vld [tilespmem:s11+$0x18F40];
	[tilespmem:s30+$0x16720] =	vst v15;
	v32 =	vmul.f32 $1.442695020e+00, v62;
	v33 =	vadd.f32 v51, v48;
	v34 =	vpop (erf);
	v17 =	vadd.f32 v56, v29  }
0x184: {  	v10 =	vmul.f32 v10, v3;
	v31 =	vld [tilespmem:s11+$0x18F50];
	[tilespmem:s29+$0x1DF00] =	vst v12;
	v12 =	vadd.f32 $1.000000000e+00, v34;
	v37 =	vsub.f32 $0.0e+00, v18;
	v36 =	vpop (erf)  }
0x185: {  	(erf) = vpow2.f32 v32;
	v20 =	vadd.f32 v60, v33;
	v38 =	vadd.f32 $1.000000000e+00, v36  }
0x186: {  	v35 =	vld [tilespmem:s11+$0x18F60];
	[tilespmem:s29+$0x1DF50] =	vst v30;
	v40 =	vsub.f32 $0.0e+00, v17;
	(erf) = vrcp.f32 v12;
	v41 =	vmul.f32 $1.442695020e+00, v37  }
0x187: {  	v10 =	vadd.f32 v10, v7;
	v9 =	vmul.f32 v30, v9;
	v39 =	vld [tilespmem:s30+$0x18F70];
	(erf) = vrcp.f32 v38  }
0x188: {  	v43 =	vsub.f32 $0.0e+00, v20;
	v42 =	vpop (erf);
	v23 =	vmul.f32 $1.442695020e+00, v40;
	(erf) = vpow2.f32 v41  }
0x189: {  	v44 =	vmul.f32 v18, v0  }
0x18a: {  	v10 =	vmax.f32 v10, $0.0e+00;
	[tilespmem:s29+$0x1DF10] =	vst v9;
	v45 =	vpop (erf);
	v21 =	vmul.f32 $1.442695020e+00, v43;
	(erf) = vpow2.f32 v23  }
0x18b: {  	[tilespmem:s11+$0x16730] =	vst v10;
	v17 =	vmul.f32 v17, v1;
	v46 =	vpop (erf);
	v8 =	vmul.f32 v45, v8  }
0x18c: {  	v47 =	vadd.f32 v44, v4;
	[tilespmem:s29+$0x1DF60] =	vst v45;
	v48 =	vmul.f32 v46, v39;
	(erf) = vpow2.f32 v21  }
0x18d: {  	v50 =	vmul.f32 v20, v2;
	[tilespmem:s30+$0x1DF70] =	vst v46  }
0x18e: {  	v51 =	vadd.f32 v17, v5;
	v15 =	vadd.f32 $1.000000000e+00, v42;
	v49 =	vmax.f32 v47, $0.0e+00;
	[tilespmem:s30+$0x1DF30] =	vst v48;
	v52 =	vpop (erf)  }
0x18f: {  	[tilespmem:s11+$0x16700] =	vst v49;
	v53 =	vadd.f32 $1.000000000e+00, v52;
	v54 =	vpop (erf)  }
0x190: {  	v10 =	vadd.f32 v50, v6;
	v12 =	vmax.f32 v51, $0.0e+00;
	(erf) = vrcp.f32 v15;
	[tilespmem:s29+$0x1DF20] =	vst v8;
	v8 =	vpop (erf)  }
0x191: {  	[tilespmem:s11+$0x16710] =	vst v12;
	(erf) = vrcp.f32 v53;
	v55 =	vpop (erf)  }
0x192: {  	v10 =	vmax.f32 v10, $0.0e+00;
	v56 =	vmul.f32 v54, v13;
	[tilespmem:s30+$0x1DF40] =	vst v54;
	v9 =	vadd.f32 $1.000000000e+00, v55  }
0x193: {  	[tilespmem:s11+$0x16720] =	vst v10;
	v57 =	vpop (erf)  }
0x194: {  	[tilespmem:s30+$0x1DF00] =	vst v56;
	v10 =	vadd.f32 $1.000000000e+00, v57;
	(erf) = vrcp.f32 v9  }
0x195: {  	[tilespmem:s30+$0x1DF50] =	vst v8;
	v58 =	vpop (erf)  }
0x196: {  	v8 =	vmul.f32 v8, v11;
	v12 =	vld [tilespmem:s11+$0x18F70];
	v9 =	vadd.f32 $1.000000000e+00, v58;
	(erf) = vrcp.f32 v10;
	_ =	sdelay $0x1  }
0x197: {  	(erf) = vrcp.f32 v9  }
0x198: {  	v59 =	vpop (erf)  }
0x199: {  	[tilespmem:s30+$0x1DF10] =	vst v8;
	v8 =	vpop (erf)  }
0x19a: {  	[tilespmem:s30+$0x1DF60] =	vst v59;
	v60 =	vmul.f32 v8, v12  }
0x19b: {  	[tilespmem:s11+$0x1DF70] =	vst v8;
	v8 =	vmul.f32 v59, v14  }
0x19c: {  	[tilespmem:s11+$0x1DF30] =	vst v60;
	v61 =	vpop (erf)  }
0x19d: {  	[tilespmem:s30+$0x1DF20] =	vst v8;
	v8 =	vmul.f32 v61, v63  }
0x19e: {  	[tilespmem:s11+$0x1DF40] =	vst v61;
	v62 =	vpop (erf)  }
0x19f: {  	[tilespmem:s11+$0x1DF00] =	vst v8;
	v8 =	vmul.f32 v62, v31  }
0x1a0: {  	[tilespmem:s11+$0x1DF50] =	vst v62;
	v63 =	vpop (erf)  }
0x1a1: {  	[tilespmem:s11+$0x1DF10] =	vst v8;
	v8 =	vmul.f32 v63, v35  }
.Ltmp4:
0x1a2: {  	s24 =	sshll.u32 s24, $0x4;
	[tilespmem:s11+$0x1DF60] =	vst v63;
	(pc) =	sbr.rel @p1 .LBB2_8-.Ltmp4, $4  }
0x1a3: {  	s29 =	sadd.s32 s13, s24;
	[tilespmem:s11+$0x1DF20] =	vst v8  }
0x1a4: {  	[hbm4b:s29+s3] =	stream.linear.scatter [tilespmem:s18], [sflag:$0x7], $0x1400, $0x38;
	[tilespmem:$0x1F400] =	vst v63  }
0x1a5: {  	s30 =	simm.s32 $0x13E80  }
0x1a6: {  	[spmem:s2] =	stream.indirect.scatter.add.f32 [tilespmem:s4], [sflag:$0x6], $0x80, s30, s26, $0xb8;
	[tilespmem:$0x1F400] =	vst v63  }
0x1a7: {  	s1 =	sadd.s32 s1, s0  }
0x1a8: {  	s11 =	sshrl.u32 s1, $0x3  }
0x1a9: {  	s20 =	sadd.s32 s6, s11  }
0x1aa: {  	[tilespmem:s16], [sflag:$0x2] =	stream.linear.gather [hbm4b:s20+s3], $0x28, $0x38;
	[tilespmem:$0x1F400] =	vst v63  }
.Ltmp5:
0x1ab: {  	_ = 	snop;
	(pc) =	sbr.rel .LBB2_2-.Ltmp5, $4  }
0x1ac: {  	s29 =	rddreg [dreg:$0x0];
	s1 =	sshll.u32 s1, $0x4;
	s11 =	sadd.s32 s7, s11  }
0x1ad: {  	[tilespmem:s23], [sflag:$0x2] =	stream.linear.gather [hbm4b:s11+s3], $0x28, $0x38;
	[tilespmem:$0x1F400] =	vst v63  }
0x1ae: {  	s30 =	simm.s32 $0x15300;
	s25 =	sadd.s32 $0x1, s25;
	s1 =	sadd.s32 s29, s1  }
0x1af: {  	[tilespmem:s30], [sflag:$0x2] =	stream.linear.gather [hbm4b:s1+s3], $0x1400, $0x38;
	[tilespmem:$0x1F400] =	vst v63  }
.LBB2_8:
0x1b0: {  	_ =	swait.ge [sflag:s21], $0x1400  }
0x1b1: {  	[sflag:s21] =	ssyncset.done $0x0  }
0x1b2: {  	s1 =	simm.s32 $0x5;
	[sflag:s21] =	ssyncadd.s32 $0xFFFFEC00  }
0x1b3: {  	_ =	swait.ge [sflag:s1], $0x1400  }
0x1b4: {  	[sflag:s1] =	ssyncset.done $0x0  }
0x1b5: {  	s25 =	simm.s32 $0x6;
	[sflag:s1] =	ssyncadd.s32 $0xFFFFEC00  }
0x1b6: {  	_ =	swait.ge [sflag:s25], $0x1400  }
0x1b7: {  	[sflag:s25] =	ssyncset.done $0x0  }
0x1b8: {  	[sflag:s25] =	ssyncadd.s32 $0xFFFFEC00  }
0x1b9: {  	[bflag:$0x0] =	sbarrier.arrive $0xFFFF  }
0x1ba: {  	s29 =	rddreg [dreg:$0x10]  }
0x1bb: {  	s20 =	rddreg [dreg:$0x14]  }
0x1bc: {  	s11 =	simm.s32 $0x8;
	s22 =	rddreg [dreg:$0x15]  }
0x1bd: {  	[hbm:s29], [sflag:s20] =	dma.local [spmem:s22], $0x2780  }
0x1be: {  	_ =	swait.ge [sflag:s11], $0x2780  }
0x1bf: {  	[sflag:s11] =	ssyncset.done $0x0  }
0x1c0: {  	[sflag:s11] =	ssyncadd.s32 $0xFFFFD880  }
0x1c1: {  	v0 =	vld [tilespmem:$0x1F340]  }
0x1c2: {  	v1 =	vld [tilespmem:$0x1F350]  }
0x1c3: {  	v2 =	vld [tilespmem:$0x1F360]  }
0x1c4: {  	v3 =	vld [tilespmem:$0x1F370]  }
0x1c5: {  	v4 =	vld [tilespmem:$0x1F3C0]  }
0x1c6: {  	v5 =	vld [tilespmem:$0x1F3D0]  }
0x1c7: {  	s30 =	rddreg [dreg:$0x7];
	v6 =	vld [tilespmem:$0x1F3E0]  }
0x1c8: {  	v7 =	vld [tilespmem:$0x1F3F0];
	[spmem:s22], [sflag:s20] =	dma.local [hbm:s30], $0x2780  }
0x1c9: {  	_ =	swait.ge [sflag:s11], $0x2780  }
0x1ca: {  	[sflag:s11] =	ssyncset.done $0x0  }
0x1cb: {  	[sflag:s11] =	ssyncadd.s32 $0xFFFFD880  }
0x1cc: {  	[bflag:$0x0] =	sbarrier.arrive $0xFFFF  }
0x1cd: {  	s25 =	simm.s32 $0x0;
	s11 =	simm.s32 $0x13C00;
	s22 =	rddreg [dreg:$0x8]  }
0x1ce: {  	[tilespmem:s11], [sflag:$0x1] =	stream.linear.gather [hbm4b:s22+s25], $0x28, $0x38;
	[tilespmem:$0x1F400] =	vst v63  }
0x1cf: {  	s20 =	simm.s32 $0x13D00;
	s24 =	rddreg [dreg:$0x9]  }
0x1d0: {  	[tilespmem:s20], [sflag:$0x1] =	stream.linear.gather [hbm4b:s24+s25], $0x28, $0x38;
	[tilespmem:$0x1F400] =	vst v63  }
0x1d1: {  	s30 =	simm.s32 $0x13F00;
	s29 =	rddreg [dreg:$0xd]  }
0x1d2: {  	[tilespmem:s30], [sflag:$0x1] =	stream.linear.gather [hbm4b:s29+s25], $0x1400, $0x38;
	[tilespmem:$0x1F400] =	vst v63  }
0x1d3: {  	s22 =	rddreg [dreg:$0xa]  }
0x1d4: {  	[tilespmem:s16], [sflag:$0x2] =	stream.linear.gather [hbm4b:s22+s25], $0x28, $0x38;
	[tilespmem:$0x1F400] =	vst v63  }
0x1d5: {  	s24 =	rddreg [dreg:$0xb]  }
0x1d6: {  	[tilespmem:s23], [sflag:$0x2] =	stream.linear.gather [hbm4b:s24+s25], $0x28, $0x38;
	[tilespmem:$0x1F400] =	vst v63  }
0x1d7: {  	s29 =	rddreg [dreg:$0xf];
	s30 =	simm.s32 $0x15300;
	s24 =	simm.s32 $0x1  }
0x1d8: {  	[tilespmem:s30], [sflag:$0x2] =	stream.linear.gather [hbm4b:s29+s25], $0x1400, $0x38;
	[tilespmem:$0x1F400] =	vst v63  }
0x1d9: {  	_ =	swait.ge [sflag:s24], $0x28  }
0x1da: {  	[sflag:s24] =	ssyncset.done $0x0  }
0x1db: {  	[sflag:s24] =	ssyncadd.s32 $0xFFFFFFD8  }
0x1dc: {  	_ =	swait.ge [sflag:s24], $0x28  }
0x1dd: {  	[sflag:s24] =	ssyncset.done $0x0  }
0x1de: {  	[sflag:s24] =	ssyncadd.s32 $0xFFFFFFD8  }
0x1df: {  	_ =	swait.ge [sflag:s24], $0x1400  }
0x1e0: {  	[sflag:s24] =	ssyncset.done $0x0  }
0x1e1: {  	s29 =	simm.s32 $0x17B00;
	[sflag:s24] =	ssyncadd.s32 $0xFFFFEC00  }
0x1e2: {  	[tilespmem:s29], [sflag:$0x3] =	stream.indirect.gather [hbm4b:s9+s26], $0x80, s11, s26, $0xb8;
	[tilespmem:$0x1F400] =	vst v63  }
0x1e3: {  	s30 =	simm.s32 $0x1A300  }
0x1e4: {  	[tilespmem:s30], [sflag:$0x3] =	stream.indirect.gather [hbm4b:s10+s26], $0x80, s20, s26, $0xb8;
	[tilespmem:$0x1F400] =	vst v63  }
.LBB2_9:
0x1e5: {  	_ =	swait.ge [sflag:s28], $0x28  }
0x1e6: {  	[sflag:s28] =	ssyncset.done $0x0  }
0x1e7: {  	[sflag:s28] =	ssyncadd.s32 $0xFFFFFFD8  }
0x1e8: {  	_ =	swait.ge [sflag:s28], $0x28  }
0x1e9: {  	[sflag:s28] =	ssyncset.done $0x0  }
0x1ea: {  	[sflag:s28] =	ssyncadd.s32 $0xFFFFFFD8  }
0x1eb: {  	_ =	swait.ge [sflag:s28], $0x1400  }
0x1ec: {  	[sflag:s28] =	ssyncset.done $0x0  }
0x1ed: {  	s1 =	simm.s32 $0x18F00;
	[sflag:s28] =	ssyncadd.s32 $0xFFFFEC00  }
0x1ee: {  	[tilespmem:s1], [sflag:$0x4] =	stream.indirect.gather [hbm4b:s9+s26], $0x80, s16, s26, $0xb8;
	[tilespmem:$0x1F400] =	vst v63  }
0x1ef: {  	s24 =	simm.s32 $0x1B700  }
0x1f0: {  	[tilespmem:s24], [sflag:$0x4] =	stream.indirect.gather [hbm4b:s10+s26], $0x80, s23, s26, $0xb8;
	[tilespmem:$0x1F400] =	vst v63  }
0x1f1: {  	_ =	swait.ge [sflag:s17], $0x1400  }
0x1f2: {  	[sflag:s17] =	ssyncset.done $0x0  }
0x1f3: {  	[sflag:s17] =	ssyncadd.s32 $0xFFFFEC00  }
0x1f4: {  	_ =	swait.ge [sflag:s17], $0x1400  }
0x1f5: {  	[sflag:s17] =	ssyncset.done $0x0  }
0x1f6: {  	p0 =	seq.s32 s25, $0x0;
	[sflag:s17] =	ssyncadd.s32 $0xFFFFEC00  }
0x1f7: {  	v8 =	vld @p0 [tilespmem:$0x13D00]  }
0x1f8: {  	v9 =	vld @p0 [tilespmem:$0x13D10]  }
0x1f9: {  	v10 =	vld @p0 [tilespmem:$0x13D18];
	_ =	sdelay $0x2  }
0x1fa: {  	[tilespmem:$0x13E00] =	vst @p0 v8  }
0x1fb: {  	[tilespmem:$0x13E10] =	vst @p0 v9  }
0x1fc: {  	s1 =	simm.s32 @!p0 $0x5;
	[tilespmem:$0x13E18] =	vst @p0 v10  }
0x1fd: {  	_ =	swait.ge @!p0 [sflag:s1], $0x1400  }
0x1fe: {  	[sflag:s1] =	ssyncset.done @!p0 $0x0  }
0x1ff: {  	[sflag:s1] =	ssyncadd.s32 @!p0 $0xFFFFEC00  }
0x200: {  	v8 =	vld @!p0 [tilespmem:$0x13D00]  }
0x201: {  	v9 =	vld @!p0 [tilespmem:$0x13D10]  }
0x202: {  	v10 =	vld @!p0 [tilespmem:$0x13D18];
	_ =	sdelay $0x2  }
0x203: {  	[tilespmem:$0x13E00] =	vst @!p0 v8  }
0x204: {  	[tilespmem:$0x13E10] =	vst @!p0 v9  }
0x205: {  	s1 =	simm.s32 @!p0 $0x7;
	[tilespmem:$0x13E18] =	vst @!p0 v10  }
0x206: {  	_ =	swait.ge @!p0 [sflag:s1], $0x1400  }
0x207: {  	[sflag:s1] =	ssyncset.done @!p0 $0x0  }
0x208: {  	s20 =	simm.s32 $0x0;
	[sflag:s1] =	ssyncadd.s32 @!p0 $0xFFFFEC00  }
0x209: {  	v8 =	vld [tilespmem:s20+$0x13F30]  }
0x20a: {  	v9 =	vld [tilespmem:s20+$0x17B30];
	_ =	sdelay $0x1  }
0x20b: {  	v10 =	vld [tilespmem:s20+$0x1A370];
	_ =	sdelay $0x2  }
0x20c: {  	v11 =	vld [tilespmem:s20+$0x13F00];
	v8 =	vadd.f32 v9, v8  }
0x20d: {  	v12 =	vld [tilespmem:s20+$0x17B00]  }
0x20e: {  	v13 =	vld [tilespmem:s20+$0x13F10];
	v8 =	vadd.f32 v10, v8  }
0x20f: {  	v14 =	vld [tilespmem:s20+$0x17B10]  }
0x210: {  	v17 =	vld [tilespmem:s20+$0x1A340];
	v10 =	vmul.f32 v8, v3  }
0x211: {  	v16 =	vld [tilespmem:s20+$0x17B20]  }
0x212: {  	v18 =	vld [tilespmem:s20+$0x1A350];
	v8 =	vsub.f32 $0.0e+00, v8;
	v21 =	vadd.f32 v10, v7  }
0x213: {  	v9 =	vld [tilespmem:s20+$0x13F20];
	v11 =	vadd.f32 v12, v11  }
0x214: {  	s29 =	simm.s32 $0x80;
	v19 =	vld [tilespmem:s20+$0x1A360];
	v8 =	vmul.f32 $1.442695020e+00, v8;
	v12 =	vmax.f32 v21, $0.0e+00  }
0x215: {  	v11 =	vadd.f32 v17, v11;
	v21 =	vld [tilespmem:s29+$0x13F30];
	[tilespmem:s20+$0x16730] =	vst v12  }
0x216: {  	v13 =	vadd.f32 v14, v13;
	(erf) = vpow2.f32 v8;
	v12 =	vld [tilespmem:s29+$0x17B30]  }
0x217: {  	v8 =	vmul.f32 v11, v0;
	v17 =	vld [tilespmem:s29+$0x13F00]  }
0x218: {  	v13 =	vadd.f32 v18, v13;
	v9 =	vadd.f32 v16, v9;
	v14 =	vld [tilespmem:s29+$0x1A370]  }
0x219: {  	v11 =	vsub.f32 $0.0e+00, v11;
	v22 =	vld [tilespmem:s29+$0x17B00];
	v8 =	vadd.f32 v8, v4  }
0x21a: {  	v23 =	vmul.f32 v13, v1;
	v18 =	vld [tilespmem:s29+$0x13F10]  }
0x21b: {  	v9 =	vadd.f32 v19, v9;
	v16 =	vld [tilespmem:s29+$0x17B10];
	v11 =	vmul.f32 $1.442695020e+00, v11;
	v8 =	vmax.f32 v8, $0.0e+00  }
0x21c: {  	v24 =	vld [tilespmem:s29+$0x13F20];
	[tilespmem:s20+$0x16700] =	vst v8;
	v8 =	vsub.f32 $0.0e+00, v13  }
0x21d: {  	v13 =	vadd.f32 v23, v5;
	v23 =	vsub.f32 $0.0e+00, v9  }
0x21e: {  	v20 =	vld [tilespmem:s20+$0x17B40];
	v8 =	vmul.f32 $1.442695020e+00, v8  }
0x21f: {  	(erf) = vpow2.f32 v11;
	v19 =	vld [tilespmem:s29+$0x17B20];
	v12 =	vadd.f32 v12, v21;
	v23 =	vmul.f32 $1.442695020e+00, v23;
	v11 =	vpop (erf)  }
0x220: {  	v25 =	vld [tilespmem:s29+$0x1A340];
	v13 =	vmax.f32 v13, $0.0e+00;
	(erf) = vpow2.f32 v8;
	v8 =	vadd.f32 $1.000000000e+00, v11  }
0x221: {  	v9 =	vmul.f32 v9, v2;
	v21 =	vld [tilespmem:s29+$0x1A350];
	[tilespmem:s20+$0x16710] =	vst v13;
	v13 =	vadd.f32 v14, v12;
	(erf) = vpow2.f32 v23  }
0x222: {  	v15 =	vld [tilespmem:s20+$0x17B50];
	(erf) = vrcp.f32 v8  }
0x223: {  	v10 =	vld [tilespmem:s20+$0x17B60];
	v9 =	vadd.f32 v9, v6;
	v14 =	vmul.f32 v13, v3  }
0x224: {  	v12 =	vld [tilespmem:s29+$0x17B40]  }
0x225: {  	v9 =	vmax.f32 v9, $0.0e+00;
	v11 =	vld [tilespmem:s29+$0x1A360];
	v14 =	vadd.f32 v14, v7  }
0x226: {  	[tilespmem:s20+$0x16720] =	vst v9;
	v23 =	vld [tilespmem:s20+$0x17B70]  }
0x227: {  	s30 =	simm.s32 $0x100;
	v9 =	vld [tilespmem:s29+$0x17B50];
	v13 =	vsub.f32 $0.0e+00, v13;
	v14 =	vmax.f32 v14, $0.0e+00  }
0x228: {  	v26 =	vld [tilespmem:s30+$0x13F30];
	[tilespmem:s29+$0x16730] =	vst v14;
	v14 =	vadd.f32 v22, v17;
	v17 =	vpop (erf)  }
0x229: {  	v8 =	vld [tilespmem:s29+$0x17B60];
	v13 =	vmul.f32 $1.442695020e+00, v13;
	v27 =	vpop (erf)  }
0x22a: {  	v22 =	vld [tilespmem:s30+$0x17B30];
	v17 =	vadd.f32 $1.000000000e+00, v17;
	v55 =	vpop (erf)  }
0x22b: {  	v16 =	vadd.f32 v16, v18;
	v28 =	vld [tilespmem:s30+$0x13F00];
	v14 =	vadd.f32 v25, v14;
	v30 =	vpop (erf);
	(erf) = vpow2.f32 v13  }
0x22c: {  	v29 =	vld [tilespmem:s30+$0x1A370];
	(erf) = vrcp.f32 v17  }
0x22d: {  	v16 =	vadd.f32 v21, v16;
	v31 =	vld [tilespmem:s30+$0x17B00];
	v13 =	vmul.f32 v14, v0;
	[tilespmem:s20+$0x1CB70] =	vst v30;
	v17 =	vmul.f32 v30, v23  }
0x22e: {  	v56 =	vadd.f32 $1.000000000e+00, v27;
	v14 =	vsub.f32 $0.0e+00, v14;
	v18 =	vld [tilespmem:s30+$0x13F10]  }
0x22f: {  	v13 =	vadd.f32 v13, v4;
	v21 =	vld [tilespmem:s30+$0x17B10];
	[tilespmem:s20+$0x1CB30] =	vst v17;
	v17 =	vadd.f32 v19, v24  }
0x230: {  	v14 =	vmul.f32 $1.442695020e+00, v14;
	v19 =	vmul.f32 v16, v1  }
0x231: {  	(erf) = vrcp.f32 v56;
	v13 =	vmax.f32 v13, $0.0e+00;
	v11 =	vadd.f32 v11, v17  }
0x232: {  	v16 =	vsub.f32 $0.0e+00, v16;
	v23 =	vld [tilespmem:s30+$0x13F20];
	[tilespmem:s29+$0x16700] =	vst v13;
	v13 =	vadd.f32 v19, v5  }
0x233: {  	v17 =	vld [tilespmem:s30+$0x17B20];
	v57 =	vsub.f32 $0.0e+00, v11;
	v11 =	vmul.f32 v11, v2  }
0x234: {  	v22 =	vadd.f32 v22, v26;
	v16 =	vmul.f32 $1.442695020e+00, v16;
	v19 =	vld [tilespmem:s30+$0x1A340];
	v13 =	vmax.f32 v13, $0.0e+00;
	v59 =	vpop (erf)  }
0x235: {  	(erf) = vpow2.f32 v14;
	v58 =	vld [tilespmem:s30+$0x1A350];
	[tilespmem:s29+$0x16710] =	vst v13;
	v13 =	vmul.f32 $1.442695020e+00, v57;
	v11 =	vadd.f32 v11, v6;
	v14 =	vpop (erf)  }
0x236: {  	v60 =	vld [tilespmem:s30+$0x1A360];
	(erf) = vpow2.f32 v16;
	[tilespmem:s20+$0x1CB40] =	vst v14;
	v14 =	vmul.f32 v14, v20;
	v20 =	vadd.f32 $1.000000000e+00, v55  }
0x237: {  	v16 =	vadd.f32 v29, v22;
	(erf) = vpow2.f32 v13  }
0x238: {  	v61 =	vadd.f32 $1.000000000e+00, v59;
	v11 =	vmax.f32 v11, $0.0e+00;
	(erf) = vrcp.f32 v20  }
0x239: {  	v62 =	vadd.f32 v31, v28;
	v13 =	vld [tilespmem:s30+$0x17B40];
	[tilespmem:s29+$0x16720] =	vst v11  }
0x23a: {  	v22 =	vmul.f32 v16, v3;
	v16 =	vsub.f32 $0.0e+00, v16;
	v11 =	vld [tilespmem:s30+$0x17B50];
	[tilespmem:s20+$0x1CB00] =	vst v14;
	v20 =	vpop (erf);
	(erf) = vrcp.f32 v61  }
0x23b: {  	v14 =	vld [tilespmem:s30+$0x17B60];
	v15 =	vmul.f32 v20, v15;
	[tilespmem:s20+$0x1CB50] =	vst v20;
	v20 =	vadd.f32 v21, v18  }
0x23c: {  	v19 =	vadd.f32 v19, v62;
	v16 =	vmul.f32 $1.442695020e+00, v16  }
0x23d: {  	v22 =	vadd.f32 v22, v7  }
0x23e: {  	s1 =	smul.u32 $0x50, s25;
	v17 =	vadd.f32 v17, v23;
	v21 =	vpop (erf);
	(erf) = vpow2.f32 v16  }
0x23f: {  	s11 =	simm.s32 $0x180;
	v63 =	vmax.f32 v22, $0.0e+00;
	v18 =	vld [tilespmem:s29+$0x17B70];
	v21 =	vadd.f32 $1.000000000e+00, v21;
	[tilespmem:s20+$0x1CB10] =	vst v15;
	v16 =	vadd.f32 v58, v20;
	v20 =	vpop (erf)  }
0x240: {  	s22 =	simm.s32 $0x800;
	s24 =	sadd.s32 s1, s19;
	v23 =	vsub.f32 $0.0e+00, v19;
	v17 =	vadd.f32 v60, v17;
	v22 =	vmul.f32 v19, v0;
	v15 =	vld [tilespmem:s11+$0x13F30];
	[tilespmem:s30+$0x16730] =	vst v63;
	v19 =	vpop (erf)  }
.LBB2_10:
0x241: {  	p1 =	sne.s32 s22, $0x4E00;
	v24 =	vld [tilespmem:s11+$0x17B30];
	v25 =	vsub.f32 $0.0e+00, v16;
	v29 =	vadd.f32 $1.000000000e+00, v20;
	(erf) = vrcp.f32 v21;
	v21 =	vpop (erf)  }
0x242: {  	v19 =	vadd.f32 $1.000000000e+00, v19;
	v26 =	vld [tilespmem:s11+$0x13F00];
	v23 =	vmul.f32 $1.442695020e+00, v23;
	v27 =	vsub.f32 $0.0e+00, v17;
	[tilespmem:s20+$0x1CB60] =	vst v21  }
0x243: {  	v22 =	vadd.f32 v22, v4;
	v28 =	vld [tilespmem:s11+$0x1A370];
	v25 =	vmul.f32 $1.442695020e+00, v25;
	(erf) = vrcp.f32 v29;
	v20 =	vpop (erf)  }
0x244: {  	v29 =	vld [tilespmem:s11+$0x17B00];
	v27 =	vmul.f32 $1.442695020e+00, v27;
	v18 =	vmul.f32 v20, v18;
	[tilespmem:s29+$0x1CB70] =	vst v20  }
0x245: {  	v16 =	vmul.f32 v16, v1;
	v30 =	vmax.f32 v22, $0.0e+00;
	v20 =	vld [tilespmem:s11+$0x13F10];
	(erf) = vpow2.f32 v23  }
0x246: {  	v17 =	vmul.f32 v17, v2;
	v23 =	vld [tilespmem:s11+$0x17B10];
	v15 =	vadd.f32 v24, v15;
	(erf) = vpow2.f32 v25;
	[tilespmem:s29+$0x1CB30] =	vst v18  }
0x247: {  	v21 =	vmul.f32 v21, v10;
	v18 =	vld [tilespmem:s11+$0x13F20];
	[tilespmem:s30+$0x16700] =	vst v30;
	v30 =	vadd.f32 v16, v5;
	(erf) = vpow2.f32 v27;
	v22 =	vpop (erf)  }
0x248: {  	v10 =	vmovc v8;
	v8 =	vmovc v14;
	v24 =	vld [tilespmem:s11+$0x17B20];
	v15 =	vadd.f32 v28, v15;
	v22 =	vadd.f32 $1.000000000e+00, v22;
	(erf) = vrcp.f32 v19  }
0x249: {  	v28 =	vadd.f32 v17, v6;
	v14 =	vadd.f32 v29, v26;
	v19 =	vld [tilespmem:s11+$0x1A340];
	v26 =	vmax.f32 v30, $0.0e+00;
	[tilespmem:s20+$0x1CB20] =	vst v21;
	s20 =	smov.u32 s29;
	s29 =	smov.u32 s30;
	s30 =	smov.u32 s11  }
0x24a: {  	v21 =	vld [tilespmem:s30+$0x1A350];
	v25 =	vmul.f32 v15, v3;
	v15 =	vsub.f32 $0.0e+00, v15;
	[tilespmem:s29+$0x16710] =	vst v26;
	(erf) = vrcp.f32 v22;
	v16 =	vpop (erf)  }
0x24b: {  	v20 =	vadd.f32 v23, v20;
	v26 =	vld [tilespmem:s30+$0x1A360];
	v23 =	vmax.f32 v28, $0.0e+00;
	v22 =	vmul.f32 v16, v12;
	[tilespmem:s20+$0x1CB40] =	vst v16;
	v12 =	vmovc v13  }
.Ltmp6:
0x24c: {  	v13 =	vld [tilespmem:s30+$0x17B40];
	v16 =	vadd.f32 v25, v7;
	v27 =	vmul.f32 $1.442695020e+00, v15;
	[tilespmem:s29+$0x16720] =	vst v23;
	v17 =	vpop (erf);
	(pc) =	sbr.rel @p1 .LBB2_10-.Ltmp6, $4  }
0x24d: {  	v24 =	vadd.f32 v24, v18;
	[tilespmem:s20+$0x1CB00] =	vst v22;
	v22 =	vmul.f32 v17, v9;
	v9 =	vmov v11;
	v11 =	vld [tilespmem:s30+$0x17B50]  }
0x24e: {  	v28 =	vadd.f32 v19, v14;
	v14 =	vld [tilespmem:s30+$0x17B60];
	v25 =	vmax.f32 v16, $0.0e+00;
	(erf) = vpow2.f32 v27;
	v15 =	vpop (erf);
	[tilespmem:s20+$0x1CB50] =	vst v17  }
0x24f: {  	s11 =	sshra.s32 s22, $0x2;
	v16 =	vadd.f32 v21, v20;
	v21 =	vadd.f32 $1.000000000e+00, v15;
	v18 =	vld [tilespmem:s29+$0x17B70];
	v20 =	vpop (erf);
	[tilespmem:s20+$0x1CB10] =	vst v22  }
0x250: {  	s22 =	sadd.s32 $0x200, s22;
	v15 =	vld [tilespmem:s11+$0x13F30];
	v22 =	vmul.f32 v28, v0;
	v23 =	vsub.f32 $0.0e+00, v28;
	v17 =	vadd.f32 v26, v24;
	[tilespmem:s30+$0x16730] =	vst v25;
	v19 =	vpop (erf)  }
0x251: {  	v24 =	vld [tilespmem:s11+$0x17B30];
	v25 =	vpop (erf)  }
0x252: {  	v26 =	vld [tilespmem:s11+$0x13F00];
	[tilespmem:s20+$0x1CB60] =	vst v25  }
0x253: {  	(erf) = vrcp.f32 v21;
	v27 =	vld [tilespmem:s11+$0x1A370];
	v28 =	vpop (erf)  }
0x254: {  	v21 =	vadd.f32 v22, v4;
	v29 =	vld [tilespmem:s11+$0x17B00];
	[tilespmem:s29+$0x1CB70] =	vst v28;
	v18 =	vmul.f32 v28, v18  }
0x255: {  	v30 =	vsub.f32 $0.0e+00, v16;
	v16 =	vmul.f32 v16, v1;
	v42 =	vld [tilespmem:s11+$0x13F10]  }
0x256: {  	v10 =	vmul.f32 v25, v10;
	v21 =	vmax.f32 v21, $0.0e+00;
	v22 =	vld [tilespmem:s11+$0x17B10];
	[tilespmem:s29+$0x1CB30] =	vst v18;
	v18 =	vadd.f32 $1.000000000e+00, v20  }
0x257: {  	v16 =	vadd.f32 v16, v5;
	v20 =	vmul.f32 $1.442695020e+00, v23;
	v23 =	vld [tilespmem:s11+$0x13F20];
	[tilespmem:s30+$0x16700] =	vst v21;
	v21 =	vsub.f32 $0.0e+00, v17  }
0x258: {  	v30 =	vmul.f32 $1.442695020e+00, v30;
	(erf) = vrcp.f32 v18  }
0x259: {  	v16 =	vmax.f32 v16, $0.0e+00;
	v18 =	vld [tilespmem:s11+$0x17B20];
	(erf) = vpow2.f32 v20;
	v21 =	vmul.f32 $1.442695020e+00, v21  }
0x25a: {  	v20 =	vld [tilespmem:s11+$0x1A340];
	[tilespmem:s20+$0x1CB20] =	vst v10;
	v10 =	vadd.f32 v24, v15;
	v15 =	vmul.f32 v17, v2;
	(erf) = vpow2.f32 v30  }
0x25b: {  	v19 =	vadd.f32 $1.000000000e+00, v19;
	v43 =	vpop (erf)  }
0x25c: {  	v17 =	vld [tilespmem:s11+$0x1A350];
	[tilespmem:s30+$0x16710] =	vst v16;
	v16 =	vpop (erf);
	(erf) = vpow2.f32 v21;
	v10 =	vadd.f32 v27, v10;
	v15 =	vadd.f32 v15, v6  }
0x25d: {  	v24 =	vadd.f32 $1.000000000e+00, v43;
	v12 =	vmul.f32 v16, v12;
	(erf) = vrcp.f32 v19  }
0x25e: {  	v19 =	vadd.f32 v29, v26;
	v44 =	vsub.f32 $0.0e+00, v10;
	v15 =	vmax.f32 v15, $0.0e+00  }
0x25f: {  	v21 =	vld [tilespmem:s11+$0x1A360];
	(erf) = vrcp.f32 v24  }
0x260: {  	v22 =	vadd.f32 v22, v42;
	[tilespmem:s29+$0x1CB40] =	vst v16;
	v19 =	vadd.f32 v20, v19;
	v20 =	vmul.f32 $1.442695020e+00, v44  }
0x261: {  	v45 =	vld [tilespmem:s11+$0x17B40];
	[tilespmem:s30+$0x16720] =	vst v15;
	v15 =	vpop (erf)  }
0x262: {  	v18 =	vadd.f32 v18, v23;
	v16 =	vld [tilespmem:s11+$0x17B50];
	[tilespmem:s29+$0x1CB00] =	vst v12;
	v17 =	vadd.f32 v17, v22;
	(erf) = vpow2.f32 v20;
	v12 =	vpop (erf)  }
0x263: {  	v10 =	vmul.f32 v10, v3;
	v22 =	vld [tilespmem:s11+$0x17B60];
	v46 =	vsub.f32 $0.0e+00, v19;
	[tilespmem:s29+$0x1CB50] =	vst v15;
	v12 =	vadd.f32 $1.000000000e+00, v12;
	v23 =	vpop (erf)  }
0x264: {  	v18 =	vadd.f32 v21, v18;
	v9 =	vmul.f32 v15, v9;
	v21 =	vld [tilespmem:s30+$0x17B70];
	v20 =	vadd.f32 $1.000000000e+00, v23  }
0x265: {  	v10 =	vadd.f32 v10, v7;
	(erf) = vrcp.f32 v12;
	v12 =	vmul.f32 $1.442695020e+00, v46  }
0x266: {  	v23 =	vsub.f32 $0.0e+00, v17;
	v15 =	vpop (erf);
	v17 =	vmul.f32 v17, v1;
	(erf) = vrcp.f32 v20  }
0x267: {  	v10 =	vmax.f32 v10, $0.0e+00;
	[tilespmem:s29+$0x1CB10] =	vst v9;
	(erf) = vpow2.f32 v12;
	v12 =	vmul.f32 v19, v0;
	v19 =	vpop (erf)  }
0x268: {  	[tilespmem:s11+$0x16730] =	vst v10;
	v20 =	vsub.f32 $0.0e+00, v18;
	v23 =	vmul.f32 $1.442695020e+00, v23;
	v9 =	vpop (erf)  }
0x269: {  	[tilespmem:s29+$0x1CB60] =	vst v19;
	v10 =	vadd.f32 v12, v4;
	v12 =	vmul.f32 v9, v21  }
0x26a: {  	v20 =	vmul.f32 $1.442695020e+00, v20;
	(erf) = vpow2.f32 v23;
	[tilespmem:s30+$0x1CB70] =	vst v9  }
0x26b: {  	v8 =	vmul.f32 v19, v8;
	v9 =	vmax.f32 v10, $0.0e+00;
	[tilespmem:s30+$0x1CB30] =	vst v12;
	v12 =	vadd.f32 v17, v5;
	v17 =	vpop (erf)  }
0x26c: {  	(erf) = vpow2.f32 v20;
	[tilespmem:s11+$0x16700] =	vst v9;
	v9 =	vadd.f32 $1.000000000e+00, v17  }
0x26d: {  	v15 =	vadd.f32 $1.000000000e+00, v15;
	v10 =	vmul.f32 v18, v2  }
0x26e: {  	v17 =	vpop (erf)  }
0x26f: {  	(erf) = vrcp.f32 v15;
	v10 =	vadd.f32 v10, v6;
	[tilespmem:s29+$0x1CB20] =	vst v8;
	v8 =	vpop (erf)  }
0x270: {  	(erf) = vrcp.f32 v9;
	v9 =	vpop (erf)  }
0x271: {  	v12 =	vmax.f32 v12, $0.0e+00;
	v10 =	vmax.f32 v10, $0.0e+00;
	v9 =	vadd.f32 $1.000000000e+00, v9  }
0x272: {  	[tilespmem:s11+$0x16710] =	vst v12  }
0x273: {  	v12 =	vmul.f32 v17, v13;
	[tilespmem:s30+$0x1CB40] =	vst v17  }
0x274: {  	[tilespmem:s11+$0x16720] =	vst v10;
	v10 =	vpop (erf)  }
0x275: {  	[tilespmem:s30+$0x1CB00] =	vst v12;
	v10 =	vadd.f32 $1.000000000e+00, v10;
	(erf) = vrcp.f32 v9;
	v9 =	vpop (erf)  }
0x276: {  	[tilespmem:s30+$0x1CB50] =	vst v8;
	v9 =	vadd.f32 $1.000000000e+00, v9  }
0x277: {  	v8 =	vmul.f32 v8, v11;
	v12 =	vld [tilespmem:s11+$0x17B70];
	(erf) = vrcp.f32 v10;
	_ =	sdelay $0x1  }
0x278: {  	(erf) = vrcp.f32 v9  }
0x279: {  	v9 =	vpop (erf)  }
0x27a: {  	[tilespmem:s30+$0x1CB10] =	vst v8;
	v8 =	vpop (erf)  }
0x27b: {  	[tilespmem:s30+$0x1CB60] =	vst v9;
	v10 =	vmul.f32 v8, v12  }
0x27c: {  	[tilespmem:s11+$0x1CB70] =	vst v8;
	v8 =	vmul.f32 v9, v14  }
0x27d: {  	v9 =	vpop (erf);
	[tilespmem:s11+$0x1CB30] =	vst v10  }
0x27e: {  	[tilespmem:s30+$0x1CB20] =	vst v8;
	v8 =	vmul.f32 v9, v45  }
0x27f: {  	[tilespmem:s11+$0x1CB40] =	vst v9;
	v9 =	vpop (erf)  }
0x280: {  	[tilespmem:s11+$0x1CB00] =	vst v8;
	v8 =	vmul.f32 v9, v16  }
0x281: {  	[tilespmem:s11+$0x1CB50] =	vst v9;
	v9 =	vpop (erf)  }
0x282: {  	s22 =	sadd.s32 s15, s1;
	[tilespmem:s11+$0x1CB10] =	vst v8;
	v8 =	vmul.f32 v9, v22  }
0x283: {  	s20 =	sshll.u32 s22, $0x4;
	[tilespmem:s11+$0x1CB60] =	vst v9  }
0x284: {  	p1 =	seq.s32 s25, $0x7C;
	s22 =	sadd.s32 s14, s20;
	[tilespmem:s11+$0x1CB20] =	vst v8  }
0x285: {  	[hbm4b:s22+s3] =	stream.linear.scatter [tilespmem:s18], [sflag:$0x7], $0x1400, $0x38;
	[tilespmem:$0x1F400] =	vst v63  }
0x286: {  	s20 =	simm.s32 $0x13E00;
	s11 =	sadd.s32 @!p1 s1, s31;
	s22 =	simm.s32 $0x1CB00  }
0x287: {  	[spmem:s2] =	stream.indirect.scatter.add.f32 [tilespmem:s22], [sflag:$0x5], $0x80, s20, s26, $0xb8;
	[tilespmem:$0x1F400] =	vst v63  }
0x288: {  	s20 =	sshrl.u32 @!p1 s11, $0x3  }
0x289: {  	s29 =	simm.s32 @!p1 $0x0;
	s30 =	simm.s32 @!p1 $0x13C00;
	s22 =	sadd.s32 @!p1 s6, s20  }
0x28a: {  	[tilespmem:s30], [sflag:$0x1] =	stream.linear.gather @!p1 [hbm4b:s22+s29], $0x28, $0x38;
	[tilespmem:$0x1F400] =	vst v63  }
0x28b: {  	s11 =	sshll.u32 @!p1 s11, $0x4;
	s20 =	sadd.s32 @!p1 s7, s20;
	s22 =	simm.s32 @!p1 $0x13D00  }
0x28c: {  	[tilespmem:s22], [sflag:$0x1] =	stream.linear.gather @!p1 [hbm4b:s20+s29], $0x28, $0x38;
	[tilespmem:$0x1F400] =	vst v63  }
0x28d: {  	s11 =	sadd.s32 @!p1 s5, s11;
	s20 =	simm.s32 @!p1 $0x13F00  }
0x28e: {  	[tilespmem:s20], [sflag:$0x1] =	stream.linear.gather @!p1 [hbm4b:s11+s29], $0x1400, $0x38;
	[tilespmem:$0x1F400] =	vst v63  }
0x28f: {  	s11 =	simm.s32 @!p1 $0x1  }
0x290: {  	_ =	swait.ge @!p1 [sflag:s11], $0x28  }
0x291: {  	[sflag:s11] =	ssyncset.done @!p1 $0x0  }
0x292: {  	[sflag:s11] =	ssyncadd.s32 @!p1 $0xFFFFFFD8  }
0x293: {  	_ =	swait.ge @!p1 [sflag:s11], $0x28  }
0x294: {  	[sflag:s11] =	ssyncset.done @!p1 $0x0  }
0x295: {  	[sflag:s11] =	ssyncadd.s32 @!p1 $0xFFFFFFD8  }
0x296: {  	_ =	swait.ge @!p1 [sflag:s11], $0x1400  }
0x297: {  	[sflag:s11] =	ssyncset.done @!p1 $0x0  }
0x298: {  	s20 =	simm.s32 @!p1 $0x17B00;
	[sflag:s11] =	ssyncadd.s32 @!p1 $0xFFFFEC00;
	s11 =	simm.s32 @!p1 $0x28  }
0x299: {  	[tilespmem:s20], [sflag:$0x3] =	stream.indirect.gather @!p1 [hbm4b:s9+s11], $0x80, s30, s11, $0xb8;
	[tilespmem:$0x1F400] =	vst v63  }
0x29a: {  	s20 =	simm.s32 @!p1 $0x1A300  }
0x29b: {  	[tilespmem:s20], [sflag:$0x3] =	stream.indirect.gather @!p1 [hbm4b:s10+s11], $0x80, s22, s11, $0xb8;
	[tilespmem:$0x1F400] =	vst v63  }
0x29c: {  	_ =	swait.ge [sflag:s12], $0x1400  }
0x29d: {  	[sflag:s12] =	ssyncset.done $0x0  }
0x29e: {  	[sflag:s12] =	ssyncadd.s32 $0xFFFFEC00  }
0x29f: {  	_ =	swait.ge [sflag:s12], $0x1400  }
0x2a0: {  	[sflag:s12] =	ssyncset.done $0x0  }
0x2a1: {  	s11 =	simm.s32 @!p0 $0x6;
	[sflag:s12] =	ssyncadd.s32 $0xFFFFEC00  }
0x2a2: {  	_ =	swait.ge @!p0 [sflag:s11], $0x1400  }
0x2a3: {  	[sflag:s11] =	ssyncset.done @!p0 $0x0  }
0x2a4: {  	[sflag:s11] =	ssyncadd.s32 @!p0 $0xFFFFEC00  }
0x2a5: {  	v8 =	vld [tilespmem:$0x13D80]  }
0x2a6: {  	v9 =	vld [tilespmem:$0x13D90]  }
0x2a7: {  	v10 =	vld [tilespmem:$0x13D98];
	_ =	sdelay $0x2  }
0x2a8: {  	[tilespmem:$0x13E80] =	vst v8  }
0x2a9: {  	[tilespmem:$0x13E90] =	vst v9  }
0x2aa: {  	[tilespmem:$0x13E98] =	vst v10  }
0x2ab: {  	_ =	swait.ge [sflag:s21], $0x1400  }
0x2ac: {  	[sflag:s21] =	ssyncset.done $0x0  }
0x2ad: {  	s20 =	simm.s32 $0x0;
	[sflag:s21] =	ssyncadd.s32 $0xFFFFEC00  }
0x2ae: {  	v8 =	vld [tilespmem:s20+$0x15330]  }
0x2af: {  	v9 =	vld [tilespmem:s20+$0x18F30];
	_ =	sdelay $0x1  }
0x2b0: {  	v10 =	vld [tilespmem:s20+$0x1B770];
	_ =	sdelay $0x2  }
0x2b1: {  	v11 =	vld [tilespmem:s20+$0x15300];
	v8 =	vadd.f32 v9, v8  }
0x2b2: {  	v12 =	vld [tilespmem:s20+$0x18F00]  }
0x2b3: {  	v13 =	vld [tilespmem:s20+$0x15310];
	v8 =	vadd.f32 v10, v8  }
0x2b4: {  	v14 =	vld [tilespmem:s20+$0x18F10]  }
0x2b5: {  	v17 =	vld [tilespmem:s20+$0x1B740];
	v10 =	vmul.f32 v8, v3  }
0x2b6: {  	v16 =	vld [tilespmem:s20+$0x18F20]  }
0x2b7: {  	v18 =	vld [tilespmem:s20+$0x1B750];
	v8 =	vsub.f32 $0.0e+00, v8;
	v21 =	vadd.f32 v10, v7  }
0x2b8: {  	v9 =	vld [tilespmem:s20+$0x15320];
	v11 =	vadd.f32 v12, v11  }
0x2b9: {  	s29 =	simm.s32 $0x80;
	v19 =	vld [tilespmem:s20+$0x1B760];
	v8 =	vmul.f32 $1.442695020e+00, v8;
	v12 =	vmax.f32 v21, $0.0e+00  }
0x2ba: {  	v11 =	vadd.f32 v17, v11;
	v21 =	vld [tilespmem:s29+$0x15330];
	[tilespmem:s20+$0x16730] =	vst v12  }
0x2bb: {  	v13 =	vadd.f32 v14, v13;
	(erf) = vpow2.f32 v8;
	v12 =	vld [tilespmem:s29+$0x18F30]  }
0x2bc: {  	v8 =	vmul.f32 v11, v0;
	v17 =	vld [tilespmem:s29+$0x15300]  }
0x2bd: {  	v13 =	vadd.f32 v18, v13;
	v9 =	vadd.f32 v16, v9;
	v14 =	vld [tilespmem:s29+$0x1B770]  }
0x2be: {  	v11 =	vsub.f32 $0.0e+00, v11;
	v22 =	vld [tilespmem:s29+$0x18F00];
	v8 =	vadd.f32 v8, v4  }
0x2bf: {  	v23 =	vmul.f32 v13, v1;
	v18 =	vld [tilespmem:s29+$0x15310]  }
0x2c0: {  	v9 =	vadd.f32 v19, v9;
	v16 =	vld [tilespmem:s29+$0x18F10];
	v11 =	vmul.f32 $1.442695020e+00, v11;
	v8 =	vmax.f32 v8, $0.0e+00  }
0x2c1: {  	v47 =	vld [tilespmem:s29+$0x15320];
	[tilespmem:s20+$0x16700] =	vst v8;
	v8 =	vsub.f32 $0.0e+00, v13  }
0x2c2: {  	v20 =	vld [tilespmem:s20+$0x18F40];
	v13 =	vadd.f32 v23, v5;
	v23 =	vsub.f32 $0.0e+00, v9  }
0x2c3: {  	v15 =	vld [tilespmem:s20+$0x18F50];
	(erf) = vpow2.f32 v11;
	v8 =	vmul.f32 $1.442695020e+00, v8  }
0x2c4: {  	v9 =	vmul.f32 v9, v2;
	v19 =	vld [tilespmem:s29+$0x18F20];
	v12 =	vadd.f32 v12, v21;
	v23 =	vmul.f32 $1.442695020e+00, v23;
	v11 =	vpop (erf)  }
0x2c5: {  	v48 =	vld [tilespmem:s29+$0x1B740];
	v13 =	vmax.f32 v13, $0.0e+00;
	(erf) = vpow2.f32 v8;
	v8 =	vadd.f32 $1.000000000e+00, v11  }
0x2c6: {  	v21 =	vld [tilespmem:s29+$0x1B750];
	[tilespmem:s20+$0x16710] =	vst v13;
	v13 =	vadd.f32 v14, v12;
	(erf) = vpow2.f32 v23  }
0x2c7: {  	v10 =	vld [tilespmem:s20+$0x18F60];
	v9 =	vadd.f32 v9, v6;
	(erf) = vrcp.f32 v8  }
0x2c8: {  	v12 =	vld [tilespmem:s29+$0x18F40];
	v14 =	vmul.f32 v13, v3  }
0x2c9: {  	v9 =	vmax.f32 v9, $0.0e+00;
	v11 =	vld [tilespmem:s29+$0x1B760]  }
0x2ca: {  	[tilespmem:s20+$0x16720] =	vst v9;
	v23 =	vld [tilespmem:s20+$0x18F70];
	v14 =	vadd.f32 v14, v7  }
0x2cb: {  	s30 =	simm.s32 $0x100;
	v9 =	vld [tilespmem:s29+$0x18F50];
	v13 =	vsub.f32 $0.0e+00, v13  }
0x2cc: {  	v49 =	vld [tilespmem:s30+$0x15330];
	v14 =	vmax.f32 v14, $0.0e+00  }
0x2cd: {  	v8 =	vld [tilespmem:s29+$0x18F60];
	v13 =	vmul.f32 $1.442695020e+00, v13;
	[tilespmem:s29+$0x16730] =	vst v14;
	v14 =	vadd.f32 v22, v17;
	v17 =	vpop (erf)  }
0x2ce: {  	v22 =	vld [tilespmem:s30+$0x18F30];
	v17 =	vadd.f32 $1.000000000e+00, v17;
	v50 =	vpop (erf)  }
0x2cf: {  	v16 =	vadd.f32 v16, v18;
	v51 =	vld [tilespmem:s30+$0x15300];
	v14 =	vadd.f32 v48, v14;
	v52 =	vpop (erf);
	(erf) = vpow2.f32 v13  }
0x2d0: {  	v53 =	vld [tilespmem:s30+$0x1B770];
	v54 =	vpop (erf);
	(erf) = vrcp.f32 v17  }
0x2d1: {  	v16 =	vadd.f32 v21, v16;
	v31 =	vld [tilespmem:s30+$0x18F00];
	v13 =	vmul.f32 v14, v0;
	[tilespmem:s20+$0x1DF70] =	vst v54;
	v17 =	vmul.f32 v54, v23  }
0x2d2: {  	v55 =	vadd.f32 $1.000000000e+00, v50;
	v14 =	vsub.f32 $0.0e+00, v14;
	v18 =	vld [tilespmem:s30+$0x15310]  }
0x2d3: {  	v13 =	vadd.f32 v13, v4;
	v21 =	vld [tilespmem:s30+$0x18F10];
	[tilespmem:s20+$0x1DF30] =	vst v17;
	v17 =	vadd.f32 v19, v47  }
0x2d4: {  	v14 =	vmul.f32 $1.442695020e+00, v14;
	v19 =	vmul.f32 v16, v1  }
0x2d5: {  	(erf) = vrcp.f32 v55;
	v13 =	vmax.f32 v13, $0.0e+00;
	v11 =	vadd.f32 v11, v17  }
0x2d6: {  	v16 =	vsub.f32 $0.0e+00, v16;
	v23 =	vld [tilespmem:s30+$0x15320];
	[tilespmem:s29+$0x16700] =	vst v13;
	v13 =	vadd.f32 v19, v5  }
0x2d7: {  	v17 =	vld [tilespmem:s30+$0x18F20];
	v56 =	vsub.f32 $0.0e+00, v11  }
0x2d8: {  	(erf) = vpow2.f32 v14;
	v19 =	vld [tilespmem:s30+$0x1B740];
	v16 =	vmul.f32 $1.442695020e+00, v16;
	v13 =	vmax.f32 v13, $0.0e+00;
	v58 =	vpop (erf)  }
0x2d9: {  	v22 =	vadd.f32 v22, v49;
	v57 =	vld [tilespmem:s30+$0x1B750];
	v11 =	vmul.f32 v11, v2;
	[tilespmem:s29+$0x16710] =	vst v13;
	v13 =	vmul.f32 $1.442695020e+00, v56;
	v14 =	vpop (erf)  }
0x2da: {  	(erf) = vpow2.f32 v16;
	v59 =	vld [tilespmem:s30+$0x1B760];
	[tilespmem:s20+$0x1DF40] =	vst v14;
	v14 =	vmul.f32 v14, v20;
	v20 =	vadd.f32 $1.000000000e+00, v52  }
0x2db: {  	v16 =	vadd.f32 v53, v22;
	(erf) = vpow2.f32 v13  }
0x2dc: {  	v60 =	vadd.f32 $1.000000000e+00, v58;
	v11 =	vadd.f32 v11, v6;
	(erf) = vrcp.f32 v20  }
0x2dd: {  	v61 =	vadd.f32 v31, v51;
	v22 =	vmul.f32 v16, v3  }
0x2de: {  	v16 =	vsub.f32 $0.0e+00, v16;
	v11 =	vmax.f32 v11, $0.0e+00;
	v20 =	vpop (erf);
	(erf) = vrcp.f32 v60  }
0x2df: {  	v13 =	vld [tilespmem:s30+$0x18F40];
	[tilespmem:s29+$0x16720] =	vst v11  }
0x2e0: {  	v19 =	vadd.f32 v19, v61;
	v16 =	vmul.f32 $1.442695020e+00, v16;
	v11 =	vld [tilespmem:s30+$0x18F50];
	[tilespmem:s20+$0x1DF00] =	vst v14  }
0x2e1: {  	v22 =	vadd.f32 v22, v7;
	v14 =	vld [tilespmem:s30+$0x18F60];
	v15 =	vmul.f32 v20, v15;
	[tilespmem:s20+$0x1DF50] =	vst v20;
	v20 =	vadd.f32 v21, v18  }
0x2e2: {  	v62 =	vadd.f32 v17, v23;
	v21 =	vpop (erf);
	(erf) = vpow2.f32 v16  }
0x2e3: {  	s11 =	simm.s32 $0x180;
	v63 =	vmax.f32 v22, $0.0e+00;
	v18 =	vld [tilespmem:s29+$0x18F70];
	v23 =	vpop (erf);
	[tilespmem:s20+$0x1DF10] =	vst v15;
	v17 =	vadd.f32 v57, v20;
	v20 =	vadd.f32 $1.000000000e+00, v21  }
0x2e4: {  	s22 =	simm.s32 $0x800;
	v22 =	vsub.f32 $0.0e+00, v19;
	v16 =	vadd.f32 v59, v62;
	v21 =	vmul.f32 v19, v0;
	v15 =	vld [tilespmem:s11+$0x15330];
	[tilespmem:s30+$0x16730] =	vst v63;
	v19 =	vpop (erf)  }
.LBB2_12:
0x2e5: {  	p0 =	sne.s32 s22, $0x4E00;
	v24 =	vld [tilespmem:s11+$0x18F30];
	v25 =	vsub.f32 $0.0e+00, v17;
	v29 =	vadd.f32 $1.000000000e+00, v23;
	(erf) = vrcp.f32 v20;
	v20 =	vpop (erf)  }
0x2e6: {  	v19 =	vadd.f32 $1.000000000e+00, v19;
	v26 =	vld [tilespmem:s11+$0x15300];
	v22 =	vmul.f32 $1.442695020e+00, v22;
	v27 =	vsub.f32 $0.0e+00, v16;
	[tilespmem:s20+$0x1DF60] =	vst v20  }
0x2e7: {  	v21 =	vadd.f32 v21, v4;
	v28 =	vld [tilespmem:s11+$0x1B770];
	v25 =	vmul.f32 $1.442695020e+00, v25;
	(erf) = vrcp.f32 v29;
	v23 =	vpop (erf)  }
0x2e8: {  	v29 =	vld [tilespmem:s11+$0x18F00];
	v27 =	vmul.f32 $1.442695020e+00, v27;
	v18 =	vmul.f32 v23, v18;
	[tilespmem:s29+$0x1DF70] =	vst v23  }
0x2e9: {  	v17 =	vmul.f32 v17, v1;
	v30 =	vmax.f32 v21, $0.0e+00;
	v23 =	vld [tilespmem:s11+$0x15310];
	(erf) = vpow2.f32 v22  }
0x2ea: {  	v16 =	vmul.f32 v16, v2;
	v22 =	vld [tilespmem:s11+$0x18F10];
	v15 =	vadd.f32 v24, v15;
	(erf) = vpow2.f32 v25;
	[tilespmem:s29+$0x1DF30] =	vst v18  }
0x2eb: {  	v20 =	vmul.f32 v20, v10;
	v18 =	vld [tilespmem:s11+$0x15320];
	[tilespmem:s30+$0x16700] =	vst v30;
	v30 =	vadd.f32 v17, v5;
	(erf) = vpow2.f32 v27;
	v21 =	vpop (erf)  }
0x2ec: {  	v10 =	vmovc v8;
	v8 =	vmovc v14;
	v24 =	vld [tilespmem:s11+$0x18F20];
	v15 =	vadd.f32 v28, v15;
	v21 =	vadd.f32 $1.000000000e+00, v21;
	(erf) = vrcp.f32 v19  }
0x2ed: {  	v28 =	vadd.f32 v16, v6;
	v14 =	vadd.f32 v29, v26;
	v19 =	vld [tilespmem:s11+$0x1B740];
	v26 =	vmax.f32 v30, $0.0e+00;
	[tilespmem:s20+$0x1DF20] =	vst v20;
	s20 =	smov.u32 s29;
	s29 =	smov.u32 s30;
	s30 =	smov.u32 s11  }
0x2ee: {  	v20 =	vld [tilespmem:s30+$0x1B750];
	v25 =	vmul.f32 v15, v3;
	v15 =	vsub.f32 $0.0e+00, v15;
	[tilespmem:s29+$0x16710] =	vst v26;
	(erf) = vrcp.f32 v21;
	v17 =	vpop (erf)  }
0x2ef: {  	v21 =	vadd.f32 v22, v23;
	v26 =	vld [tilespmem:s30+$0x1B760];
	v23 =	vmax.f32 v28, $0.0e+00;
	v22 =	vmul.f32 v17, v12;
	[tilespmem:s20+$0x1DF40] =	vst v17;
	v12 =	vmovc v13  }
.Ltmp7:
0x2f0: {  	v13 =	vld [tilespmem:s30+$0x18F40];
	v17 =	vadd.f32 v25, v7;
	v27 =	vmul.f32 $1.442695020e+00, v15;
	[tilespmem:s29+$0x16720] =	vst v23;
	v16 =	vpop (erf);
	(pc) =	sbr.rel @p0 .LBB2_12-.Ltmp7, $4  }
0x2f1: {  	v24 =	vadd.f32 v24, v18;
	[tilespmem:s20+$0x1DF00] =	vst v22;
	v22 =	vmul.f32 v16, v9;
	v9 =	vmov v11;
	v11 =	vld [tilespmem:s30+$0x18F50]  }
0x2f2: {  	v28 =	vadd.f32 v19, v14;
	v14 =	vld [tilespmem:s30+$0x18F60];
	v25 =	vmax.f32 v17, $0.0e+00;
	(erf) = vpow2.f32 v27;
	v15 =	vpop (erf);
	[tilespmem:s20+$0x1DF50] =	vst v16  }
0x2f3: {  	s11 =	sshra.s32 s22, $0x2;
	v17 =	vadd.f32 v20, v21;
	v20 =	vadd.f32 $1.000000000e+00, v15;
	v18 =	vld [tilespmem:s29+$0x18F70];
	v23 =	vpop (erf);
	[tilespmem:s20+$0x1DF10] =	vst v22  }
0x2f4: {  	s22 =	sadd.s32 $0x200, s22;
	v15 =	vld [tilespmem:s11+$0x15330];
	v21 =	vmul.f32 v28, v0;
	v22 =	vsub.f32 $0.0e+00, v28;
	v16 =	vadd.f32 v26, v24;
	[tilespmem:s30+$0x16730] =	vst v25;
	v19 =	vpop (erf)  }
0x2f5: {  	v24 =	vld [tilespmem:s11+$0x18F30];
	v25 =	vpop (erf)  }
0x2f6: {  	v26 =	vld [tilespmem:s11+$0x15300];
	[tilespmem:s20+$0x1DF60] =	vst v25  }
0x2f7: {  	v27 =	vld [tilespmem:s11+$0x1B770];
	v28 =	vpop (erf)  }
0x2f8: {  	v23 =	vadd.f32 $1.000000000e+00, v23;
	v47 =	vsub.f32 $0.0e+00, v17;
	v29 =	vld [tilespmem:s11+$0x18F00];
	[tilespmem:s29+$0x1DF70] =	vst v28;
	v18 =	vmul.f32 v28, v18  }
0x2f9: {  	(erf) = vrcp.f32 v20;
	v45 =	vadd.f32 v21, v4;
	v22 =	vmul.f32 $1.442695020e+00, v22;
	v44 =	vld [tilespmem:s11+$0x15310]  }
0x2fa: {  	(erf) = vrcp.f32 v23;
	v46 =	vld [tilespmem:s11+$0x18F10];
	[tilespmem:s29+$0x1DF30] =	vst v18;
	v18 =	vmul.f32 $1.442695020e+00, v47  }
0x2fb: {  	v49 =	vmul.f32 v17, v1;
	v20 =	vmax.f32 v45, $0.0e+00;
	(erf) = vpow2.f32 v22  }
0x2fc: {  	v50 =	vsub.f32 $0.0e+00, v16;
	v10 =	vmul.f32 v25, v10;
	v48 =	vld [tilespmem:s11+$0x15320];
	[tilespmem:s30+$0x16700] =	vst v20;
	(erf) = vpow2.f32 v18  }
0x2fd: {  	v54 =	vmul.f32 v16, v2;
	v17 =	vadd.f32 v49, v5;
	v51 =	vld [tilespmem:s11+$0x18F20]  }
0x2fe: {  	v53 =	vadd.f32 v24, v15;
	v20 =	vmul.f32 $1.442695020e+00, v50;
	v52 =	vld [tilespmem:s11+$0x1B740];
	[tilespmem:s20+$0x1DF20] =	vst v10  }
0x2ff: {  	v55 =	vmax.f32 v17, $0.0e+00;
	v15 =	vadd.f32 v54, v6;
	v56 =	vld [tilespmem:s11+$0x1B750]  }
0x300: {  	v57 =	vadd.f32 $1.000000000e+00, v19;
	v58 =	vpop (erf);
	v10 =	vadd.f32 v27, v53;
	[tilespmem:s30+$0x16710] =	vst v55;
	(erf) = vpow2.f32 v20  }
0x301: {  	v19 =	vadd.f32 $1.000000000e+00, v58;
	v61 =	vadd.f32 v29, v26;
	v15 =	vmax.f32 v15, $0.0e+00;
	v60 =	vld [tilespmem:s11+$0x1B760]  }
0x302: {  	v59 =	vpop (erf);
	(erf) = vrcp.f32 v57;
	v62 =	vsub.f32 $0.0e+00, v10;
	v29 =	vadd.f32 v46, v44  }
0x303: {  	[tilespmem:s29+$0x1DF40] =	vst v59;
	(erf) = vrcp.f32 v19;
	v12 =	vmul.f32 v59, v12;
	v30 =	vpop (erf);
	v18 =	vadd.f32 v52, v61  }
0x304: {  	v63 =	vld [tilespmem:s11+$0x18F40];
	[tilespmem:s30+$0x16720] =	vst v15;
	v32 =	vmul.f32 $1.442695020e+00, v62;
	v33 =	vadd.f32 v51, v48;
	v34 =	vpop (erf);
	v17 =	vadd.f32 v56, v29  }
0x305: {  	v10 =	vmul.f32 v10, v3;
	v31 =	vld [tilespmem:s11+$0x18F50];
	[tilespmem:s29+$0x1DF00] =	vst v12;
	v12 =	vadd.f32 $1.000000000e+00, v34;
	v37 =	vsub.f32 $0.0e+00, v18;
	v36 =	vpop (erf)  }
0x306: {  	(erf) = vpow2.f32 v32;
	v20 =	vadd.f32 v60, v33;
	v38 =	vadd.f32 $1.000000000e+00, v36  }
0x307: {  	v35 =	vld [tilespmem:s11+$0x18F60];
	[tilespmem:s29+$0x1DF50] =	vst v30;
	v40 =	vsub.f32 $0.0e+00, v17;
	(erf) = vrcp.f32 v12;
	v41 =	vmul.f32 $1.442695020e+00, v37  }
0x308: {  	v10 =	vadd.f32 v10, v7;
	v9 =	vmul.f32 v30, v9;
	v39 =	vld [tilespmem:s30+$0x18F70];
	(erf) = vrcp.f32 v38  }
0x309: {  	v43 =	vsub.f32 $0.0e+00, v20;
	v42 =	vpop (erf);
	v23 =	vmul.f32 $1.442695020e+00, v40;
	(erf) = vpow2.f32 v41  }
0x30a: {  	v44 =	vmul.f32 v18, v0  }
0x30b: {  	v10 =	vmax.f32 v10, $0.0e+00;
	[tilespmem:s29+$0x1DF10] =	vst v9;
	v45 =	vpop (erf);
	v21 =	vmul.f32 $1.442695020e+00, v43;
	(erf) = vpow2.f32 v23  }
0x30c: {  	[tilespmem:s11+$0x16730] =	vst v10;
	v17 =	vmul.f32 v17, v1;
	v46 =	vpop (erf);
	v8 =	vmul.f32 v45, v8  }
0x30d: {  	v47 =	vadd.f32 v44, v4;
	[tilespmem:s29+$0x1DF60] =	vst v45;
	v48 =	vmul.f32 v46, v39;
	(erf) = vpow2.f32 v21  }
0x30e: {  	v50 =	vmul.f32 v20, v2;
	[tilespmem:s30+$0x1DF70] =	vst v46  }
0x30f: {  	v51 =	vadd.f32 v17, v5;
	v15 =	vadd.f32 $1.000000000e+00, v42;
	v49 =	vmax.f32 v47, $0.0e+00;
	[tilespmem:s30+$0x1DF30] =	vst v48;
	v52 =	vpop (erf)  }
0x310: {  	[tilespmem:s11+$0x16700] =	vst v49;
	v53 =	vadd.f32 $1.000000000e+00, v52;
	v54 =	vpop (erf)  }
0x311: {  	v10 =	vadd.f32 v50, v6;
	v12 =	vmax.f32 v51, $0.0e+00;
	(erf) = vrcp.f32 v15;
	[tilespmem:s29+$0x1DF20] =	vst v8;
	v8 =	vpop (erf)  }
0x312: {  	[tilespmem:s11+$0x16710] =	vst v12;
	(erf) = vrcp.f32 v53;
	v55 =	vpop (erf)  }
0x313: {  	v10 =	vmax.f32 v10, $0.0e+00;
	v56 =	vmul.f32 v54, v13;
	[tilespmem:s30+$0x1DF40] =	vst v54;
	v9 =	vadd.f32 $1.000000000e+00, v55  }
0x314: {  	[tilespmem:s11+$0x16720] =	vst v10;
	v57 =	vpop (erf)  }
0x315: {  	[tilespmem:s30+$0x1DF00] =	vst v56;
	v10 =	vadd.f32 $1.000000000e+00, v57;
	(erf) = vrcp.f32 v9  }
0x316: {  	[tilespmem:s30+$0x1DF50] =	vst v8;
	v58 =	vpop (erf)  }
0x317: {  	v8 =	vmul.f32 v8, v11;
	v12 =	vld [tilespmem:s11+$0x18F70];
	v9 =	vadd.f32 $1.000000000e+00, v58;
	(erf) = vrcp.f32 v10;
	_ =	sdelay $0x1  }
0x318: {  	(erf) = vrcp.f32 v9  }
0x319: {  	v59 =	vpop (erf)  }
0x31a: {  	[tilespmem:s30+$0x1DF10] =	vst v8;
	v8 =	vpop (erf)  }
0x31b: {  	[tilespmem:s30+$0x1DF60] =	vst v59;
	v60 =	vmul.f32 v8, v12  }
0x31c: {  	[tilespmem:s11+$0x1DF70] =	vst v8;
	v8 =	vmul.f32 v59, v14  }
0x31d: {  	[tilespmem:s11+$0x1DF30] =	vst v60;
	v61 =	vpop (erf)  }
0x31e: {  	[tilespmem:s30+$0x1DF20] =	vst v8;
	v8 =	vmul.f32 v61, v63  }
0x31f: {  	[tilespmem:s11+$0x1DF40] =	vst v61;
	v62 =	vpop (erf)  }
0x320: {  	[tilespmem:s11+$0x1DF00] =	vst v8;
	v8 =	vmul.f32 v62, v31  }
0x321: {  	[tilespmem:s11+$0x1DF50] =	vst v62;
	v63 =	vpop (erf)  }
0x322: {  	[tilespmem:s11+$0x1DF10] =	vst v8;
	v8 =	vmul.f32 v63, v35  }
.Ltmp8:
0x323: {  	s24 =	sshll.u32 s24, $0x4;
	[tilespmem:s11+$0x1DF60] =	vst v63;
	(pc) =	sbr.rel @p1 .LBB2_15-.Ltmp8, $4  }
0x324: {  	s29 =	sadd.s32 s14, s24;
	[tilespmem:s11+$0x1DF20] =	vst v8  }
0x325: {  	[hbm4b:s29+s3] =	stream.linear.scatter [tilespmem:s18], [sflag:$0x7], $0x1400, $0x38;
	[tilespmem:$0x1F400] =	vst v63  }
0x326: {  	s30 =	simm.s32 $0x13E80  }
0x327: {  	[spmem:s2] =	stream.indirect.scatter.add.f32 [tilespmem:s4], [sflag:$0x6], $0x80, s30, s26, $0xb8;
	[tilespmem:$0x1F400] =	vst v63  }
0x328: {  	s1 =	sadd.s32 s1, s0  }
0x329: {  	s11 =	sshrl.u32 s1, $0x3  }
0x32a: {  	s20 =	sadd.s32 s6, s11  }
0x32b: {  	[tilespmem:s16], [sflag:$0x2] =	stream.linear.gather [hbm4b:s20+s3], $0x28, $0x38;
	[tilespmem:$0x1F400] =	vst v63  }
.Ltmp9:
0x32c: {  	_ = 	snop;
	(pc) =	sbr.rel .LBB2_9-.Ltmp9, $4  }
0x32d: {  	s1 =	sshll.u32 s1, $0x4;
	s11 =	sadd.s32 s7, s11  }
0x32e: {  	[tilespmem:s23], [sflag:$0x2] =	stream.linear.gather [hbm4b:s11+s3], $0x28, $0x38;
	[tilespmem:$0x1F400] =	vst v63  }
0x32f: {  	s30 =	simm.s32 $0x15300;
	s25 =	sadd.s32 $0x1, s25;
	s1 =	sadd.s32 s5, s1  }
0x330: {  	[tilespmem:s30], [sflag:$0x2] =	stream.linear.gather [hbm4b:s1+s3], $0x1400, $0x38;
	[tilespmem:$0x1F400] =	vst v63  }
.LBB2_16:
0x331: {  	_ =	sfence.sel $0x180000  }
0x332: {  	[bflag:$0x0] =	sbarrier.arrive $0xFFFF  }
0x333: {  	_ =	strace $0x90000047  }
0x334: {  	s0 =	stileid.u32;
	[bflag:$0x2] =	sbarrier.arrive $0xFFFF  }
0x335: {  	p0 =	sne.s32 s0, $0x0;
	s0 =	rddreg [dreg:$0x3]  }
0x336: {  	s0 =	sadd.s32 @!p0 $0x100000, s0  }
0x337: {  	[sflag:s0] =	ssyncadd.tile.s32 @!p0 $0x1;
	_ =	shalt  }
.Lfunc_end2:
_tile_overlayer_lowered:
.L_overlay_start_2:
0x338: {  	(tag) =	ssettag $0x2  }
0x339: {  	s0 =	rddreg [dreg:$0x0];
	s2 =	stileid.u32  }
0x33a: {  	s1 =	rddreg [dreg:$0x1];
	p0 =	sne.s32 s2, $0x0  }
0x33b: {  	s3 =	rddreg [dreg:$0x2];
	[bflag:$0x3] =	sbarrier.arrive $0xFFFF;
	s2 =	simm.s32 @!p0 $0x1C08  }
0x33c: {  	[timem:s3], [sflag:s2] =	dma.local @!p0 [hbm:s0], s1  }
0x33d: {  	s0 =	simm.s32 @!p0 $0x8  }
0x33e: {  	_ =	swait.ge @!p0 [sflag:s0], s1  }
0x33f: {  	s1 =	ssub.s32 @!p0 $0x0, s1;
	[sflag:s0] =	ssyncset.done @!p0 $0x0  }
0x340: {  	[sflag:s0] =	ssyncadd.s32 @!p0 s1  }
0x341: {  	[bflag:$0x3] =	sbarrier.arrive $0xFFFF  }
0x342: {  	_ =	shalt  }

</sc_bundles>
